<compile_context>
chip_gen: v7x
topology: tpu7x:2x2x1
jax: 0.10.2.dev20260603
libtpu: 0.0.44.dev20260713+nightly
codegen_flags: <defaults>
</compile_context>

<pallas_src>
import functools

import jax
import jax.numpy as jnp
from jax import lax
from jax.experimental import pallas as pl
from jax.experimental.pallas import tpu as pltpu
from jax.experimental.pallas import tpu_sc as plsc

N = 50000
E = 800000
H = 64
G = 128
EPS = 1e-5

NC = 2
NS = 16
NW = NC * NS
CW = 128
NCHUNK = (E + CW - 1) // CW
NCHUNK_PAD = ((NCHUNK + NW * 8 - 1) // (NW * 8)) * (NW * 8)
EP = NCHUNK_PAD * CW
DEG_CPT = NCHUNK_PAD // NW
SP_CPT = NCHUNK_PAD // NS
NR = 50048
RPT = 3128
RPT_LAST = N - (NS - 1) * RPT
HF = H // 2
GC = 40

_MESH = plsc.VectorSubcoreMesh(core_axis_name="c", subcore_axis_name="s",
                               num_cores=NC, num_subcores=NS)


def _deg_body(dst_hbm, hist_out, didx, hist):
    cid = lax.axis_index("c")
    sid = lax.axis_index("s")
    wid = sid * NC + cid
    pltpu.sync_copy(dst_hbm.at[pl.ds(wid * DEG_CPT, DEG_CPT)], didx)
    zero16 = jnp.zeros((16,), jnp.float32)

    def zbody(i, c):
        hist[pl.ds(i * 16, 16)] = zero16
        return c

    lax.fori_loop(0, NR // 16, zbody, 0)
    one16 = jnp.ones((16,), jnp.float32)

    def ebody(j, c):
        def ibody(k, c2):
            idx16 = didx[j, pl.ds(k * 16, 16)]
            plsc.addupdate_scatter(hist, [idx16], one16)
            return c2

        return lax.fori_loop(0, CW // 16, ibody, c)

    lax.fori_loop(0, DEG_CPT, ebody, 0)
    pltpu.sync_copy(hist, hist_out.at[wid])


_SC_PARAMS = pltpu.CompilerParams(needs_layout_passes=False,
                                  use_tc_tiling_on_sc=False)

_deg_call = pl.kernel(
    _deg_body,
    out_type=jax.ShapeDtypeStruct((NW, NR), jnp.float32),
    mesh=_MESH,
    compiler_params=_SC_PARAMS,
    scratch_types=[
        pltpu.VMEM((DEG_CPT, CW), jnp.int32),
        pltpu.VMEM((NR,), jnp.float32),
    ],
)


def _spmm_body(u_hbm, src_hbm, dst_hbm, s_out, sidx, didx, rows, acc,
               gsem0, gsem1):
    cid = lax.axis_index("c")
    sid = lax.axis_index("s")
    rb = sid * RPT
    table = u_hbm.at[cid]

    @pl.when(sid < NS - 1)
    def _():
        pltpu.sync_copy(table.at[pl.ds(rb, RPT)], acc.at[pl.ds(rb, RPT)])

    @pl.when(sid == NS - 1)
    def _():
        pltpu.sync_copy(table.at[pl.ds(rb, RPT_LAST)],
                        acc.at[pl.ds(rb, RPT_LAST)])

    plsc.subcore_barrier()

    def gbody(g, c):
        gb = sid * SP_CPT + g * GC
        pltpu.sync_copy(src_hbm.at[pl.ds(gb, GC)], sidx)
        pltpu.sync_copy(dst_hbm.at[pl.ds(gb, GC)], didx)
        pltpu.async_copy(table.at[sidx.at[0]], rows.at[0], gsem0)

        def body2(t, c2):
            j0 = 2 * t
            j1 = j0 + 1
            pltpu.async_copy(table.at[sidx.at[j1]], rows.at[1], gsem1)
            pltpu.make_async_copy(table.at[sidx.at[j0]], rows.at[0],
                                  gsem0).wait()
            pltpu.sync_copy(rows.at[0], acc.at[didx.at[j0]], add=True)

            @pl.when(t < GC // 2 - 1)
            def _():
                pltpu.async_copy(table.at[sidx.at[j0 + 2]], rows.at[0], gsem0)

            pltpu.make_async_copy(table.at[sidx.at[j1]], rows.at[1],
                                  gsem1).wait()
            pltpu.sync_copy(rows.at[1], acc.at[didx.at[j1]], add=True)
            return c2

        return lax.fori_loop(0, GC // 2, body2, c)

    lax.fori_loop(0, SP_CPT // GC, gbody, 0)
    plsc.subcore_barrier()

    @pl.when(sid < NS - 1)
    def _():
        pltpu.sync_copy(acc.at[pl.ds(rb, RPT)], s_out.at[cid, pl.ds(rb, RPT)])

    @pl.when(sid == NS - 1)
    def _():
        pltpu.sync_copy(acc.at[pl.ds(rb, RPT_LAST)],
                        s_out.at[cid, pl.ds(rb, RPT_LAST)])


_spmm_call = pl.kernel(
    _spmm_body,
    out_type=jax.ShapeDtypeStruct((NC, N, HF), jnp.float32),
    mesh=_MESH,
    compiler_params=_SC_PARAMS,
    scratch_types=[
        pltpu.VMEM((GC, CW), jnp.int32),
        pltpu.VMEM((GC, CW), jnp.int32),
        pltpu.VMEM((2, CW, HF), jnp.float32),
        pltpu.VMEM_SHARED((NR, HF), jnp.float32),
        pltpu.SemaphoreType.DMA,
        pltpu.SemaphoreType.DMA,
    ],
)


def _dinv_body(hist_ref, out_ref):
    s = jnp.sum(hist_ref[...], axis=0)
    out_ref[...] = lax.rsqrt(s[:N] + 1.0)[:, None]


_dinv_call = pl.pallas_call(
    _dinv_body,
    out_shape=jax.ShapeDtypeStruct((N, 1), jnp.float32),
)

R = 2000
NB = N // R


def _pre_body(x_ref, w_ref, dinv_ref, u_ref):
    z = jnp.dot(x_ref[...], w_ref[...], preferred_element_type=jnp.float32)
    u = dinv_ref[...] * z
    u_ref[0, :, :] = u[:, :HF]
    u_ref[1, :, :] = u[:, HF:]


_pre_call = pl.pallas_call(
    _pre_body,
    grid=(NB,),
    in_specs=[
        pl.BlockSpec((R, 10), lambda i: (i, 0)),
        pl.BlockSpec((10, H), lambda i: (0, 0)),
        pl.BlockSpec((R, 1), lambda i: (i, 0)),
    ],
    out_specs=pl.BlockSpec((NC, R, HF), lambda i: (0, i, 0)),
    out_shape=jax.ShapeDtypeStruct((NC, N, HF), jnp.float32),
)


def _mid_body(s_ref, dinv_ref, b_ref, w_ref, u_ref):
    dinv = dinv_ref[...]
    h0 = jnp.maximum(dinv * s_ref[0, :, :] + b_ref[0, :HF], 0.0)
    h1 = jnp.maximum(dinv * s_ref[1, :, :] + b_ref[0, HF:], 0.0)
    z = jnp.dot(h0, w_ref[:HF, :], preferred_element_type=jnp.float32)
    z = z + jnp.dot(h1, w_ref[HF:, :], preferred_element_type=jnp.float32)
    u = dinv * z
    u_ref[0, :, :] = u[:, :HF]
    u_ref[1, :, :] = u[:, HF:]


_mid_call = pl.pallas_call(
    _mid_body,
    grid=(NB,),
    in_specs=[
        pl.BlockSpec((NC, R, HF), lambda i: (0, i, 0)),
        pl.BlockSpec((R, 1), lambda i: (i, 0)),
        pl.BlockSpec((1, H), lambda i: (0, 0)),
        pl.BlockSpec((H, H), lambda i: (0, 0)),
    ],
    out_specs=pl.BlockSpec((NC, R, HF), lambda i: (0, i, 0)),
    out_shape=jax.ShapeDtypeStruct((NC, N, HF), jnp.float32),
)


def _final_body(s_ref, dinv_ref, b_ref, batch_ref, wl_ref, bl_ref, wl2_ref,
                bl2_ref, out_ref, pooled, counts):
    i = pl.program_id(0)

    @pl.when(i == 0)
    def _():
        pooled[...] = jnp.zeros_like(pooled)
        counts[...] = jnp.zeros_like(counts)

    dinv = dinv_ref[...]
    h = dinv * jnp.concatenate([s_ref[0, :, :], s_ref[1, :, :]], axis=1)
    h = h + b_ref[...]
    oh = (batch_ref[...] == lax.broadcasted_iota(jnp.int32, (R, G), 1))
    oh = oh.astype(jnp.float32)
    dn = (((0,), (0,)), ((), ()))
    hp = lax.Precision.HIGHEST
    pooled[...] += lax.dot_general(oh, h, dn, precision=hp,
                                   preferred_element_type=jnp.float32)
    counts[...] += lax.dot_general(oh, jnp.ones((R, 1), jnp.float32), dn,
                                   precision=hp,
                                   preferred_element_type=jnp.float32)

    @pl.when(i == NB - 1)
    def _():
        g = pooled[...] / jnp.maximum(counts[...], 1.0)
        y = jnp.dot(g, wl_ref[...], preferred_element_type=jnp.float32)
        y = y + bl_ref[...]
        mu = jnp.mean(y, axis=0, keepdims=True)
        var = jnp.mean((y - mu) ** 2, axis=0, keepdims=True)
        yr = jnp.maximum((y - mu) * lax.rsqrt(var + EPS), 0.0)
        out_ref[...] = (jnp.dot(yr, wl2_ref[...],
                                preferred_element_type=jnp.float32)
                        + bl2_ref[...])


_final_call = pl.pallas_call(
    _final_body,
    grid=(NB,),
    in_specs=[
        pl.BlockSpec((NC, R, HF), lambda i: (0, i, 0)),
        pl.BlockSpec((R, 1), lambda i: (i, 0)),
        pl.BlockSpec((1, H), lambda i: (0, 0)),
        pl.BlockSpec((R, 1), lambda i: (i, 0)),
        pl.BlockSpec((H, 256), lambda i: (0, 0)),
        pl.BlockSpec((1, 256), lambda i: (0, 0)),
        pl.BlockSpec((256, 2), lambda i: (0, 0)),
        pl.BlockSpec((1, 2), lambda i: (0, 0)),
    ],
    out_specs=pl.BlockSpec((G, 2), lambda i: (0, 0)),
    out_shape=jax.ShapeDtypeStruct((G, 2), jnp.float32),
    scratch_shapes=[
        pltpu.VMEM((G, H), jnp.float32),
        pltpu.VMEM((G, 1), jnp.float32),
    ],
)


def kernel(x, edge_index, edge_weight, batch, W1, b1, W2, b2, W3, b3, W4, b4,
           Wl, bl, Wl2, bl2):
    ei = edge_index.astype(jnp.int32)
    src = ei[0]
    dst = ei[1]
    pad = EP - E
    src_p = jnp.concatenate([src, jnp.zeros((pad,), jnp.int32)])
    src_p = src_p.reshape(NCHUNK_PAD, CW)
    dst_p = jnp.concatenate([dst, jnp.full((pad,), N, jnp.int32)])
    dst_p = dst_p.reshape(NCHUNK_PAD, CW)
    batch2 = batch.astype(jnp.int32).reshape(N, 1)

    hist = _deg_call(dst_p)
    dinv = _dinv_call(hist)
    u = _pre_call(x, W1, dinv)
    for b_l, W_next in ((b1, W2), (b2, W3), (b3, W4)):
        s = _spmm_call(u, src_p, dst_p)
        u = _mid_call(s, dinv, b_l.reshape(1, H), W_next)
    s = _spmm_call(u, src_p, dst_p)
    return _final_call(s, dinv, b4.reshape(1, H), batch2, Wl,
                       bl.reshape(1, 256), Wl2, bl2.reshape(1, 2))

# --- scband reference (transcript-rebuilt; emitter-appended) ---
"""Pipeline reference for scband-gnn-59785944760328 (READ-ONLY COPY).

The authoritative reference and input builder live on the scoring server;
editing this copy changes nothing except your own understanding.
"""

import jax, jax.numpy as jnp
import numpy as np

N = 50000
E = 800000
H = 64
G = 128
EPS = 1e-5


def gcn_conv(x, edge_index, W, b):
    # x' = D^{-1/2} (A + I) D^{-1/2} (x @ W) + b  (PyG GCNConv with add_self_loops)
    h = x @ W
    src = edge_index[0]
    dst = edge_index[1]
    loop = jnp.arange(N, dtype=edge_index.dtype)
    src2 = jnp.concatenate([src, loop])
    dst2 = jnp.concatenate([dst, loop])
    deg = jnp.zeros((N,), dtype=h.dtype).at[dst2].add(1.0)
    dinv = jax.lax.rsqrt(jnp.maximum(deg, 1.0))
    norm = dinv[src2] * dinv[dst2]
    out = jnp.zeros((N, W.shape[1]), dtype=h.dtype).at[dst2].add(norm[:, None] * h[src2])
    return out + b


def global_mean_pool(x, batch):
    sums = jax.ops.segment_sum(x, batch, num_segments=G)
    cnts = jax.ops.segment_sum(jnp.ones((x.shape[0],), dtype=x.dtype), batch, num_segments=G)
    return sums / jnp.maximum(cnts, 1.0)[:, None]


def batch_norm_train(x):
    # fresh torch.nn.BatchNorm1d(256) in train mode: batch stats, biased var, gamma=1, beta=0
    mu = jnp.mean(x, axis=0)
    var = jnp.mean((x - mu) ** 2, axis=0)
    return (x - mu) * jax.lax.rsqrt(var + EPS)


def setup_inputs(seed: int = 0) -> dict:
    key = jax.random.key(seed)
    ks = jax.random.split(key, 20)
    x = jax.random.normal(ks[0], (N, 10), dtype=jnp.float32)
    edge_index = jax.random.randint(ks[1], (2, E), 0, N, dtype=jnp.int64)
    edge_weight = jax.random.uniform(ks[2], (E,), dtype=jnp.float32)
    batch = jnp.sort(jax.random.randint(ks[3], (N,), 0, G, dtype=jnp.int64))
    s = 0.05
    W1 = jax.random.normal(ks[4], (10, H), dtype=jnp.float32) * s
    b1 = jnp.zeros((H,), dtype=jnp.float32)
    W2 = jax.random.normal(ks[5], (H, H), dtype=jnp.float32) * s
    b2 = jnp.zeros((H,), dtype=jnp.float32)
    W3 = jax.random.normal(ks[6], (H, H), dtype=jnp.float32) * s
    b3 = jnp.zeros((H,), dtype=jnp.float32)
    W4 = jax.random.normal(ks[7], (H, H), dtype=jnp.float32) * s
    b4 = jnp.zeros((H,), dtype=jnp.float32)
    Wl = jax.random.normal(ks[8], (H, 256), dtype=jnp.float32) * s
    bl = jnp.zeros((256,), dtype=jnp.float32)
    Wl2 = jax.random.normal(ks[9], (256, 2), dtype=jnp.float32) * s
    bl2 = jnp.zeros((2,), dtype=jnp.float32)
    return {"x": x, "edge_index": edge_index, "edge_weight": edge_weight, "batch": batch,
            "W1": W1, "b1": b1, "W2": W2, "b2": b2, "W3": W3, "b3": b3, "W4": W4, "b4": b4,
            "Wl": Wl, "bl": bl, "Wl2": Wl2, "bl2": bl2}


def reference(x, edge_index, edge_weight, batch, W1, b1, W2, b2, W3, b3, W4, b4, Wl, bl, Wl2, bl2):
    # edge_weight is accepted but unused by the original forward
    h = jax.nn.relu(gcn_conv(x, edge_index, W1, b1))
    h = jax.nn.relu(gcn_conv(h, edge_index, W2, b2))
    h = jax.nn.relu(gcn_conv(h, edge_index, W3, b3))
    h = gcn_conv(h, edge_index, W4, b4)
    h = global_mean_pool(h, batch)
    h = h @ Wl + bl
    h = batch_norm_train(h)
    h = jax.nn.relu(h)
    out = h @ Wl2 + bl2
    return out

if __name__ == "__main__":
    import jax
    _d = setup_inputs()
    print(jax.jit(kernel)(*tuple(_d.values())))

</pallas_src>

<mosaic_0001>
#map = affine_map<(d0, d1) -> (0, 0)>
module attributes {stable_mosaic.version = 14 : i64} {
  func.func @_deg_body(%arg0: i32, %arg1: i32, %arg2: memref<6400x128xi32, #tpu.memory_space<hbm>>, %arg3: memref<32x50048xf32, #tpu.memory_space<hbm>>, %arg4: memref<200x128xi32, #tpu.memory_space<vmem>>, %arg5: memref<50048xf32, #tpu.memory_space<vmem>>) attributes {dimension_semantics = [#tpu.dimension_semantics<core_parallel>, #tpu.dimension_semantics<subcore_parallel>], iteration_bounds = array<i64: 2, 16>, scalar_prefetch = 0 : i64, scratch_operands = 2 : i64, tpu.core_type = #tpu.core_type<sc_vector_subcore>, window_params = [{transform_indices = #map}, {transform_indices = #map}]} {
    %mul3A = arith.constant 2 : i32
    %mul3A_0 = arith.muli %arg1, %mul3A : i32
    %add3A = arith.addi %mul3A_0, %arg0 : i32
    %mul3A_1 = arith.constant 200 : i32
    %mul3A_2 = arith.muli %add3A, %mul3A_1 : i32
    "tpu.region"() ({
      %run_scoped3A = tpu.sem_alloc : memref<!tpu.dma_semaphore, #tpu.memory_space<semaphore_mem>>
      %dma_start3A = arith.constant 0 : i32
      %dma_start3A_17 = tpu.memref_slice %arg2[%mul3A_2, %dma_start3A] : memref<6400x128xi32, #tpu.memory_space<hbm>> -> memref<200x128xi32, #tpu.memory_space<hbm>>
      %dma_start3A_18 = arith.constant 0 : i32
      %dma_start3A_19 = tpu.memref_slice %arg2[%mul3A_2, %dma_start3A_18] : memref<6400x128xi32, #tpu.memory_space<hbm>> -> memref<200x128xi32, #tpu.memory_space<hbm>>
      tpu.enqueue_dma source(%dma_start3A_19 : memref<200x128xi32, #tpu.memory_space<hbm>>) target(%arg4 : memref<200x128xi32, #tpu.memory_space<vmem>>) target_semaphore(%run_scoped3A : memref<!tpu.dma_semaphore, #tpu.memory_space<semaphore_mem>>)
      %dma_wait3A = arith.constant 0 : i32
      %dma_wait3A_20 = tpu.memref_slice %arg2[%mul3A_2, %dma_wait3A] : memref<6400x128xi32, #tpu.memory_space<hbm>> -> memref<200x128xi32, #tpu.memory_space<hbm>>
      %dma_wait3A_21 = arith.constant 0 : i32
      %dma_wait3A_22 = tpu.memref_slice %arg2[%mul3A_2, %dma_wait3A_21] : memref<6400x128xi32, #tpu.memory_space<hbm>> -> memref<200x128xi32, #tpu.memory_space<hbm>>
      tpu.wait_dma2 semaphore(%run_scoped3A : memref<!tpu.dma_semaphore, #tpu.memory_space<semaphore_mem>>) src(%dma_wait3A_22 : memref<200x128xi32, #tpu.memory_space<hbm>>) dst(%arg4 : memref<200x128xi32, #tpu.memory_space<vmem>>)
      tpu.yield
    }) : () -> ()
    %broadcast_in_dim3A = arith.constant 0.000000e+00 : f32
    %broadcast_in_dim3A_3 = vector.broadcast %broadcast_in_dim3A : f32 to vector<16xf32>
    %scan3A = arith.constant 0 : i32
    %scan3A_4 = arith.constant 0 : i32
    %scan3A_5 = arith.constant 3128 : i32
    %scan3A_6 = arith.addi %scan3A_4, %scan3A_5 : i32
    %scan3A_7 = arith.constant 1 : i32
    scf.for %scan3A_17 = %scan3A_4 to %scan3A_6 step %scan3A_7  : i32 {
      %mul3A_18 = arith.constant 16 : i32
      %mul3A_19 = arith.muli %scan3A_17, %mul3A_18 : i32
      %swap3A = arith.index_cast %mul3A_19 : i32 to index
      %swap3A_20 = tpu.vector_load %arg5[%swap3A] {strides = array<i32>} : memref<50048xf32, #tpu.memory_space<vmem>>, vector<16xf32>,
      tpu.vector_store %arg5[%swap3A], %broadcast_in_dim3A_3 {strides = array<i32>} : memref<50048xf32, #tpu.memory_space<vmem>>, vector<16xf32>,
    }
    %scan3A_8 = arith.constant 3128 : i32
    %broadcast_in_dim3A_9 = arith.constant 1.000000e+00 : f32
    %broadcast_in_dim3A_10 = vector.broadcast %broadcast_in_dim3A_9 : f32 to vector<16xf32>
    %scan3A_11 = arith.constant 0 : i32
    %scan3A_12 = arith.constant 0 : i32
    %scan3A_13 = arith.constant 200 : i32
    %scan3A_14 = arith.addi %scan3A_12, %scan3A_13 : i32
    %scan3A_15 = arith.constant 1 : i32
    scf.for %scan3A_17 = %scan3A_12 to %scan3A_14 step %scan3A_15  : i32 {
      %scan3A_18 = arith.constant 0 : i32
      %scan3A_19 = arith.constant 8 : i32
      %scan3A_20 = arith.addi %scan3A_18, %scan3A_19 : i32
      %scan3A_21 = arith.constant 1 : i32
      scf.for %scan3A_23 = %scan3A_18 to %scan3A_20 step %scan3A_21  : i32 {
        %mul3A_24 = arith.constant 16 : i32
        %mul3A_25 = arith.muli %scan3A_23, %mul3A_24 : i32
        %get3A = arith.index_cast %scan3A_17 : i32 to index
        %get3A_26 = arith.index_cast %mul3A_25 : i32 to index
        %get3A_27 = tpu.vector_load %arg4[%get3A, %get3A_26] {strides = array<i32>} : memref<200x128xi32, #tpu.memory_space<vmem>>, vector<16xi32>,
        tpu.vector_store_idx %arg5[%get3A_27], %broadcast_in_dim3A_10 {add = true} : memref<50048xf32, #tpu.memory_space<vmem>>[vector<16xi32>], vector<16xf32>,
      }
      %scan3A_22 = arith.constant 8 : i32
    }
    %scan3A_16 = arith.constant 200 : i32
    "tpu.region"() ({
      %run_scoped3A = tpu.sem_alloc : memref<!tpu.dma_semaphore, #tpu.memory_space<semaphore_mem>>
      %dma_start3A = arith.constant 0 : i32
      %dma_start3A_17 = tpu.memref_slice %arg3[%add3A, %dma_start3A] : memref<32x50048xf32, #tpu.memory_space<hbm>> -> memref<1x50048xf32, #tpu.memory_space<hbm>>
      %dma_start3A_18 = tpu.memref_squeeze %dma_start3A_17 : memref<1x50048xf32, #tpu.memory_space<hbm>> -> memref<50048xf32, #tpu.memory_space<hbm>>
      %dma_start3A_19 = arith.constant 0 : i32
      %dma_start3A_20 = tpu.memref_slice %arg3[%add3A, %dma_start3A_19] : memref<32x50048xf32, #tpu.memory_space<hbm>> -> memref<1x50048xf32, #tpu.memory_space<hbm>>
      %dma_start3A_21 = tpu.memref_squeeze %dma_start3A_20 : memref<1x50048xf32, #tpu.memory_space<hbm>> -> memref<50048xf32, #tpu.memory_space<hbm>>
      tpu.enqueue_dma source(%arg5 : memref<50048xf32, #tpu.memory_space<vmem>>) target(%dma_start3A_21 : memref<50048xf32, #tpu.memory_space<hbm>>) target_semaphore(%run_scoped3A : memref<!tpu.dma_semaphore, #tpu.memory_space<semaphore_mem>>)
      %dma_wait3A = arith.constant 0 : i32
      %dma_wait3A_22 = tpu.memref_slice %arg3[%add3A, %dma_wait3A] : memref<32x50048xf32, #tpu.memory_space<hbm>> -> memref<1x50048xf32, #tpu.memory_space<hbm>>
      %dma_wait3A_23 = tpu.memref_squeeze %dma_wait3A_22 : memref<1x50048xf32, #tpu.memory_space<hbm>> -> memref<50048xf32, #tpu.memory_space<hbm>>
      %dma_wait3A_24 = arith.constant 0 : i32
      %dma_wait3A_25 = tpu.memref_slice %arg3[%add3A, %dma_wait3A_24] : memref<32x50048xf32, #tpu.memory_space<hbm>> -> memref<1x50048xf32, #tpu.memory_space<hbm>>
      %dma_wait3A_26 = tpu.memref_squeeze %dma_wait3A_25 : memref<1x50048xf32, #tpu.memory_space<hbm>> -> memref<50048xf32, #tpu.memory_space<hbm>>
      tpu.wait_dma2 semaphore(%run_scoped3A : memref<!tpu.dma_semaphore, #tpu.memory_space<semaphore_mem>>) src(%arg5 : memref<50048xf32, #tpu.memory_space<vmem>>) dst(%dma_wait3A_26 : memref<50048xf32, #tpu.memory_space<hbm>>)
      tpu.yield
    }) : () -> ()
    return
  }
}

#map = affine_map<(d0, d1) -> (0, 0, 0)>
#map1 = affine_map<(d0, d1) -> (0, 0)>
module attributes {stable_mosaic.version = 14 : i64} {
  func.func @_spmm_body(%arg0: i32, %arg1: i32, %arg2: memref<2x50000x32xf32, #tpu.memory_space<hbm>>, %arg3: memref<6400x128xi32, #tpu.memory_space<hbm>>, %arg4: memref<6400x128xi32, #tpu.memory_space<hbm>>, %arg5: memref<2x50000x32xf32, #tpu.memory_space<hbm>>, %arg6: memref<40x128xi32, #tpu.memory_space<vmem>>, %arg7: memref<40x128xi32, #tpu.memory_space<vmem>>, %arg8: memref<2x128x32xf32, #tpu.memory_space<vmem>>, %arg9: memref<50048x32xf32, #tpu.memory_space<vmem_shared>>, %arg10: memref<!tpu.dma_semaphore, #tpu.memory_space<semaphore_mem>>, %arg11: memref<!tpu.dma_semaphore, #tpu.memory_space<semaphore_mem>>) attributes {dimension_semantics = [#tpu.dimension_semantics<core_parallel>, #tpu.dimension_semantics<subcore_parallel>], iteration_bounds = array<i64: 2, 16>, scalar_prefetch = 0 : i64, scratch_operands = 6 : i64, tpu.core_type = #tpu.core_type<sc_vector_subcore>, window_params = [{transform_indices = #map}, {transform_indices = #map1}, {transform_indices = #map1}, {transform_indices = #map}]} {
    %mul3A = arith.constant 3128 : i32
    %mul3A_0 = arith.muli %arg1, %mul3A : i32
    %lt3A = arith.constant 15 : i32
    %lt3A_1 = arith.cmpi slt, %arg1, %lt3A : i32
    %convert_element_type3A = arith.extui %lt3A_1 : i1 to i32
    %cond3A = arith.constant 0 : i32
    %cond3A_2 = arith.cmpi ne, %convert_element_type3A, %cond3A : i32
    scf.if %cond3A_2 {
      "tpu.region"() ({
        %run_scoped3A = tpu.sem_alloc : memref<!tpu.dma_semaphore, #tpu.memory_space<semaphore_mem>>
        %dma_start3A = arith.constant 0 : i32
        %dma_start3A_23 = tpu.memref_slice %arg9[%mul3A_0, %dma_start3A] : memref<50048x32xf32, #tpu.memory_space<vmem_shared>> -> memref<3128x32xf32, #tpu.memory_space<vmem_shared>>
        %dma_start3A_24 = arith.constant 0 : i32
        %dma_start3A_25 = arith.constant 0 : i32
        %dma_start3A_26 = tpu.memref_slice %arg2[%arg0, %dma_start3A_24, %dma_start3A_25] : memref<2x50000x32xf32, #tpu.memory_space<hbm>> -> memref<1x50000x32xf32, #tpu.memory_space<hbm>>
        %dma_start3A_27 = tpu.memref_squeeze %dma_start3A_26 : memref<1x50000x32xf32, #tpu.memory_space<hbm>> -> memref<50000x32xf32, #tpu.memory_space<hbm>>
        %dma_start3A_28 = arith.constant 0 : i32
        %dma_start3A_29 = tpu.memref_slice %dma_start3A_27[%mul3A_0, %dma_start3A_28] : memref<50000x32xf32, #tpu.memory_space<hbm>> -> memref<3128x32xf32, #tpu.memory_space<hbm>>
        tpu.enqueue_dma source(%dma_start3A_29 : memref<3128x32xf32, #tpu.memory_space<hbm>>) target(%dma_start3A_23 : memref<3128x32xf32, #tpu.memory_space<vmem_shared>>) target_semaphore(%run_scoped3A : memref<!tpu.dma_semaphore, #tpu.memory_space<semaphore_mem>>)
        %dma_wait3A = arith.constant 0 : i32
        %dma_wait3A_30 = tpu.memref_slice %arg9[%mul3A_0, %dma_wait3A] : memref<50048x32xf32, #tpu.memory_space<vmem_shared>> -> memref<3128x32xf32, #tpu.memory_space<vmem_shared>>
        %dma_wait3A_31 = arith.constant 0 : i32
        %dma_wait3A_32 = arith.constant 0 : i32
        %dma_wait3A_33 = tpu.memref_slice %arg2[%arg0, %dma_wait3A_31, %dma_wait3A_32] : memref<2x50000x32xf32, #tpu.memory_space<hbm>> -> memref<1x50000x32xf32, #tpu.memory_space<hbm>>
        %dma_wait3A_34 = tpu.memref_squeeze %dma_wait3A_33 : memref<1x50000x32xf32, #tpu.memory_space<hbm>> -> memref<50000x32xf32, #tpu.memory_space<hbm>>
        %dma_wait3A_35 = arith.constant 0 : i32
        %dma_wait3A_36 = tpu.memref_slice %dma_wait3A_34[%mul3A_0, %dma_wait3A_35] : memref<50000x32xf32, #tpu.memory_space<hbm>> -> memref<3128x32xf32, #tpu.memory_space<hbm>>
        tpu.wait_dma2 semaphore(%run_scoped3A : memref<!tpu.dma_semaphore, #tpu.memory_space<semaphore_mem>>) src(%dma_wait3A_36 : memref<3128x32xf32, #tpu.memory_space<hbm>>) dst(%dma_wait3A_30 : memref<3128x32xf32, #tpu.memory_space<vmem_shared>>)
        tpu.yield
      }) : () -> ()
    } else {
    }
    %eq3A = arith.constant 15 : i32
    %eq3A_3 = arith.cmpi eq, %arg1, %eq3A : i32
    %convert_element_type3A_4 = arith.extui %eq3A_3 : i1 to i32
    %cond3A_5 = arith.constant 0 : i32
    %cond3A_6 = arith.cmpi ne, %convert_element_type3A_4, %cond3A_5 : i32
    scf.if %cond3A_6 {
      "tpu.region"() ({
        %run_scoped3A = tpu.sem_alloc : memref<!tpu.dma_semaphore, #tpu.memory_space<semaphore_mem>>
        %dma_start3A = arith.constant 0 : i32
        %dma_start3A_23 = tpu.memref_slice %arg9[%mul3A_0, %dma_start3A] : memref<50048x32xf32, #tpu.memory_space<vmem_shared>> -> memref<3080x32xf32, #tpu.memory_space<vmem_shared>>
        %dma_start3A_24 = arith.constant 0 : i32
        %dma_start3A_25 = arith.constant 0 : i32
        %dma_start3A_26 = tpu.memref_slice %arg2[%arg0, %dma_start3A_24, %dma_start3A_25] : memref<2x50000x32xf32, #tpu.memory_space<hbm>> -> memref<1x50000x32xf32, #tpu.memory_space<hbm>>
        %dma_start3A_27 = tpu.memref_squeeze %dma_start3A_26 : memref<1x50000x32xf32, #tpu.memory_space<hbm>> -> memref<50000x32xf32, #tpu.memory_space<hbm>>
        %dma_start3A_28 = arith.constant 0 : i32
        %dma_start3A_29 = tpu.memref_slice %dma_start3A_27[%mul3A_0, %dma_start3A_28] : memref<50000x32xf32, #tpu.memory_space<hbm>> -> memref<3080x32xf32, #tpu.memory_space<hbm>>
        tpu.enqueue_dma source(%dma_start3A_29 : memref<3080x32xf32, #tpu.memory_space<hbm>>) target(%dma_start3A_23 : memref<3080x32xf32, #tpu.memory_space<vmem_shared>>) target_semaphore(%run_scoped3A : memref<!tpu.dma_semaphore, #tpu.memory_space<semaphore_mem>>)
        %dma_wait3A = arith.constant 0 : i32
        %dma_wait3A_30 = tpu.memref_slice %arg9[%mul3A_0, %dma_wait3A] : memref<50048x32xf32, #tpu.memory_space<vmem_shared>> -> memref<3080x32xf32, #tpu.memory_space<vmem_shared>>
        %dma_wait3A_31 = arith.constant 0 : i32
        %dma_wait3A_32 = arith.constant 0 : i32
        %dma_wait3A_33 = tpu.memref_slice %arg2[%arg0, %dma_wait3A_31, %dma_wait3A_32] : memref<2x50000x32xf32, #tpu.memory_space<hbm>> -> memref<1x50000x32xf32, #tpu.memory_space<hbm>>
        %dma_wait3A_34 = tpu.memref_squeeze %dma_wait3A_33 : memref<1x50000x32xf32, #tpu.memory_space<hbm>> -> memref<50000x32xf32, #tpu.memory_space<hbm>>
        %dma_wait3A_35 = arith.constant 0 : i32
        %dma_wait3A_36 = tpu.memref_slice %dma_wait3A_34[%mul3A_0, %dma_wait3A_35] : memref<50000x32xf32, #tpu.memory_space<hbm>> -> memref<3080x32xf32, #tpu.memory_space<hbm>>
        tpu.wait_dma2 semaphore(%run_scoped3A : memref<!tpu.dma_semaphore, #tpu.memory_space<semaphore_mem>>) src(%dma_wait3A_36 : memref<3080x32xf32, #tpu.memory_space<hbm>>) dst(%dma_wait3A_30 : memref<3080x32xf32, #tpu.memory_space<vmem_shared>>)
        tpu.yield
      }) : () -> ()
    } else {
    }
    %barrier3A = arith.constant 0 : index
    tpu.barrier barrier_id(%barrier3A)
    %scan3A = arith.constant 0 : i32
    %scan3A_7 = arith.constant 0 : i32
    %scan3A_8 = arith.constant 10 : i32
    %scan3A_9 = arith.addi %scan3A_7, %scan3A_8 : i32
    %scan3A_10 = arith.constant 1 : i32
    scf.for %scan3A_23 = %scan3A_7 to %scan3A_9 step %scan3A_10  : i32 {
      %mul3A_24 = arith.constant 400 : i32
      %mul3A_25 = arith.muli %arg1, %mul3A_24 : i32
      %mul3A_26 = arith.constant 40 : i32
      %mul3A_27 = arith.muli %scan3A_23, %mul3A_26 : i32
      %add3A = arith.addi %mul3A_25, %mul3A_27 : i32
      "tpu.region"() ({
        %run_scoped3A = tpu.sem_alloc : memref<!tpu.dma_semaphore, #tpu.memory_space<semaphore_mem>>
        %dma_start3A_48 = arith.constant 0 : i32
        %dma_start3A_49 = tpu.memref_slice %arg3[%add3A, %dma_start3A_48] : memref<6400x128xi32, #tpu.memory_space<hbm>> -> memref<40x128xi32, #tpu.memory_space<hbm>>
        %dma_start3A_50 = arith.constant 0 : i32
        %dma_start3A_51 = tpu.memref_slice %arg3[%add3A, %dma_start3A_50] : memref<6400x128xi32, #tpu.memory_space<hbm>> -> memref<40x128xi32, #tpu.memory_space<hbm>>
        tpu.enqueue_dma source(%dma_start3A_51 : memref<40x128xi32, #tpu.memory_space<hbm>>) target(%arg6 : memref<40x128xi32, #tpu.memory_space<vmem>>) target_semaphore(%run_scoped3A : memref<!tpu.dma_semaphore, #tpu.memory_space<semaphore_mem>>)
        %dma_wait3A = arith.constant 0 : i32
        %dma_wait3A_52 = tpu.memref_slice %arg3[%add3A, %dma_wait3A] : memref<6400x128xi32, #tpu.memory_space<hbm>> -> memref<40x128xi32, #tpu.memory_space<hbm>>
        %dma_wait3A_53 = arith.constant 0 : i32
        %dma_wait3A_54 = tpu.memref_slice %arg3[%add3A, %dma_wait3A_53] : memref<6400x128xi32, #tpu.memory_space<hbm>> -> memref<40x128xi32, #tpu.memory_space<hbm>>
        tpu.wait_dma2 semaphore(%run_scoped3A : memref<!tpu.dma_semaphore, #tpu.memory_space<semaphore_mem>>) src(%dma_wait3A_54 : memref<40x128xi32, #tpu.memory_space<hbm>>) dst(%arg6 : memref<40x128xi32, #tpu.memory_space<vmem>>)
        tpu.yield
      }) : () -> ()
      "tpu.region"() ({
        %run_scoped3A = tpu.sem_alloc : memref<!tpu.dma_semaphore, #tpu.memory_space<semaphore_mem>>
        %dma_start3A_48 = arith.constant 0 : i32
        %dma_start3A_49 = tpu.memref_slice %arg4[%add3A, %dma_start3A_48] : memref<6400x128xi32, #tpu.memory_space<hbm>> -> memref<40x128xi32, #tpu.memory_space<hbm>>
        %dma_start3A_50 = arith.constant 0 : i32
        %dma_start3A_51 = tpu.memref_slice %arg4[%add3A, %dma_start3A_50] : memref<6400x128xi32, #tpu.memory_space<hbm>> -> memref<40x128xi32, #tpu.memory_space<hbm>>
        tpu.enqueue_dma source(%dma_start3A_51 : memref<40x128xi32, #tpu.memory_space<hbm>>) target(%arg7 : memref<40x128xi32, #tpu.memory_space<vmem>>) target_semaphore(%run_scoped3A : memref<!tpu.dma_semaphore, #tpu.memory_space<semaphore_mem>>)
        %dma_wait3A = arith.constant 0 : i32
        %dma_wait3A_52 = tpu.memref_slice %arg4[%add3A, %dma_wait3A] : memref<6400x128xi32, #tpu.memory_space<hbm>> -> memref<40x128xi32, #tpu.memory_space<hbm>>
        %dma_wait3A_53 = arith.constant 0 : i32
        %dma_wait3A_54 = tpu.memref_slice %arg4[%add3A, %dma_wait3A_53] : memref<6400x128xi32, #tpu.memory_space<hbm>> -> memref<40x128xi32, #tpu.memory_space<hbm>>
        tpu.wait_dma2 semaphore(%run_scoped3A : memref<!tpu.dma_semaphore, #tpu.memory_space<semaphore_mem>>) src(%dma_wait3A_54 : memref<40x128xi32, #tpu.memory_space<hbm>>) dst(%arg7 : memref<40x128xi32, #tpu.memory_space<vmem>>)
        tpu.yield
      }) : () -> ()
      %dma_start3A = arith.constant 0 : i32
      %dma_start3A_28 = arith.constant 0 : i32
      %dma_start3A_29 = arith.constant 0 : i32
      %dma_start3A_30 = arith.constant 0 : i32
      %dma_start3A_31 = tpu.memref_slice %arg8[%dma_start3A_28, %dma_start3A_29, %dma_start3A_30] : memref<2x128x32xf32, #tpu.memory_space<vmem>> -> memref<1x128x32xf32, #tpu.memory_space<vmem>>
      %dma_start3A_32 = tpu.memref_squeeze %dma_start3A_31 : memref<1x128x32xf32, #tpu.memory_space<vmem>> -> memref<128x32xf32, #tpu.memory_space<vmem>>
      %dma_start3A_33 = arith.constant 0 : i32
      %dma_start3A_34 = tpu.memref_slice %arg6[%dma_start3A, %dma_start3A_33] : memref<40x128xi32, #tpu.memory_space<vmem>> -> memref<1x128xi32, #tpu.memory_space<vmem>>
      %dma_start3A_35 = tpu.memref_squeeze %dma_start3A_34 : memref<1x128xi32, #tpu.memory_space<vmem>> -> memref<128xi32, #tpu.memory_space<vmem>>
      %dma_start3A_36 = arith.constant 0 : i32
      %dma_start3A_37 = arith.constant 0 : i32
      %dma_start3A_38 = tpu.memref_slice %arg2[%arg0, %dma_start3A_36, %dma_start3A_37] : memref<2x50000x32xf32, #tpu.memory_space<hbm>> -> memref<1x50000x32xf32, #tpu.memory_space<hbm>>
      %dma_start3A_39 = tpu.memref_squeeze %dma_start3A_38 : memref<1x50000x32xf32, #tpu.memory_space<hbm>> -> memref<50000x32xf32, #tpu.memory_space<hbm>>
      %dma_start3A_40 = arith.constant 0 : i32
      %dma_start3A_41 = arith.constant 0 : i32
      %dma_start3A_42 = tpu.memref_slice %dma_start3A_39[%dma_start3A_40, %dma_start3A_41] : memref<50000x32xf32, #tpu.memory_space<hbm>> -> memref<50000x32xf32, #tpu.memory_space<hbm>>
      tpu.enqueue_indirect_dma source(%dma_start3A_42 : memref<50000x32xf32, #tpu.memory_space<hbm>>) target(%dma_start3A_32 : memref<128x32xf32, #tpu.memory_space<vmem>>) offsets(%dma_start3A_35 : memref<128xi32, #tpu.memory_space<vmem>>) semaphore(%arg10 : memref<!tpu.dma_semaphore, #tpu.memory_space<semaphore_mem>>)
      %scan3A_43 = arith.constant 0 : i32
      %scan3A_44 = arith.constant 20 : i32
      %scan3A_45 = arith.addi %scan3A_43, %scan3A_44 : i32
      %scan3A_46 = arith.constant 1 : i32
      scf.for %scan3A_48 = %scan3A_43 to %scan3A_45 step %scan3A_46  : i32 {
        %mul3A_49 = arith.constant 2 : i32
        %mul3A_50 = arith.muli %mul3A_49, %scan3A_48 : i32
        %add3A_51 = arith.constant 1 : i32
        %add3A_52 = arith.addi %mul3A_50, %add3A_51 : i32
        %dma_start3A_53 = arith.constant 1 : i32
        %dma_start3A_54 = arith.constant 0 : i32
        %dma_start3A_55 = arith.constant 0 : i32
        %dma_start3A_56 = tpu.memref_slice %arg8[%dma_start3A_53, %dma_start3A_54, %dma_start3A_55] : memref<2x128x32xf32, #tpu.memory_space<vmem>> -> memref<1x128x32xf32, #tpu.memory_space<vmem>>
        %dma_start3A_57 = tpu.memref_squeeze %dma_start3A_56 : memref<1x128x32xf32, #tpu.memory_space<vmem>> -> memref<128x32xf32, #tpu.memory_space<vmem>>
        %dma_start3A_58 = arith.constant 0 : i32
        %dma_start3A_59 = tpu.memref_slice %arg6[%add3A_52, %dma_start3A_58] : memref<40x128xi32, #tpu.memory_space<vmem>> -> memref<1x128xi32, #tpu.memory_space<vmem>>
        %dma_start3A_60 = tpu.memref_squeeze %dma_start3A_59 : memref<1x128xi32, #tpu.memory_space<vmem>> -> memref<128xi32, #tpu.memory_space<vmem>>
        %dma_start3A_61 = arith.constant 0 : i32
        %dma_start3A_62 = arith.constant 0 : i32
        %dma_start3A_63 = tpu.memref_slice %arg2[%arg0, %dma_start3A_61, %dma_start3A_62] : memref<2x50000x32xf32, #tpu.memory_space<hbm>> -> memref<1x50000x32xf32, #tpu.memory_space<hbm>>
        %dma_start3A_64 = tpu.memref_squeeze %dma_start3A_63 : memref<1x50000x32xf32, #tpu.memory_space<hbm>> -> memref<50000x32xf32, #tpu.memory_space<hbm>>
        %dma_start3A_65 = arith.constant 0 : i32
        %dma_start3A_66 = arith.constant 0 : i32
        %dma_start3A_67 = tpu.memref_slice %dma_start3A_64[%dma_start3A_65, %dma_start3A_66] : memref<50000x32xf32, #tpu.memory_space<hbm>> -> memref<50000x32xf32, #tpu.memory_space<hbm>>
        tpu.enqueue_indirect_dma source(%dma_start3A_67 : memref<50000x32xf32, #tpu.memory_space<hbm>>) target(%dma_start3A_57 : memref<128x32xf32, #tpu.memory_space<vmem>>) offsets(%dma_start3A_60 : memref<128xi32, #tpu.memory_space<vmem>>) semaphore(%arg11 : memref<!tpu.dma_semaphore, #tpu.memory_space<semaphore_mem>>)
        %dma_wait3A = arith.constant 0 : i32
        %dma_wait3A_68 = arith.constant 0 : i32
        %dma_wait3A_69 = arith.constant 0 : i32
        %dma_wait3A_70 = tpu.memref_slice %arg8[%dma_wait3A, %dma_wait3A_68, %dma_wait3A_69] : memref<2x128x32xf32, #tpu.memory_space<vmem>> -> memref<1x128x32xf32, #tpu.memory_space<vmem>>
        %dma_wait3A_71 = tpu.memref_squeeze %dma_wait3A_70 : memref<1x128x32xf32, #tpu.memory_space<vmem>> -> memref<128x32xf32, #tpu.memory_space<vmem>>
        %dma_wait3A_72 = arith.constant 0 : i32
        %dma_wait3A_73 = tpu.memref_slice %arg6[%mul3A_50, %dma_wait3A_72] : memref<40x128xi32, #tpu.memory_space<vmem>> -> memref<1x128xi32, #tpu.memory_space<vmem>>
        %dma_wait3A_74 = tpu.memref_squeeze %dma_wait3A_73 : memref<1x128xi32, #tpu.memory_space<vmem>> -> memref<128xi32, #tpu.memory_space<vmem>>
        %dma_wait3A_75 = arith.constant 0 : i32
        %dma_wait3A_76 = arith.constant 0 : i32
        %dma_wait3A_77 = tpu.memref_slice %arg2[%arg0, %dma_wait3A_75, %dma_wait3A_76] : memref<2x50000x32xf32, #tpu.memory_space<hbm>> -> memref<1x50000x32xf32, #tpu.memory_space<hbm>>
        %dma_wait3A_78 = tpu.memref_squeeze %dma_wait3A_77 : memref<1x50000x32xf32, #tpu.memory_space<hbm>> -> memref<50000x32xf32, #tpu.memory_space<hbm>>
        %dma_wait3A_79 = arith.constant 0 : i32
        %dma_wait3A_80 = arith.constant 0 : i32
        %dma_wait3A_81 = tpu.memref_slice %dma_wait3A_78[%dma_wait3A_79, %dma_wait3A_80] : memref<50000x32xf32, #tpu.memory_space<hbm>> -> memref<50000x32xf32, #tpu.memory_space<hbm>>
        tpu.wait_indirect_dma semaphore(%arg10 : memref<!tpu.dma_semaphore, #tpu.memory_space<semaphore_mem>>) src(%dma_wait3A_81 : memref<50000x32xf32, #tpu.memory_space<hbm>>) dst(%dma_wait3A_71 : memref<128x32xf32, #tpu.memory_space<vmem>>)
        %run_scoped3A = arith.constant 0 : i32
        "tpu.region"() ({
          %run_scoped3A_103 = tpu.sem_alloc : memref<!tpu.dma_semaphore, #tpu.memory_space<semaphore_mem>>
          %dma_start3A_104 = arith.constant 0 : i32
          %dma_start3A_105 = arith.constant 0 : i32
          %dma_start3A_106 = tpu.memref_slice %arg8[%run_scoped3A, %dma_start3A_104, %dma_start3A_105] : memref<2x128x32xf32, #tpu.memory_space<vmem>> -> memref<1x128x32xf32, #tpu.memory_space<vmem>>
          %dma_start3A_107 = tpu.memref_squeeze %dma_start3A_106 : memref<1x128x32xf32, #tpu.memory_space<vmem>> -> memref<128x32xf32, #tpu.memory_space<vmem>>
          %dma_start3A_108 = arith.constant 0 : i32
          %dma_start3A_109 = tpu.memref_slice %arg7[%mul3A_50, %dma_start3A_108] : memref<40x128xi32, #tpu.memory_space<vmem>> -> memref<1x128xi32, #tpu.memory_space<vmem>>
          %dma_start3A_110 = tpu.memref_squeeze %dma_start3A_109 : memref<1x128xi32, #tpu.memory_space<vmem>> -> memref<128xi32, #tpu.memory_space<vmem>>
          %dma_start3A_111 = arith.constant 0 : i32
          %dma_start3A_112 = arith.constant 0 : i32
          %dma_start3A_113 = tpu.memref_slice %arg9[%dma_start3A_111, %dma_start3A_112] : memref<50048x32xf32, #tpu.memory_space<vmem_shared>> -> memref<50048x32xf32, #tpu.memory_space<vmem_shared>>
          tpu.enqueue_indirect_dma source(%dma_start3A_107 : memref<128x32xf32, #tpu.memory_space<vmem>>) target(%dma_start3A_113 : memref<50048x32xf32, #tpu.memory_space<vmem_shared>>) offsets(%dma_start3A_110 : memref<128xi32, #tpu.memory_space<vmem>>) semaphore(%run_scoped3A_103 : memref<!tpu.dma_semaphore, #tpu.memory_space<semaphore_mem>>) {add = true}
          %dma_wait3A_114 = arith.constant 0 : i32
          %dma_wait3A_115 = arith.constant 0 : i32
          %dma_wait3A_116 = tpu.memref_slice %arg8[%run_scoped3A, %dma_wait3A_114, %dma_wait3A_115] : memref<2x128x32xf32, #tpu.memory_space<vmem>> -> memref<1x128x32xf32, #tpu.memory_space<vmem>>
          %dma_wait3A_117 = tpu.memref_squeeze %dma_wait3A_116 : memref<1x128x32xf32, #tpu.memory_space<vmem>> -> memref<128x32xf32, #tpu.memory_space<vmem>>
          %dma_wait3A_118 = arith.constant 0 : i32
          %dma_wait3A_119 = tpu.memref_slice %arg7[%mul3A_50, %dma_wait3A_118] : memref<40x128xi32, #tpu.memory_space<vmem>> -> memref<1x128xi32, #tpu.memory_space<vmem>>
          %dma_wait3A_120 = tpu.memref_squeeze %dma_wait3A_119 : memref<1x128xi32, #tpu.memory_space<vmem>> -> memref<128xi32, #tpu.memory_space<vmem>>
          %dma_wait3A_121 = arith.constant 0 : i32
          %dma_wait3A_122 = arith.constant 0 : i32
          %dma_wait3A_123 = tpu.memref_slice %arg9[%dma_wait3A_121, %dma_wait3A_122] : memref<50048x32xf32, #tpu.memory_space<vmem_shared>> -> memref<50048x32xf32, #tpu.memory_space<vmem_shared>>
          tpu.wait_indirect_dma semaphore(%run_scoped3A_103 : memref<!tpu.dma_semaphore, #tpu.memory_space<semaphore_mem>>) src(%dma_wait3A_117 : memref<128x32xf32, #tpu.memory_space<vmem>>) dst(%dma_wait3A_123 : memref<50048x32xf32, #tpu.memory_space<vmem_shared>>)
          tpu.yield
        }) : () -> ()
        %lt3A_82 = arith.constant 19 : i32
        %lt3A_83 = arith.cmpi slt, %scan3A_48, %lt3A_82 : i32
        %convert_element_type3A_84 = arith.extui %lt3A_83 : i1 to i32
        %cond3A_85 = arith.constant 0 : i32
        %cond3A_86 = arith.cmpi ne, %convert_element_type3A_84, %cond3A_85 : i32
        scf.if %cond3A_86 {
          %add3A_103 = arith.constant 2 : i32
          %add3A_104 = arith.addi %mul3A_50, %add3A_103 : i32
          %dma_start3A_105 = arith.constant 0 : i32
          %dma_start3A_106 = arith.constant 0 : i32
          %dma_start3A_107 = arith.constant 0 : i32
          %dma_start3A_108 = tpu.memref_slice %arg8[%dma_start3A_105, %dma_start3A_106, %dma_start3A_107] : memref<2x128x32xf32, #tpu.memory_space<vmem>> -> memref<1x128x32xf32, #tpu.memory_space<vmem>>
          %dma_start3A_109 = tpu.memref_squeeze %dma_start3A_108 : memref<1x128x32xf32, #tpu.memory_space<vmem>> -> memref<128x32xf32, #tpu.memory_space<vmem>>
          %dma_start3A_110 = arith.constant 0 : i32
          %dma_start3A_111 = tpu.memref_slice %arg6[%add3A_104, %dma_start3A_110] : memref<40x128xi32, #tpu.memory_space<vmem>> -> memref<1x128xi32, #tpu.memory_space<vmem>>
          %dma_start3A_112 = tpu.memref_squeeze %dma_start3A_111 : memref<1x128xi32, #tpu.memory_space<vmem>> -> memref<128xi32, #tpu.memory_space<vmem>>
          %dma_start3A_113 = arith.constant 0 : i32
          %dma_start3A_114 = arith.constant 0 : i32
          %dma_start3A_115 = tpu.memref_slice %arg2[%arg0, %dma_start3A_113, %dma_start3A_114] : memref<2x50000x32xf32, #tpu.memory_space<hbm>> -> memref<1x50000x32xf32, #tpu.memory_space<hbm>>
          %dma_start3A_116 = tpu.memref_squeeze %dma_start3A_115 : memref<1x50000x32xf32, #tpu.memory_space<hbm>> -> memref<50000x32xf32, #tpu.memory_space<hbm>>
          %dma_start3A_117 = arith.constant 0 : i32
          %dma_start3A_118 = arith.constant 0 : i32
          %dma_start3A_119 = tpu.memref_slice %dma_start3A_116[%dma_start3A_117, %dma_start3A_118] : memref<50000x32xf32, #tpu.memory_space<hbm>> -> memref<50000x32xf32, #tpu.memory_space<hbm>>
          tpu.enqueue_indirect_dma source(%dma_start3A_119 : memref<50000x32xf32, #tpu.memory_space<hbm>>) target(%dma_start3A_109 : memref<128x32xf32, #tpu.memory_space<vmem>>) offsets(%dma_start3A_112 : memref<128xi32, #tpu.memory_space<vmem>>) semaphore(%arg10 : memref<!tpu.dma_semaphore, #tpu.memory_space<semaphore_mem>>)
        } else {
        }
        %dma_wait3A_87 = arith.constant 1 : i32
        %dma_wait3A_88 = arith.constant 0 : i32
        %dma_wait3A_89 = arith.constant 0 : i32
        %dma_wait3A_90 = tpu.memref_slice %arg8[%dma_wait3A_87, %dma_wait3A_88, %dma_wait3A_89] : memref<2x128x32xf32, #tpu.memory_space<vmem>> -> memref<1x128x32xf32, #tpu.memory_space<vmem>>
        %dma_wait3A_91 = tpu.memref_squeeze %dma_wait3A_90 : memref<1x128x32xf32, #tpu.memory_space<vmem>> -> memref<128x32xf32, #tpu.memory_space<vmem>>
        %dma_wait3A_92 = arith.constant 0 : i32
        %dma_wait3A_93 = tpu.memref_slice %arg6[%add3A_52, %dma_wait3A_92] : memref<40x128xi32, #tpu.memory_space<vmem>> -> memref<1x128xi32, #tpu.memory_space<vmem>>
        %dma_wait3A_94 = tpu.memref_squeeze %dma_wait3A_93 : memref<1x128xi32, #tpu.memory_space<vmem>> -> memref<128xi32, #tpu.memory_space<vmem>>
        %dma_wait3A_95 = arith.constant 0 : i32
        %dma_wait3A_96 = arith.constant 0 : i32
        %dma_wait3A_97 = tpu.memref_slice %arg2[%arg0, %dma_wait3A_95, %dma_wait3A_96] : memref<2x50000x32xf32, #tpu.memory_space<hbm>> -> memref<1x50000x32xf32, #tpu.memory_space<hbm>>
        %dma_wait3A_98 = tpu.memref_squeeze %dma_wait3A_97 : memref<1x50000x32xf32, #tpu.memory_space<hbm>> -> memref<50000x32xf32, #tpu.memory_space<hbm>>
        %dma_wait3A_99 = arith.constant 0 : i32
        %dma_wait3A_100 = arith.constant 0 : i32
        %dma_wait3A_101 = tpu.memref_slice %dma_wait3A_98[%dma_wait3A_99, %dma_wait3A_100] : memref<50000x32xf32, #tpu.memory_space<hbm>> -> memref<50000x32xf32, #tpu.memory_space<hbm>>
        tpu.wait_indirect_dma semaphore(%arg11 : memref<!tpu.dma_semaphore, #tpu.memory_space<semaphore_mem>>) src(%dma_wait3A_101 : memref<50000x32xf32, #tpu.memory_space<hbm>>) dst(%dma_wait3A_91 : memref<128x32xf32, #tpu.memory_space<vmem>>)
        %run_scoped3A_102 = arith.constant 1 : i32
        "tpu.region"() ({
          %run_scoped3A_103 = tpu.sem_alloc : memref<!tpu.dma_semaphore, #tpu.memory_space<semaphore_mem>>
          %dma_start3A_104 = arith.constant 0 : i32
          %dma_start3A_105 = arith.constant 0 : i32
          %dma_start3A_106 = tpu.memref_slice %arg8[%run_scoped3A_102, %dma_start3A_104, %dma_start3A_105] : memref<2x128x32xf32, #tpu.memory_space<vmem>> -> memref<1x128x32xf32, #tpu.memory_space<vmem>>
          %dma_start3A_107 = tpu.memref_squeeze %dma_start3A_106 : memref<1x128x32xf32, #tpu.memory_space<vmem>> -> memref<128x32xf32, #tpu.memory_space<vmem>>
          %dma_start3A_108 = arith.constant 0 : i32
          %dma_start3A_109 = tpu.memref_slice %arg7[%add3A_52, %dma_start3A_108] : memref<40x128xi32, #tpu.memory_space<vmem>> -> memref<1x128xi32, #tpu.memory_space<vmem>>
          %dma_start3A_110 = tpu.memref_squeeze %dma_start3A_109 : memref<1x128xi32, #tpu.memory_space<vmem>> -> memref<128xi32, #tpu.memory_space<vmem>>
          %dma_start3A_111 = arith.constant 0 : i32
          %dma_start3A_112 = arith.constant 0 : i32
          %dma_start3A_113 = tpu.memref_slice %arg9[%dma_start3A_111, %dma_start3A_112] : memref<50048x32xf32, #tpu.memory_space<vmem_shared>> -> memref<50048x32xf32, #tpu.memory_space<vmem_shared>>
          tpu.enqueue_indirect_dma source(%dma_start3A_107 : memref<128x32xf32, #tpu.memory_space<vmem>>) target(%dma_start3A_113 : memref<50048x32xf32, #tpu.memory_space<vmem_shared>>) offsets(%dma_start3A_110 : memref<128xi32, #tpu.memory_space<vmem>>) semaphore(%run_scoped3A_103 : memref<!tpu.dma_semaphore, #tpu.memory_space<semaphore_mem>>) {add = true}
          %dma_wait3A_114 = arith.constant 0 : i32
          %dma_wait3A_115 = arith.constant 0 : i32
          %dma_wait3A_116 = tpu.memref_slice %arg8[%run_scoped3A_102, %dma_wait3A_114, %dma_wait3A_115] : memref<2x128x32xf32, #tpu.memory_space<vmem>> -> memref<1x128x32xf32, #tpu.memory_space<vmem>>
          %dma_wait3A_117 = tpu.memref_squeeze %dma_wait3A_116 : memref<1x128x32xf32, #tpu.memory_space<vmem>> -> memref<128x32xf32, #tpu.memory_space<vmem>>
          %dma_wait3A_118 = arith.constant 0 : i32
          %dma_wait3A_119 = tpu.memref_slice %arg7[%add3A_52, %dma_wait3A_118] : memref<40x128xi32, #tpu.memory_space<vmem>> -> memref<1x128xi32, #tpu.memory_space<vmem>>
          %dma_wait3A_120 = tpu.memref_squeeze %dma_wait3A_119 : memref<1x128xi32, #tpu.memory_space<vmem>> -> memref<128xi32, #tpu.memory_space<vmem>>
          %dma_wait3A_121 = arith.constant 0 : i32
          %dma_wait3A_122 = arith.constant 0 : i32
          %dma_wait3A_123 = tpu.memref_slice %arg9[%dma_wait3A_121, %dma_wait3A_122] : memref<50048x32xf32, #tpu.memory_space<vmem_shared>> -> memref<50048x32xf32, #tpu.memory_space<vmem_shared>>
          tpu.wait_indirect_dma semaphore(%run_scoped3A_103 : memref<!tpu.dma_semaphore, #tpu.memory_space<semaphore_mem>>) src(%dma_wait3A_117 : memref<128x32xf32, #tpu.memory_space<vmem>>) dst(%dma_wait3A_123 : memref<50048x32xf32, #tpu.memory_space<vmem_shared>>)
          tpu.yield
        }) : () -> ()
      }
      %scan3A_47 = arith.constant 20 : i32
    }
    %scan3A_11 = arith.constant 10 : i32
    %barrier3A_12 = arith.constant 0 : index
    tpu.barrier barrier_id(%barrier3A_12)
    %lt3A_13 = arith.constant 15 : i32
    %lt3A_14 = arith.cmpi slt, %arg1, %lt3A_13 : i32
    %convert_element_type3A_15 = arith.extui %lt3A_14 : i1 to i32
    %cond3A_16 = arith.constant 0 : i32
    %cond3A_17 = arith.cmpi ne, %convert_element_type3A_15, %cond3A_16 : i32
    scf.if %cond3A_17 {
      "tpu.region"() ({
        %run_scoped3A = tpu.sem_alloc : memref<!tpu.dma_semaphore, #tpu.memory_space<semaphore_mem>>
        %dma_start3A = arith.constant 0 : i32
        %dma_start3A_23 = tpu.memref_slice %arg5[%arg0, %mul3A_0, %dma_start3A] : memref<2x50000x32xf32, #tpu.memory_space<hbm>> -> memref<1x3128x32xf32, #tpu.memory_space<hbm>>
        %dma_start3A_24 = tpu.memref_squeeze %dma_start3A_23 : memref<1x3128x32xf32, #tpu.memory_space<hbm>> -> memref<3128x32xf32, #tpu.memory_space<hbm>>
        %dma_start3A_25 = arith.constant 0 : i32
        %dma_start3A_26 = tpu.memref_slice %arg9[%mul3A_0, %dma_start3A_25] : memref<50048x32xf32, #tpu.memory_space<vmem_shared>> -> memref<3128x32xf32, #tpu.memory_space<vmem_shared>>
        tpu.enqueue_dma source(%dma_start3A_26 : memref<3128x32xf32, #tpu.memory_space<vmem_shared>>) target(%dma_start3A_24 : memref<3128x32xf32, #tpu.memory_space<hbm>>) target_semaphore(%run_scoped3A : memref<!tpu.dma_semaphore, #tpu.memory_space<semaphore_mem>>)
        %dma_wait3A = arith.constant 0 : i32
        %dma_wait3A_27 = tpu.memref_slice %arg5[%arg0, %mul3A_0, %dma_wait3A] : memref<2x50000x32xf32, #tpu.memory_space<hbm>> -> memref<1x3128x32xf32, #tpu.memory_space<hbm>>
        %dma_wait3A_28 = tpu.memref_squeeze %dma_wait3A_27 : memref<1x3128x32xf32, #tpu.memory_space<hbm>> -> memref<3128x32xf32, #tpu.memory_space<hbm>>
        %dma_wait3A_29 = arith.constant 0 : i32
        %dma_wait3A_30 = tpu.memref_slice %arg9[%mul3A_0, %dma_wait3A_29] : memref<50048x32xf32, #tpu.memory_space<vmem_shared>> -> memref<3128x32xf32, #tpu.memory_space<vmem_shared>>
        tpu.wait_dma2 semaphore(%run_scoped3A : memref<!tpu.dma_semaphore, #tpu.memory_space<semaphore_mem>>) src(%dma_wait3A_30 : memref<3128x32xf32, #tpu.memory_space<vmem_shared>>) dst(%dma_wait3A_28 : memref<3128x32xf32, #tpu.memory_space<hbm>>)
        tpu.yield
      }) : () -> ()
    } else {
    }
    %eq3A_18 = arith.constant 15 : i32
    %eq3A_19 = arith.cmpi eq, %arg1, %eq3A_18 : i32
    %convert_element_type3A_20 = arith.extui %eq3A_19 : i1 to i32
    %cond3A_21 = arith.constant 0 : i32
    %cond3A_22 = arith.cmpi ne, %convert_element_type3A_20, %cond3A_21 : i32
    scf.if %cond3A_22 {
      "tpu.region"() ({
        %run_scoped3A = tpu.sem_alloc : memref<!tpu.dma_semaphore, #tpu.memory_space<semaphore_mem>>
        %dma_start3A = arith.constant 0 : i32
        %dma_start3A_23 = tpu.memref_slice %arg5[%arg0, %mul3A_0, %dma_start3A] : memref<2x50000x32xf32, #tpu.memory_space<hbm>> -> memref<1x3080x32xf32, #tpu.memory_space<hbm>>
        %dma_start3A_24 = tpu.memref_squeeze %dma_start3A_23 : memref<1x3080x32xf32, #tpu.memory_space<hbm>> -> memref<3080x32xf32, #tpu.memory_space<hbm>>
        %dma_start3A_25 = arith.constant 0 : i32
        %dma_start3A_26 = tpu.memref_slice %arg9[%mul3A_0, %dma_start3A_25] : memref<50048x32xf32, #tpu.memory_space<vmem_shared>> -> memref<3080x32xf32, #tpu.memory_space<vmem_shared>>
        tpu.enqueue_dma source(%dma_start3A_26 : memref<3080x32xf32, #tpu.memory_space<vmem_shared>>) target(%dma_start3A_24 : memref<3080x32xf32, #tpu.memory_space<hbm>>) target_semaphore(%run_scoped3A : memref<!tpu.dma_semaphore, #tpu.memory_space<semaphore_mem>>)
        %dma_wait3A = arith.constant 0 : i32
        %dma_wait3A_27 = tpu.memref_slice %arg5[%arg0, %mul3A_0, %dma_wait3A] : memref<2x50000x32xf32, #tpu.memory_space<hbm>> -> memref<1x3080x32xf32, #tpu.memory_space<hbm>>
        %dma_wait3A_28 = tpu.memref_squeeze %dma_wait3A_27 : memref<1x3080x32xf32, #tpu.memory_space<hbm>> -> memref<3080x32xf32, #tpu.memory_space<hbm>>
        %dma_wait3A_29 = arith.constant 0 : i32
        %dma_wait3A_30 = tpu.memref_slice %arg9[%mul3A_0, %dma_wait3A_29] : memref<50048x32xf32, #tpu.memory_space<vmem_shared>> -> memref<3080x32xf32, #tpu.memory_space<vmem_shared>>
        tpu.wait_dma2 semaphore(%run_scoped3A : memref<!tpu.dma_semaphore, #tpu.memory_space<semaphore_mem>>) src(%dma_wait3A_30 : memref<3080x32xf32, #tpu.memory_space<vmem_shared>>) dst(%dma_wait3A_28 : memref<3080x32xf32, #tpu.memory_space<hbm>>)
        tpu.yield
      }) : () -> ()
    } else {
    }
    return
  }
}

#map = affine_map<(d0, d1) -> (0, 0, 0)>
#map1 = affine_map<(d0, d1) -> (0, 0)>
module attributes {stable_mosaic.version = 14 : i64} {
  func.func @_spmm_body(%arg0: i32, %arg1: i32, %arg2: memref<2x50000x32xf32, #tpu.memory_space<hbm>>, %arg3: memref<6400x128xi32, #tpu.memory_space<hbm>>, %arg4: memref<6400x128xi32, #tpu.memory_space<hbm>>, %arg5: memref<2x50000x32xf32, #tpu.memory_space<hbm>>, %arg6: memref<40x128xi32, #tpu.memory_space<vmem>>, %arg7: memref<40x128xi32, #tpu.memory_space<vmem>>, %arg8: memref<2x128x32xf32, #tpu.memory_space<vmem>>, %arg9: memref<50048x32xf32, #tpu.memory_space<vmem_shared>>, %arg10: memref<!tpu.dma_semaphore, #tpu.memory_space<semaphore_mem>>, %arg11: memref<!tpu.dma_semaphore, #tpu.memory_space<semaphore_mem>>) attributes {dimension_semantics = [#tpu.dimension_semantics<core_parallel>, #tpu.dimension_semantics<subcore_parallel>], iteration_bounds = array<i64: 2, 16>, scalar_prefetch = 0 : i64, scratch_operands = 6 : i64, tpu.core_type = #tpu.core_type<sc_vector_subcore>, window_params = [{transform_indices = #map}, {transform_indices = #map1}, {transform_indices = #map1}, {transform_indices = #map}]} {
    %mul3A = arith.constant 3128 : i32
    %mul3A_0 = arith.muli %arg1, %mul3A : i32
    %lt3A = arith.constant 15 : i32
    %lt3A_1 = arith.cmpi slt, %arg1, %lt3A : i32
    %convert_element_type3A = arith.extui %lt3A_1 : i1 to i32
    %cond3A = arith.constant 0 : i32
    %cond3A_2 = arith.cmpi ne, %convert_element_type3A, %cond3A : i32
    scf.if %cond3A_2 {
      "tpu.region"() ({
        %run_scoped3A = tpu.sem_alloc : memref<!tpu.dma_semaphore, #tpu.memory_space<semaphore_mem>>
        %dma_start3A = arith.constant 0 : i32
        %dma_start3A_23 = tpu.memref_slice %arg9[%mul3A_0, %dma_start3A] : memref<50048x32xf32, #tpu.memory_space<vmem_shared>> -> memref<3128x32xf32, #tpu.memory_space<vmem_shared>>
        %dma_start3A_24 = arith.constant 0 : i32
        %dma_start3A_25 = arith.constant 0 : i32
        %dma_start3A_26 = tpu.memref_slice %arg2[%arg0, %dma_start3A_24, %dma_start3A_25] : memref<2x50000x32xf32, #tpu.memory_space<hbm>> -> memref<1x50000x32xf32, #tpu.memory_space<hbm>>
        %dma_start3A_27 = tpu.memref_squeeze %dma_start3A_26 : memref<1x50000x32xf32, #tpu.memory_space<hbm>> -> memref<50000x32xf32, #tpu.memory_space<hbm>>
        %dma_start3A_28 = arith.constant 0 : i32
        %dma_start3A_29 = tpu.memref_slice %dma_start3A_27[%mul3A_0, %dma_start3A_28] : memref<50000x32xf32, #tpu.memory_space<hbm>> -> memref<3128x32xf32, #tpu.memory_space<hbm>>
        tpu.enqueue_dma source(%dma_start3A_29 : memref<3128x32xf32, #tpu.memory_space<hbm>>) target(%dma_start3A_23 : memref<3128x32xf32, #tpu.memory_space<vmem_shared>>) target_semaphore(%run_scoped3A : memref<!tpu.dma_semaphore, #tpu.memory_space<semaphore_mem>>)
        %dma_wait3A = arith.constant 0 : i32
        %dma_wait3A_30 = tpu.memref_slice %arg9[%mul3A_0, %dma_wait3A] : memref<50048x32xf32, #tpu.memory_space<vmem_shared>> -> memref<3128x32xf32, #tpu.memory_space<vmem_shared>>
        %dma_wait3A_31 = arith.constant 0 : i32
        %dma_wait3A_32 = arith.constant 0 : i32
        %dma_wait3A_33 = tpu.memref_slice %arg2[%arg0, %dma_wait3A_31, %dma_wait3A_32] : memref<2x50000x32xf32, #tpu.memory_space<hbm>> -> memref<1x50000x32xf32, #tpu.memory_space<hbm>>
        %dma_wait3A_34 = tpu.memref_squeeze %dma_wait3A_33 : memref<1x50000x32xf32, #tpu.memory_space<hbm>> -> memref<50000x32xf32, #tpu.memory_space<hbm>>
        %dma_wait3A_35 = arith.constant 0 : i32
        %dma_wait3A_36 = tpu.memref_slice %dma_wait3A_34[%mul3A_0, %dma_wait3A_35] : memref<50000x32xf32, #tpu.memory_space<hbm>> -> memref<3128x32xf32, #tpu.memory_space<hbm>>
        tpu.wait_dma2 semaphore(%run_scoped3A : memref<!tpu.dma_semaphore, #tpu.memory_space<semaphore_mem>>) src(%dma_wait3A_36 : memref<3128x32xf32, #tpu.memory_space<hbm>>) dst(%dma_wait3A_30 : memref<3128x32xf32, #tpu.memory_space<vmem_shared>>)
        tpu.yield
      }) : () -> ()
    } else {
    }
    %eq3A = arith.constant 15 : i32
    %eq3A_3 = arith.cmpi eq, %arg1, %eq3A : i32
    %convert_element_type3A_4 = arith.extui %eq3A_3 : i1 to i32
    %cond3A_5 = arith.constant 0 : i32
    %cond3A_6 = arith.cmpi ne, %convert_element_type3A_4, %cond3A_5 : i32
    scf.if %cond3A_6 {
      "tpu.region"() ({
        %run_scoped3A = tpu.sem_alloc : memref<!tpu.dma_semaphore, #tpu.memory_space<semaphore_mem>>
        %dma_start3A = arith.constant 0 : i32
        %dma_start3A_23 = tpu.memref_slice %arg9[%mul3A_0, %dma_start3A] : memref<50048x32xf32, #tpu.memory_space<vmem_shared>> -> memref<3080x32xf32, #tpu.memory_space<vmem_shared>>
        %dma_start3A_24 = arith.constant 0 : i32
        %dma_start3A_25 = arith.constant 0 : i32
        %dma_start3A_26 = tpu.memref_slice %arg2[%arg0, %dma_start3A_24, %dma_start3A_25] : memref<2x50000x32xf32, #tpu.memory_space<hbm>> -> memref<1x50000x32xf32, #tpu.memory_space<hbm>>
        %dma_start3A_27 = tpu.memref_squeeze %dma_start3A_26 : memref<1x50000x32xf32, #tpu.memory_space<hbm>> -> memref<50000x32xf32, #tpu.memory_space<hbm>>
        %dma_start3A_28 = arith.constant 0 : i32
        %dma_start3A_29 = tpu.memref_slice %dma_start3A_27[%mul3A_0, %dma_start3A_28] : memref<50000x32xf32, #tpu.memory_space<hbm>> -> memref<3080x32xf32, #tpu.memory_space<hbm>>
        tpu.enqueue_dma source(%dma_start3A_29 : memref<3080x32xf32, #tpu.memory_space<hbm>>) target(%dma_start3A_23 : memref<3080x32xf32, #tpu.memory_space<vmem_shared>>) target_semaphore(%run_scoped3A : memref<!tpu.dma_semaphore, #tpu.memory_space<semaphore_mem>>)
        %dma_wait3A = arith.constant 0 : i32
        %dma_wait3A_30 = tpu.memref_slice %arg9[%mul3A_0, %dma_wait3A] : memref<50048x32xf32, #tpu.memory_space<vmem_shared>> -> memref<3080x32xf32, #tpu.memory_space<vmem_shared>>
        %dma_wait3A_31 = arith.constant 0 : i32
        %dma_wait3A_32 = arith.constant 0 : i32
        %dma_wait3A_33 = tpu.memref_slice %arg2[%arg0, %dma_wait3A_31, %dma_wait3A_32] : memref<2x50000x32xf32, #tpu.memory_space<hbm>> -> memref<1x50000x32xf32, #tpu.memory_space<hbm>>
        %dma_wait3A_34 = tpu.memref_squeeze %dma_wait3A_33 : memref<1x50000x32xf32, #tpu.memory_space<hbm>> -> memref<50000x32xf32, #tpu.memory_space<hbm>>
        %dma_wait3A_35 = arith.constant 0 : i32
        %dma_wait3A_36 = tpu.memref_slice %dma_wait3A_34[%mul3A_0, %dma_wait3A_35] : memref<50000x32xf32, #tpu.memory_space<hbm>> -> memref<3080x32xf32, #tpu.memory_space<hbm>>
        tpu.wait_dma2 semaphore(%run_scoped3A : memref<!tpu.dma_semaphore, #tpu.memory_space<semaphore_mem>>) src(%dma_wait3A_36 : memref<3080x32xf32, #tpu.memory_space<hbm>>) dst(%dma_wait3A_30 : memref<3080x32xf32, #tpu.memory_space<vmem_shared>>)
        tpu.yield
      }) : () -> ()
    } else {
    }
    %barrier3A = arith.constant 0 : index
    tpu.barrier barrier_id(%barrier3A)
    %scan3A = arith.constant 0 : i32
    %scan3A_7 = arith.constant 0 : i32
    %scan3A_8 = arith.constant 10 : i32
    %scan3A_9 = arith.addi %scan3A_7, %scan3A_8 : i32
    %scan3A_10 = arith.constant 1 : i32
    scf.for %scan3A_23 = %scan3A_7 to %scan3A_9 step %scan3A_10  : i32 {
      %mul3A_24 = arith.constant 400 : i32
      %mul3A_25 = arith.muli %arg1, %mul3A_24 : i32
      %mul3A_26 = arith.constant 40 : i32
      %mul3A_27 = arith.muli %scan3A_23, %mul3A_26 : i32
      %add3A = arith.addi %mul3A_25, %mul3A_27 : i32
      "tpu.region"() ({
        %run_scoped3A = tpu.sem_alloc : memref<!tpu.dma_semaphore, #tpu.memory_space<semaphore_mem>>
        %dma_start3A_48 = arith.constant 0 : i32
        %dma_start3A_49 = tpu.memref_slice %arg3[%add3A, %dma_start3A_48] : memref<6400x128xi32, #tpu.memory_space<hbm>> -> memref<40x128xi32, #tpu.memory_space<hbm>>
        %dma_start3A_50 = arith.constant 0 : i32
        %dma_start3A_51 = tpu.memref_slice %arg3[%add3A, %dma_start3A_50] : memref<6400x128xi32, #tpu.memory_space<hbm>> -> memref<40x128xi32, #tpu.memory_space<hbm>>
        tpu.enqueue_dma source(%dma_start3A_51 : memref<40x128xi32, #tpu.memory_space<hbm>>) target(%arg6 : memref<40x128xi32, #tpu.memory_space<vmem>>) target_semaphore(%run_scoped3A : memref<!tpu.dma_semaphore, #tpu.memory_space<semaphore_mem>>)
        %dma_wait3A = arith.constant 0 : i32
        %dma_wait3A_52 = tpu.memref_slice %arg3[%add3A, %dma_wait3A] : memref<6400x128xi32, #tpu.memory_space<hbm>> -> memref<40x128xi32, #tpu.memory_space<hbm>>
        %dma_wait3A_53 = arith.constant 0 : i32
        %dma_wait3A_54 = tpu.memref_slice %arg3[%add3A, %dma_wait3A_53] : memref<6400x128xi32, #tpu.memory_space<hbm>> -> memref<40x128xi32, #tpu.memory_space<hbm>>
        tpu.wait_dma2 semaphore(%run_scoped3A : memref<!tpu.dma_semaphore, #tpu.memory_space<semaphore_mem>>) src(%dma_wait3A_54 : memref<40x128xi32, #tpu.memory_space<hbm>>) dst(%arg6 : memref<40x128xi32, #tpu.memory_space<vmem>>)
        tpu.yield
      }) : () -> ()
      "tpu.region"() ({
        %run_scoped3A = tpu.sem_alloc : memref<!tpu.dma_semaphore, #tpu.memory_space<semaphore_mem>>
        %dma_start3A_48 = arith.constant 0 : i32
        %dma_start3A_49 = tpu.memref_slice %arg4[%add3A, %dma_start3A_48] : memref<6400x128xi32, #tpu.memory_space<hbm>> -> memref<40x128xi32, #tpu.memory_space<hbm>>
        %dma_start3A_50 = arith.constant 0 : i32
        %dma_start3A_51 = tpu.memref_slice %arg4[%add3A, %dma_start3A_50] : memref<6400x128xi32, #tpu.memory_space<hbm>> -> memref<40x128xi32, #tpu.memory_space<hbm>>
        tpu.enqueue_dma source(%dma_start3A_51 : memref<40x128xi32, #tpu.memory_space<hbm>>) target(%arg7 : memref<40x128xi32, #tpu.memory_space<vmem>>) target_semaphore(%run_scoped3A : memref<!tpu.dma_semaphore, #tpu.memory_space<semaphore_mem>>)
        %dma_wait3A = arith.constant 0 : i32
        %dma_wait3A_52 = tpu.memref_slice %arg4[%add3A, %dma_wait3A] : memref<6400x128xi32, #tpu.memory_space<hbm>> -> memref<40x128xi32, #tpu.memory_space<hbm>>
        %dma_wait3A_53 = arith.constant 0 : i32
        %dma_wait3A_54 = tpu.memref_slice %arg4[%add3A, %dma_wait3A_53] : memref<6400x128xi32, #tpu.memory_space<hbm>> -> memref<40x128xi32, #tpu.memory_space<hbm>>
        tpu.wait_dma2 semaphore(%run_scoped3A : memref<!tpu.dma_semaphore, #tpu.memory_space<semaphore_mem>>) src(%dma_wait3A_54 : memref<40x128xi32, #tpu.memory_space<hbm>>) dst(%arg7 : memref<40x128xi32, #tpu.memory_space<vmem>>)
        tpu.yield
      }) : () -> ()
      %dma_start3A = arith.constant 0 : i32
      %dma_start3A_28 = arith.constant 0 : i32
      %dma_start3A_29 = arith.constant 0 : i32
      %dma_start3A_30 = arith.constant 0 : i32
      %dma_start3A_31 = tpu.memref_slice %arg8[%dma_start3A_28, %dma_start3A_29, %dma_start3A_30] : memref<2x128x32xf32, #tpu.memory_space<vmem>> -> memref<1x128x32xf32, #tpu.memory_space<vmem>>
      %dma_start3A_32 = tpu.memref_squeeze %dma_start3A_31 : memref<1x128x32xf32, #tpu.memory_space<vmem>> -> memref<128x32xf32, #tpu.memory_space<vmem>>
      %dma_start3A_33 = arith.constant 0 : i32
      %dma_start3A_34 = tpu.memref_slice %arg6[%dma_start3A, %dma_start3A_33] : memref<40x128xi32, #tpu.memory_space<vmem>> -> memref<1x128xi32, #tpu.memory_space<vmem>>
      %dma_start3A_35 = tpu.memref_squeeze %dma_start3A_34 : memref<1x128xi32, #tpu.memory_space<vmem>> -> memref<128xi32, #tpu.memory_space<vmem>>
      %dma_start3A_36 = arith.constant 0 : i32
      %dma_start3A_37 = arith.constant 0 : i32
      %dma_start3A_38 = tpu.memref_slice %arg2[%arg0, %dma_start3A_36, %dma_start3A_37] : memref<2x50000x32xf32, #tpu.memory_space<hbm>> -> memref<1x50000x32xf32, #tpu.memory_space<hbm>>
      %dma_start3A_39 = tpu.memref_squeeze %dma_start3A_38 : memref<1x50000x32xf32, #tpu.memory_space<hbm>> -> memref<50000x32xf32, #tpu.memory_space<hbm>>
      %dma_start3A_40 = arith.constant 0 : i32
      %dma_start3A_41 = arith.constant 0 : i32
      %dma_start3A_42 = tpu.memref_slice %dma_start3A_39[%dma_start3A_40, %dma_start3A_41] : memref<50000x32xf32, #tpu.memory_space<hbm>> -> memref<50000x32xf32, #tpu.memory_space<hbm>>
      tpu.enqueue_indirect_dma source(%dma_start3A_42 : memref<50000x32xf32, #tpu.memory_space<hbm>>) target(%dma_start3A_32 : memref<128x32xf32, #tpu.memory_space<vmem>>) offsets(%dma_start3A_35 : memref<128xi32, #tpu.memory_space<vmem>>) semaphore(%arg10 : memref<!tpu.dma_semaphore, #tpu.memory_space<semaphore_mem>>)
      %scan3A_43 = arith.constant 0 : i32
      %scan3A_44 = arith.constant 20 : i32
      %scan3A_45 = arith.addi %scan3A_43, %scan3A_44 : i32
      %scan3A_46 = arith.constant 1 : i32
      scf.for %scan3A_48 = %scan3A_43 to %scan3A_45 step %scan3A_46  : i32 {
        %mul3A_49 = arith.constant 2 : i32
        %mul3A_50 = arith.muli %mul3A_49, %scan3A_48 : i32
        %add3A_51 = arith.constant 1 : i32
        %add3A_52 = arith.addi %mul3A_50, %add3A_51 : i32
        %dma_start3A_53 = arith.constant 1 : i32
        %dma_start3A_54 = arith.constant 0 : i32
        %dma_start3A_55 = arith.constant 0 : i32
        %dma_start3A_56 = tpu.memref_slice %arg8[%dma_start3A_53, %dma_start3A_54, %dma_start3A_55] : memref<2x128x32xf32, #tpu.memory_space<vmem>> -> memref<1x128x32xf32, #tpu.memory_space<vmem>>
        %dma_start3A_57 = tpu.memref_squeeze %dma_start3A_56 : memref<1x128x32xf32, #tpu.memory_space<vmem>> -> memref<128x32xf32, #tpu.memory_space<vmem>>
        %dma_start3A_58 = arith.constant 0 : i32
        %dma_start3A_59 = tpu.memref_slice %arg6[%add3A_52, %dma_start3A_58] : memref<40x128xi32, #tpu.memory_space<vmem>> -> memref<1x128xi32, #tpu.memory_space<vmem>>
        %dma_start3A_60 = tpu.memref_squeeze %dma_start3A_59 : memref<1x128xi32, #tpu.memory_space<vmem>> -> memref<128xi32, #tpu.memory_space<vmem>>
        %dma_start3A_61 = arith.constant 0 : i32
        %dma_start3A_62 = arith.constant 0 : i32
        %dma_start3A_63 = tpu.memref_slice %arg2[%arg0, %dma_start3A_61, %dma_start3A_62] : memref<2x50000x32xf32, #tpu.memory_space<hbm>> -> memref<1x50000x32xf32, #tpu.memory_space<hbm>>
        %dma_start3A_64 = tpu.memref_squeeze %dma_start3A_63 : memref<1x50000x32xf32, #tpu.memory_space<hbm>> -> memref<50000x32xf32, #tpu.memory_space<hbm>>
        %dma_start3A_65 = arith.constant 0 : i32
        %dma_start3A_66 = arith.constant 0 : i32
        %dma_start3A_67 = tpu.memref_slice %dma_start3A_64[%dma_start3A_65, %dma_start3A_66] : memref<50000x32xf32, #tpu.memory_space<hbm>> -> memref<50000x32xf32, #tpu.memory_space<hbm>>
        tpu.enqueue_indirect_dma source(%dma_start3A_67 : memref<50000x32xf32, #tpu.memory_space<hbm>>) target(%dma_start3A_57 : memref<128x32xf32, #tpu.memory_space<vmem>>) offsets(%dma_start3A_60 : memref<128xi32, #tpu.memory_space<vmem>>) semaphore(%arg11 : memref<!tpu.dma_semaphore, #tpu.memory_space<semaphore_mem>>)
        %dma_wait3A = arith.constant 0 : i32
        %dma_wait3A_68 = arith.constant 0 : i32
        %dma_wait3A_69 = arith.constant 0 : i32
        %dma_wait3A_70 = tpu.memref_slice %arg8[%dma_wait3A, %dma_wait3A_68, %dma_wait3A_69] : memref<2x128x32xf32, #tpu.memory_space<vmem>> -> memref<1x128x32xf32, #tpu.memory_space<vmem>>
        %dma_wait3A_71 = tpu.memref_squeeze %dma_wait3A_70 : memref<1x128x32xf32, #tpu.memory_space<vmem>> -> memref<128x32xf32, #tpu.memory_space<vmem>>
        %dma_wait3A_72 = arith.constant 0 : i32
        %dma_wait3A_73 = tpu.memref_slice %arg6[%mul3A_50, %dma_wait3A_72] : memref<40x128xi32, #tpu.memory_space<vmem>> -> memref<1x128xi32, #tpu.memory_space<vmem>>
        %dma_wait3A_74 = tpu.memref_squeeze %dma_wait3A_73 : memref<1x128xi32, #tpu.memory_space<vmem>> -> memref<128xi32, #tpu.memory_space<vmem>>
        %dma_wait3A_75 = arith.constant 0 : i32
        %dma_wait3A_76 = arith.constant 0 : i32
        %dma_wait3A_77 = tpu.memref_slice %arg2[%arg0, %dma_wait3A_75, %dma_wait3A_76] : memref<2x50000x32xf32, #tpu.memory_space<hbm>> -> memref<1x50000x32xf32, #tpu.memory_space<hbm>>
        %dma_wait3A_78 = tpu.memref_squeeze %dma_wait3A_77 : memref<1x50000x32xf32, #tpu.memory_space<hbm>> -> memref<50000x32xf32, #tpu.memory_space<hbm>>
        %dma_wait3A_79 = arith.constant 0 : i32
        %dma_wait3A_80 = arith.constant 0 : i32
        %dma_wait3A_81 = tpu.memref_slice %dma_wait3A_78[%dma_wait3A_79, %dma_wait3A_80] : memref<50000x32xf32, #tpu.memory_space<hbm>> -> memref<50000x32xf32, #tpu.memory_space<hbm>>
        tpu.wait_indirect_dma semaphore(%arg10 : memref<!tpu.dma_semaphore, #tpu.memory_space<semaphore_mem>>) src(%dma_wait3A_81 : memref<50000x32xf32, #tpu.memory_space<hbm>>) dst(%dma_wait3A_71 : memref<128x32xf32, #tpu.memory_space<vmem>>)
        %run_scoped3A = arith.constant 0 : i32
        "tpu.region"() ({
          %run_scoped3A_103 = tpu.sem_alloc : memref<!tpu.dma_semaphore, #tpu.memory_space<semaphore_mem>>
          %dma_start3A_104 = arith.constant 0 : i32
          %dma_start3A_105 = arith.constant 0 : i32
          %dma_start3A_106 = tpu.memref_slice %arg8[%run_scoped3A, %dma_start3A_104, %dma_start3A_105] : memref<2x128x32xf32, #tpu.memory_space<vmem>> -> memref<1x128x32xf32, #tpu.memory_space<vmem>>
          %dma_start3A_107 = tpu.memref_squeeze %dma_start3A_106 : memref<1x128x32xf32, #tpu.memory_space<vmem>> -> memref<128x32xf32, #tpu.memory_space<vmem>>
          %dma_start3A_108 = arith.constant 0 : i32
          %dma_start3A_109 = tpu.memref_slice %arg7[%mul3A_50, %dma_start3A_108] : memref<40x128xi32, #tpu.memory_space<vmem>> -> memref<1x128xi32, #tpu.memory_space<vmem>>
          %dma_start3A_110 = tpu.memref_squeeze %dma_start3A_109 : memref<1x128xi32, #tpu.memory_space<vmem>> -> memref<128xi32, #tpu.memory_space<vmem>>
          %dma_start3A_111 = arith.constant 0 : i32
          %dma_start3A_112 = arith.constant 0 : i32
          %dma_start3A_113 = tpu.memref_slice %arg9[%dma_start3A_111, %dma_start3A_112] : memref<50048x32xf32, #tpu.memory_space<vmem_shared>> -> memref<50048x32xf32, #tpu.memory_space<vmem_shared>>
          tpu.enqueue_indirect_dma source(%dma_start3A_107 : memref<128x32xf32, #tpu.memory_space<vmem>>) target(%dma_start3A_113 : memref<50048x32xf32, #tpu.memory_space<vmem_shared>>) offsets(%dma_start3A_110 : memref<128xi32, #tpu.memory_space<vmem>>) semaphore(%run_scoped3A_103 : memref<!tpu.dma_semaphore, #tpu.memory_space<semaphore_mem>>) {add = true}
          %dma_wait3A_114 = arith.constant 0 : i32
          %dma_wait3A_115 = arith.constant 0 : i32
          %dma_wait3A_116 = tpu.memref_slice %arg8[%run_scoped3A, %dma_wait3A_114, %dma_wait3A_115] : memref<2x128x32xf32, #tpu.memory_space<vmem>> -> memref<1x128x32xf32, #tpu.memory_space<vmem>>
          %dma_wait3A_117 = tpu.memref_squeeze %dma_wait3A_116 : memref<1x128x32xf32, #tpu.memory_space<vmem>> -> memref<128x32xf32, #tpu.memory_space<vmem>>
          %dma_wait3A_118 = arith.constant 0 : i32
          %dma_wait3A_119 = tpu.memref_slice %arg7[%mul3A_50, %dma_wait3A_118] : memref<40x128xi32, #tpu.memory_space<vmem>> -> memref<1x128xi32, #tpu.memory_space<vmem>>
          %dma_wait3A_120 = tpu.memref_squeeze %dma_wait3A_119 : memref<1x128xi32, #tpu.memory_space<vmem>> -> memref<128xi32, #tpu.memory_space<vmem>>
          %dma_wait3A_121 = arith.constant 0 : i32
          %dma_wait3A_122 = arith.constant 0 : i32
          %dma_wait3A_123 = tpu.memref_slice %arg9[%dma_wait3A_121, %dma_wait3A_122] : memref<50048x32xf32, #tpu.memory_space<vmem_shared>> -> memref<50048x32xf32, #tpu.memory_space<vmem_shared>>
          tpu.wait_indirect_dma semaphore(%run_scoped3A_103 : memref<!tpu.dma_semaphore, #tpu.memory_space<semaphore_mem>>) src(%dma_wait3A_117 : memref<128x32xf32, #tpu.memory_space<vmem>>) dst(%dma_wait3A_123 : memref<50048x32xf32, #tpu.memory_space<vmem_shared>>)
          tpu.yield
        }) : () -> ()
        %lt3A_82 = arith.constant 19 : i32
        %lt3A_83 = arith.cmpi slt, %scan3A_48, %lt3A_82 : i32
        %convert_element_type3A_84 = arith.extui %lt3A_83 : i1 to i32
        %cond3A_85 = arith.constant 0 : i32
        %cond3A_86 = arith.cmpi ne, %convert_element_type3A_84, %cond3A_85 : i32
        scf.if %cond3A_86 {
          %add3A_103 = arith.constant 2 : i32
          %add3A_104 = arith.addi %mul3A_50, %add3A_103 : i32
          %dma_start3A_105 = arith.constant 0 : i32
          %dma_start3A_106 = arith.constant 0 : i32
          %dma_start3A_107 = arith.constant 0 : i32
          %dma_start3A_108 = tpu.memref_slice %arg8[%dma_start3A_105, %dma_start3A_106, %dma_start3A_107] : memref<2x128x32xf32, #tpu.memory_space<vmem>> -> memref<1x128x32xf32, #tpu.memory_space<vmem>>
          %dma_start3A_109 = tpu.memref_squeeze %dma_start3A_108 : memref<1x128x32xf32, #tpu.memory_space<vmem>> -> memref<128x32xf32, #tpu.memory_space<vmem>>
          %dma_start3A_110 = arith.constant 0 : i32
          %dma_start3A_111 = tpu.memref_slice %arg6[%add3A_104, %dma_start3A_110] : memref<40x128xi32, #tpu.memory_space<vmem>> -> memref<1x128xi32, #tpu.memory_space<vmem>>
          %dma_start3A_112 = tpu.memref_squeeze %dma_start3A_111 : memref<1x128xi32, #tpu.memory_space<vmem>> -> memref<128xi32, #tpu.memory_space<vmem>>
          %dma_start3A_113 = arith.constant 0 : i32
          %dma_start3A_114 = arith.constant 0 : i32
          %dma_start3A_115 = tpu.memref_slice %arg2[%arg0, %dma_start3A_113, %dma_start3A_114] : memref<2x50000x32xf32, #tpu.memory_space<hbm>> -> memref<1x50000x32xf32, #tpu.memory_space<hbm>>
          %dma_start3A_116 = tpu.memref_squeeze %dma_start3A_115 : memref<1x50000x32xf32, #tpu.memory_space<hbm>> -> memref<50000x32xf32, #tpu.memory_space<hbm>>
          %dma_start3A_117 = arith.constant 0 : i32
          %dma_start3A_118 = arith.constant 0 : i32
          %dma_start3A_119 = tpu.memref_slice %dma_start3A_116[%dma_start3A_117, %dma_start3A_118] : memref<50000x32xf32, #tpu.memory_space<hbm>> -> memref<50000x32xf32, #tpu.memory_space<hbm>>
          tpu.enqueue_indirect_dma source(%dma_start3A_119 : memref<50000x32xf32, #tpu.memory_space<hbm>>) target(%dma_start3A_109 : memref<128x32xf32, #tpu.memory_space<vmem>>) offsets(%dma_start3A_112 : memref<128xi32, #tpu.memory_space<vmem>>) semaphore(%arg10 : memref<!tpu.dma_semaphore, #tpu.memory_space<semaphore_mem>>)
        } else {
        }
        %dma_wait3A_87 = arith.constant 1 : i32
        %dma_wait3A_88 = arith.constant 0 : i32
        %dma_wait3A_89 = arith.constant 0 : i32
        %dma_wait3A_90 = tpu.memref_slice %arg8[%dma_wait3A_87, %dma_wait3A_88, %dma_wait3A_89] : memref<2x128x32xf32, #tpu.memory_space<vmem>> -> memref<1x128x32xf32, #tpu.memory_space<vmem>>
        %dma_wait3A_91 = tpu.memref_squeeze %dma_wait3A_90 : memref<1x128x32xf32, #tpu.memory_space<vmem>> -> memref<128x32xf32, #tpu.memory_space<vmem>>
        %dma_wait3A_92 = arith.constant 0 : i32
        %dma_wait3A_93 = tpu.memref_slice %arg6[%add3A_52, %dma_wait3A_92] : memref<40x128xi32, #tpu.memory_space<vmem>> -> memref<1x128xi32, #tpu.memory_space<vmem>>
        %dma_wait3A_94 = tpu.memref_squeeze %dma_wait3A_93 : memref<1x128xi32, #tpu.memory_space<vmem>> -> memref<128xi32, #tpu.memory_space<vmem>>
        %dma_wait3A_95 = arith.constant 0 : i32
        %dma_wait3A_96 = arith.constant 0 : i32
        %dma_wait3A_97 = tpu.memref_slice %arg2[%arg0, %dma_wait3A_95, %dma_wait3A_96] : memref<2x50000x32xf32, #tpu.memory_space<hbm>> -> memref<1x50000x32xf32, #tpu.memory_space<hbm>>
        %dma_wait3A_98 = tpu.memref_squeeze %dma_wait3A_97 : memref<1x50000x32xf32, #tpu.memory_space<hbm>> -> memref<50000x32xf32, #tpu.memory_space<hbm>>
        %dma_wait3A_99 = arith.constant 0 : i32
        %dma_wait3A_100 = arith.constant 0 : i32
        %dma_wait3A_101 = tpu.memref_slice %dma_wait3A_98[%dma_wait3A_99, %dma_wait3A_100] : memref<50000x32xf32, #tpu.memory_space<hbm>> -> memref<50000x32xf32, #tpu.memory_space<hbm>>
        tpu.wait_indirect_dma semaphore(%arg11 : memref<!tpu.dma_semaphore, #tpu.memory_space<semaphore_mem>>) src(%dma_wait3A_101 : memref<50000x32xf32, #tpu.memory_space<hbm>>) dst(%dma_wait3A_91 : memref<128x32xf32, #tpu.memory_space<vmem>>)
        %run_scoped3A_102 = arith.constant 1 : i32
        "tpu.region"() ({
          %run_scoped3A_103 = tpu.sem_alloc : memref<!tpu.dma_semaphore, #tpu.memory_space<semaphore_mem>>
          %dma_start3A_104 = arith.constant 0 : i32
          %dma_start3A_105 = arith.constant 0 : i32
          %dma_start3A_106 = tpu.memref_slice %arg8[%run_scoped3A_102, %dma_start3A_104, %dma_start3A_105] : memref<2x128x32xf32, #tpu.memory_space<vmem>> -> memref<1x128x32xf32, #tpu.memory_space<vmem>>
          %dma_start3A_107 = tpu.memref_squeeze %dma_start3A_106 : memref<1x128x32xf32, #tpu.memory_space<vmem>> -> memref<128x32xf32, #tpu.memory_space<vmem>>
          %dma_start3A_108 = arith.constant 0 : i32
          %dma_start3A_109 = tpu.memref_slice %arg7[%add3A_52, %dma_start3A_108] : memref<40x128xi32, #tpu.memory_space<vmem>> -> memref<1x128xi32, #tpu.memory_space<vmem>>
          %dma_start3A_110 = tpu.memref_squeeze %dma_start3A_109 : memref<1x128xi32, #tpu.memory_space<vmem>> -> memref<128xi32, #tpu.memory_space<vmem>>
          %dma_start3A_111 = arith.constant 0 : i32
          %dma_start3A_112 = arith.constant 0 : i32
          %dma_start3A_113 = tpu.memref_slice %arg9[%dma_start3A_111, %dma_start3A_112] : memref<50048x32xf32, #tpu.memory_space<vmem_shared>> -> memref<50048x32xf32, #tpu.memory_space<vmem_shared>>
          tpu.enqueue_indirect_dma source(%dma_start3A_107 : memref<128x32xf32, #tpu.memory_space<vmem>>) target(%dma_start3A_113 : memref<50048x32xf32, #tpu.memory_space<vmem_shared>>) offsets(%dma_start3A_110 : memref<128xi32, #tpu.memory_space<vmem>>) semaphore(%run_scoped3A_103 : memref<!tpu.dma_semaphore, #tpu.memory_space<semaphore_mem>>) {add = true}
          %dma_wait3A_114 = arith.constant 0 : i32
          %dma_wait3A_115 = arith.constant 0 : i32
          %dma_wait3A_116 = tpu.memref_slice %arg8[%run_scoped3A_102, %dma_wait3A_114, %dma_wait3A_115] : memref<2x128x32xf32, #tpu.memory_space<vmem>> -> memref<1x128x32xf32, #tpu.memory_space<vmem>>
          %dma_wait3A_117 = tpu.memref_squeeze %dma_wait3A_116 : memref<1x128x32xf32, #tpu.memory_space<vmem>> -> memref<128x32xf32, #tpu.memory_space<vmem>>
          %dma_wait3A_118 = arith.constant 0 : i32
          %dma_wait3A_119 = tpu.memref_slice %arg7[%add3A_52, %dma_wait3A_118] : memref<40x128xi32, #tpu.memory_space<vmem>> -> memref<1x128xi32, #tpu.memory_space<vmem>>
          %dma_wait3A_120 = tpu.memref_squeeze %dma_wait3A_119 : memref<1x128xi32, #tpu.memory_space<vmem>> -> memref<128xi32, #tpu.memory_space<vmem>>
          %dma_wait3A_121 = arith.constant 0 : i32
          %dma_wait3A_122 = arith.constant 0 : i32
          %dma_wait3A_123 = tpu.memref_slice %arg9[%dma_wait3A_121, %dma_wait3A_122] : memref<50048x32xf32, #tpu.memory_space<vmem_shared>> -> memref<50048x32xf32, #tpu.memory_space<vmem_shared>>
          tpu.wait_indirect_dma semaphore(%run_scoped3A_103 : memref<!tpu.dma_semaphore, #tpu.memory_space<semaphore_mem>>) src(%dma_wait3A_117 : memref<128x32xf32, #tpu.memory_space<vmem>>) dst(%dma_wait3A_123 : memref<50048x32xf32, #tpu.memory_space<vmem_shared>>)
          tpu.yield
        }) : () -> ()
      }
      %scan3A_47 = arith.constant 20 : i32
    }
    %scan3A_11 = arith.constant 10 : i32
    %barrier3A_12 = arith.constant 0 : index
    tpu.barrier barrier_id(%barrier3A_12)
    %lt3A_13 = arith.constant 15 : i32
    %lt3A_14 = arith.cmpi slt, %arg1, %lt3A_13 : i32
    %convert_element_type3A_15 = arith.extui %lt3A_14 : i1 to i32
    %cond3A_16 = arith.constant 0 : i32
    %cond3A_17 = arith.cmpi ne, %convert_element_type3A_15, %cond3A_16 : i32
    scf.if %cond3A_17 {
      "tpu.region"() ({
        %run_scoped3A = tpu.sem_alloc : memref<!tpu.dma_semaphore, #tpu.memory_space<semaphore_mem>>
        %dma_start3A = arith.constant 0 : i32
        %dma_start3A_23 = tpu.memref_slice %arg5[%arg0, %mul3A_0, %dma_start3A] : memref<2x50000x32xf32, #tpu.memory_space<hbm>> -> memref<1x3128x32xf32, #tpu.memory_space<hbm>>
        %dma_start3A_24 = tpu.memref_squeeze %dma_start3A_23 : memref<1x3128x32xf32, #tpu.memory_space<hbm>> -> memref<3128x32xf32, #tpu.memory_space<hbm>>
        %dma_start3A_25 = arith.constant 0 : i32
        %dma_start3A_26 = tpu.memref_slice %arg9[%mul3A_0, %dma_start3A_25] : memref<50048x32xf32, #tpu.memory_space<vmem_shared>> -> memref<3128x32xf32, #tpu.memory_space<vmem_shared>>
        tpu.enqueue_dma source(%dma_start3A_26 : memref<3128x32xf32, #tpu.memory_space<vmem_shared>>) target(%dma_start3A_24 : memref<3128x32xf32, #tpu.memory_space<hbm>>) target_semaphore(%run_scoped3A : memref<!tpu.dma_semaphore, #tpu.memory_space<semaphore_mem>>)
        %dma_wait3A = arith.constant 0 : i32
        %dma_wait3A_27 = tpu.memref_slice %arg5[%arg0, %mul3A_0, %dma_wait3A] : memref<2x50000x32xf32, #tpu.memory_space<hbm>> -> memref<1x3128x32xf32, #tpu.memory_space<hbm>>
        %dma_wait3A_28 = tpu.memref_squeeze %dma_wait3A_27 : memref<1x3128x32xf32, #tpu.memory_space<hbm>> -> memref<3128x32xf32, #tpu.memory_space<hbm>>
        %dma_wait3A_29 = arith.constant 0 : i32
        %dma_wait3A_30 = tpu.memref_slice %arg9[%mul3A_0, %dma_wait3A_29] : memref<50048x32xf32, #tpu.memory_space<vmem_shared>> -> memref<3128x32xf32, #tpu.memory_space<vmem_shared>>
        tpu.wait_dma2 semaphore(%run_scoped3A : memref<!tpu.dma_semaphore, #tpu.memory_space<semaphore_mem>>) src(%dma_wait3A_30 : memref<3128x32xf32, #tpu.memory_space<vmem_shared>>) dst(%dma_wait3A_28 : memref<3128x32xf32, #tpu.memory_space<hbm>>)
        tpu.yield
      }) : () -> ()
    } else {
    }
    %eq3A_18 = arith.constant 15 : i32
    %eq3A_19 = arith.cmpi eq, %arg1, %eq3A_18 : i32
    %convert_element_type3A_20 = arith.extui %eq3A_19 : i1 to i32
    %cond3A_21 = arith.constant 0 : i32
    %cond3A_22 = arith.cmpi ne, %convert_element_type3A_20, %cond3A_21 : i32
    scf.if %cond3A_22 {
      "tpu.region"() ({
        %run_scoped3A = tpu.sem_alloc : memref<!tpu.dma_semaphore, #tpu.memory_space<semaphore_mem>>
        %dma_start3A = arith.constant 0 : i32
        %dma_start3A_23 = tpu.memref_slice %arg5[%arg0, %mul3A_0, %dma_start3A] : memref<2x50000x32xf32, #tpu.memory_space<hbm>> -> memref<1x3080x32xf32, #tpu.memory_space<hbm>>
        %dma_start3A_24 = tpu.memref_squeeze %dma_start3A_23 : memref<1x3080x32xf32, #tpu.memory_space<hbm>> -> memref<3080x32xf32, #tpu.memory_space<hbm>>
        %dma_start3A_25 = arith.constant 0 : i32
        %dma_start3A_26 = tpu.memref_slice %arg9[%mul3A_0, %dma_start3A_25] : memref<50048x32xf32, #tpu.memory_space<vmem_shared>> -> memref<3080x32xf32, #tpu.memory_space<vmem_shared>>
        tpu.enqueue_dma source(%dma_start3A_26 : memref<3080x32xf32, #tpu.memory_space<vmem_shared>>) target(%dma_start3A_24 : memref<3080x32xf32, #tpu.memory_space<hbm>>) target_semaphore(%run_scoped3A : memref<!tpu.dma_semaphore, #tpu.memory_space<semaphore_mem>>)
        %dma_wait3A = arith.constant 0 : i32
        %dma_wait3A_27 = tpu.memref_slice %arg5[%arg0, %mul3A_0, %dma_wait3A] : memref<2x50000x32xf32, #tpu.memory_space<hbm>> -> memref<1x3080x32xf32, #tpu.memory_space<hbm>>
        %dma_wait3A_28 = tpu.memref_squeeze %dma_wait3A_27 : memref<1x3080x32xf32, #tpu.memory_space<hbm>> -> memref<3080x32xf32, #tpu.memory_space<hbm>>
        %dma_wait3A_29 = arith.constant 0 : i32
        %dma_wait3A_30 = tpu.memref_slice %arg9[%mul3A_0, %dma_wait3A_29] : memref<50048x32xf32, #tpu.memory_space<vmem_shared>> -> memref<3080x32xf32, #tpu.memory_space<vmem_shared>>
        tpu.wait_dma2 semaphore(%run_scoped3A : memref<!tpu.dma_semaphore, #tpu.memory_space<semaphore_mem>>) src(%dma_wait3A_30 : memref<3080x32xf32, #tpu.memory_space<vmem_shared>>) dst(%dma_wait3A_28 : memref<3080x32xf32, #tpu.memory_space<hbm>>)
        tpu.yield
      }) : () -> ()
    } else {
    }
    return
  }
}

#map = affine_map<(d0, d1) -> (0, 0, 0)>
#map1 = affine_map<(d0, d1) -> (0, 0)>
module attributes {stable_mosaic.version = 14 : i64} {
  func.func @_spmm_body(%arg0: i32, %arg1: i32, %arg2: memref<2x50000x32xf32, #tpu.memory_space<hbm>>, %arg3: memref<6400x128xi32, #tpu.memory_space<hbm>>, %arg4: memref<6400x128xi32, #tpu.memory_space<hbm>>, %arg5: memref<2x50000x32xf32, #tpu.memory_space<hbm>>, %arg6: memref<40x128xi32, #tpu.memory_space<vmem>>, %arg7: memref<40x128xi32, #tpu.memory_space<vmem>>, %arg8: memref<2x128x32xf32, #tpu.memory_space<vmem>>, %arg9: memref<50048x32xf32, #tpu.memory_space<vmem_shared>>, %arg10: memref<!tpu.dma_semaphore, #tpu.memory_space<semaphore_mem>>, %arg11: memref<!tpu.dma_semaphore, #tpu.memory_space<semaphore_mem>>) attributes {dimension_semantics = [#tpu.dimension_semantics<core_parallel>, #tpu.dimension_semantics<subcore_parallel>], iteration_bounds = array<i64: 2, 16>, scalar_prefetch = 0 : i64, scratch_operands = 6 : i64, tpu.core_type = #tpu.core_type<sc_vector_subcore>, window_params = [{transform_indices = #map}, {transform_indices = #map1}, {transform_indices = #map1}, {transform_indices = #map}]} {
    %mul3A = arith.constant 3128 : i32
    %mul3A_0 = arith.muli %arg1, %mul3A : i32
    %lt3A = arith.constant 15 : i32
    %lt3A_1 = arith.cmpi slt, %arg1, %lt3A : i32
    %convert_element_type3A = arith.extui %lt3A_1 : i1 to i32
    %cond3A = arith.constant 0 : i32
    %cond3A_2 = arith.cmpi ne, %convert_element_type3A, %cond3A : i32
    scf.if %cond3A_2 {
      "tpu.region"() ({
        %run_scoped3A = tpu.sem_alloc : memref<!tpu.dma_semaphore, #tpu.memory_space<semaphore_mem>>
        %dma_start3A = arith.constant 0 : i32
        %dma_start3A_23 = tpu.memref_slice %arg9[%mul3A_0, %dma_start3A] : memref<50048x32xf32, #tpu.memory_space<vmem_shared>> -> memref<3128x32xf32, #tpu.memory_space<vmem_shared>>
        %dma_start3A_24 = arith.constant 0 : i32
        %dma_start3A_25 = arith.constant 0 : i32
        %dma_start3A_26 = tpu.memref_slice %arg2[%arg0, %dma_start3A_24, %dma_start3A_25] : memref<2x50000x32xf32, #tpu.memory_space<hbm>> -> memref<1x50000x32xf32, #tpu.memory_space<hbm>>
        %dma_start3A_27 = tpu.memref_squeeze %dma_start3A_26 : memref<1x50000x32xf32, #tpu.memory_space<hbm>> -> memref<50000x32xf32, #tpu.memory_space<hbm>>
        %dma_start3A_28 = arith.constant 0 : i32
        %dma_start3A_29 = tpu.memref_slice %dma_start3A_27[%mul3A_0, %dma_start3A_28] : memref<50000x32xf32, #tpu.memory_space<hbm>> -> memref<3128x32xf32, #tpu.memory_space<hbm>>
        tpu.enqueue_dma source(%dma_start3A_29 : memref<3128x32xf32, #tpu.memory_space<hbm>>) target(%dma_start3A_23 : memref<3128x32xf32, #tpu.memory_space<vmem_shared>>) target_semaphore(%run_scoped3A : memref<!tpu.dma_semaphore, #tpu.memory_space<semaphore_mem>>)
        %dma_wait3A = arith.constant 0 : i32
        %dma_wait3A_30 = tpu.memref_slice %arg9[%mul3A_0, %dma_wait3A] : memref<50048x32xf32, #tpu.memory_space<vmem_shared>> -> memref<3128x32xf32, #tpu.memory_space<vmem_shared>>
        %dma_wait3A_31 = arith.constant 0 : i32
        %dma_wait3A_32 = arith.constant 0 : i32
        %dma_wait3A_33 = tpu.memref_slice %arg2[%arg0, %dma_wait3A_31, %dma_wait3A_32] : memref<2x50000x32xf32, #tpu.memory_space<hbm>> -> memref<1x50000x32xf32, #tpu.memory_space<hbm>>
        %dma_wait3A_34 = tpu.memref_squeeze %dma_wait3A_33 : memref<1x50000x32xf32, #tpu.memory_space<hbm>> -> memref<50000x32xf32, #tpu.memory_space<hbm>>
        %dma_wait3A_35 = arith.constant 0 : i32
        %dma_wait3A_36 = tpu.memref_slice %dma_wait3A_34[%mul3A_0, %dma_wait3A_35] : memref<50000x32xf32, #tpu.memory_space<hbm>> -> memref<3128x32xf32, #tpu.memory_space<hbm>>
        tpu.wait_dma2 semaphore(%run_scoped3A : memref<!tpu.dma_semaphore, #tpu.memory_space<semaphore_mem>>) src(%dma_wait3A_36 : memref<3128x32xf32, #tpu.memory_space<hbm>>) dst(%dma_wait3A_30 : memref<3128x32xf32, #tpu.memory_space<vmem_shared>>)
        tpu.yield
      }) : () -> ()
    } else {
    }
    %eq3A = arith.constant 15 : i32
    %eq3A_3 = arith.cmpi eq, %arg1, %eq3A : i32
    %convert_element_type3A_4 = arith.extui %eq3A_3 : i1 to i32
    %cond3A_5 = arith.constant 0 : i32
    %cond3A_6 = arith.cmpi ne, %convert_element_type3A_4, %cond3A_5 : i32
    scf.if %cond3A_6 {
      "tpu.region"() ({
        %run_scoped3A = tpu.sem_alloc : memref<!tpu.dma_semaphore, #tpu.memory_space<semaphore_mem>>
        %dma_start3A = arith.constant 0 : i32
        %dma_start3A_23 = tpu.memref_slice %arg9[%mul3A_0, %dma_start3A] : memref<50048x32xf32, #tpu.memory_space<vmem_shared>> -> memref<3080x32xf32, #tpu.memory_space<vmem_shared>>
        %dma_start3A_24 = arith.constant 0 : i32
        %dma_start3A_25 = arith.constant 0 : i32
        %dma_start3A_26 = tpu.memref_slice %arg2[%arg0, %dma_start3A_24, %dma_start3A_25] : memref<2x50000x32xf32, #tpu.memory_space<hbm>> -> memref<1x50000x32xf32, #tpu.memory_space<hbm>>
        %dma_start3A_27 = tpu.memref_squeeze %dma_start3A_26 : memref<1x50000x32xf32, #tpu.memory_space<hbm>> -> memref<50000x32xf32, #tpu.memory_space<hbm>>
        %dma_start3A_28 = arith.constant 0 : i32
        %dma_start3A_29 = tpu.memref_slice %dma_start3A_27[%mul3A_0, %dma_start3A_28] : memref<50000x32xf32, #tpu.memory_space<hbm>> -> memref<3080x32xf32, #tpu.memory_space<hbm>>
        tpu.enqueue_dma source(%dma_start3A_29 : memref<3080x32xf32, #tpu.memory_space<hbm>>) target(%dma_start3A_23 : memref<3080x32xf32, #tpu.memory_space<vmem_shared>>) target_semaphore(%run_scoped3A : memref<!tpu.dma_semaphore, #tpu.memory_space<semaphore_mem>>)
        %dma_wait3A = arith.constant 0 : i32
        %dma_wait3A_30 = tpu.memref_slice %arg9[%mul3A_0, %dma_wait3A] : memref<50048x32xf32, #tpu.memory_space<vmem_shared>> -> memref<3080x32xf32, #tpu.memory_space<vmem_shared>>
        %dma_wait3A_31 = arith.constant 0 : i32
        %dma_wait3A_32 = arith.constant 0 : i32
        %dma_wait3A_33 = tpu.memref_slice %arg2[%arg0, %dma_wait3A_31, %dma_wait3A_32] : memref<2x50000x32xf32, #tpu.memory_space<hbm>> -> memref<1x50000x32xf32, #tpu.memory_space<hbm>>
        %dma_wait3A_34 = tpu.memref_squeeze %dma_wait3A_33 : memref<1x50000x32xf32, #tpu.memory_space<hbm>> -> memref<50000x32xf32, #tpu.memory_space<hbm>>
        %dma_wait3A_35 = arith.constant 0 : i32
        %dma_wait3A_36 = tpu.memref_slice %dma_wait3A_34[%mul3A_0, %dma_wait3A_35] : memref<50000x32xf32, #tpu.memory_space<hbm>> -> memref<3080x32xf32, #tpu.memory_space<hbm>>
        tpu.wait_dma2 semaphore(%run_scoped3A : memref<!tpu.dma_semaphore, #tpu.memory_space<semaphore_mem>>) src(%dma_wait3A_36 : memref<3080x32xf32, #tpu.memory_space<hbm>>) dst(%dma_wait3A_30 : memref<3080x32xf32, #tpu.memory_space<vmem_shared>>)
        tpu.yield
      }) : () -> ()
    } else {
    }
    %barrier3A = arith.constant 0 : index
    tpu.barrier barrier_id(%barrier3A)
    %scan3A = arith.constant 0 : i32
    %scan3A_7 = arith.constant 0 : i32
    %scan3A_8 = arith.constant 10 : i32
    %scan3A_9 = arith.addi %scan3A_7, %scan3A_8 : i32
    %scan3A_10 = arith.constant 1 : i32
    scf.for %scan3A_23 = %scan3A_7 to %scan3A_9 step %scan3A_10  : i32 {
      %mul3A_24 = arith.constant 400 : i32
      %mul3A_25 = arith.muli %arg1, %mul3A_24 : i32
      %mul3A_26 = arith.constant 40 : i32
      %mul3A_27 = arith.muli %scan3A_23, %mul3A_26 : i32
      %add3A = arith.addi %mul3A_25, %mul3A_27 : i32
      "tpu.region"() ({
        %run_scoped3A = tpu.sem_alloc : memref<!tpu.dma_semaphore, #tpu.memory_space<semaphore_mem>>
        %dma_start3A_48 = arith.constant 0 : i32
        %dma_start3A_49 = tpu.memref_slice %arg3[%add3A, %dma_start3A_48] : memref<6400x128xi32, #tpu.memory_space<hbm>> -> memref<40x128xi32, #tpu.memory_space<hbm>>
        %dma_start3A_50 = arith.constant 0 : i32
        %dma_start3A_51 = tpu.memref_slice %arg3[%add3A, %dma_start3A_50] : memref<6400x128xi32, #tpu.memory_space<hbm>> -> memref<40x128xi32, #tpu.memory_space<hbm>>
        tpu.enqueue_dma source(%dma_start3A_51 : memref<40x128xi32, #tpu.memory_space<hbm>>) target(%arg6 : memref<40x128xi32, #tpu.memory_space<vmem>>) target_semaphore(%run_scoped3A : memref<!tpu.dma_semaphore, #tpu.memory_space<semaphore_mem>>)
        %dma_wait3A = arith.constant 0 : i32
        %dma_wait3A_52 = tpu.memref_slice %arg3[%add3A, %dma_wait3A] : memref<6400x128xi32, #tpu.memory_space<hbm>> -> memref<40x128xi32, #tpu.memory_space<hbm>>
        %dma_wait3A_53 = arith.constant 0 : i32
        %dma_wait3A_54 = tpu.memref_slice %arg3[%add3A, %dma_wait3A_53] : memref<6400x128xi32, #tpu.memory_space<hbm>> -> memref<40x128xi32, #tpu.memory_space<hbm>>
        tpu.wait_dma2 semaphore(%run_scoped3A : memref<!tpu.dma_semaphore, #tpu.memory_space<semaphore_mem>>) src(%dma_wait3A_54 : memref<40x128xi32, #tpu.memory_space<hbm>>) dst(%arg6 : memref<40x128xi32, #tpu.memory_space<vmem>>)
        tpu.yield
      }) : () -> ()
      "tpu.region"() ({
        %run_scoped3A = tpu.sem_alloc : memref<!tpu.dma_semaphore, #tpu.memory_space<semaphore_mem>>
        %dma_start3A_48 = arith.constant 0 : i32
        %dma_start3A_49 = tpu.memref_slice %arg4[%add3A, %dma_start3A_48] : memref<6400x128xi32, #tpu.memory_space<hbm>> -> memref<40x128xi32, #tpu.memory_space<hbm>>
        %dma_start3A_50 = arith.constant 0 : i32
        %dma_start3A_51 = tpu.memref_slice %arg4[%add3A, %dma_start3A_50] : memref<6400x128xi32, #tpu.memory_space<hbm>> -> memref<40x128xi32, #tpu.memory_space<hbm>>
        tpu.enqueue_dma source(%dma_start3A_51 : memref<40x128xi32, #tpu.memory_space<hbm>>) target(%arg7 : memref<40x128xi32, #tpu.memory_space<vmem>>) target_semaphore(%run_scoped3A : memref<!tpu.dma_semaphore, #tpu.memory_space<semaphore_mem>>)
        %dma_wait3A = arith.constant 0 : i32
        %dma_wait3A_52 = tpu.memref_slice %arg4[%add3A, %dma_wait3A] : memref<6400x128xi32, #tpu.memory_space<hbm>> -> memref<40x128xi32, #tpu.memory_space<hbm>>
        %dma_wait3A_53 = arith.constant 0 : i32
        %dma_wait3A_54 = tpu.memref_slice %arg4[%add3A, %dma_wait3A_53] : memref<6400x128xi32, #tpu.memory_space<hbm>> -> memref<40x128xi32, #tpu.memory_space<hbm>>
        tpu.wait_dma2 semaphore(%run_scoped3A : memref<!tpu.dma_semaphore, #tpu.memory_space<semaphore_mem>>) src(%dma_wait3A_54 : memref<40x128xi32, #tpu.memory_space<hbm>>) dst(%arg7 : memref<40x128xi32, #tpu.memory_space<vmem>>)
        tpu.yield
      }) : () -> ()
      %dma_start3A = arith.constant 0 : i32
      %dma_start3A_28 = arith.constant 0 : i32
      %dma_start3A_29 = arith.constant 0 : i32
      %dma_start3A_30 = arith.constant 0 : i32
      %dma_start3A_31 = tpu.memref_slice %arg8[%dma_start3A_28, %dma_start3A_29, %dma_start3A_30] : memref<2x128x32xf32, #tpu.memory_space<vmem>> -> memref<1x128x32xf32, #tpu.memory_space<vmem>>
      %dma_start3A_32 = tpu.memref_squeeze %dma_start3A_31 : memref<1x128x32xf32, #tpu.memory_space<vmem>> -> memref<128x32xf32, #tpu.memory_space<vmem>>
      %dma_start3A_33 = arith.constant 0 : i32
      %dma_start3A_34 = tpu.memref_slice %arg6[%dma_start3A, %dma_start3A_33] : memref<40x128xi32, #tpu.memory_space<vmem>> -> memref<1x128xi32, #tpu.memory_space<vmem>>
      %dma_start3A_35 = tpu.memref_squeeze %dma_start3A_34 : memref<1x128xi32, #tpu.memory_space<vmem>> -> memref<128xi32, #tpu.memory_space<vmem>>
      %dma_start3A_36 = arith.constant 0 : i32
      %dma_start3A_37 = arith.constant 0 : i32
      %dma_start3A_38 = tpu.memref_slice %arg2[%arg0, %dma_start3A_36, %dma_start3A_37] : memref<2x50000x32xf32, #tpu.memory_space<hbm>> -> memref<1x50000x32xf32, #tpu.memory_space<hbm>>
      %dma_start3A_39 = tpu.memref_squeeze %dma_start3A_38 : memref<1x50000x32xf32, #tpu.memory_space<hbm>> -> memref<50000x32xf32, #tpu.memory_space<hbm>>
      %dma_start3A_40 = arith.constant 0 : i32
      %dma_start3A_41 = arith.constant 0 : i32
      %dma_start3A_42 = tpu.memref_slice %dma_start3A_39[%dma_start3A_40, %dma_start3A_41] : memref<50000x32xf32, #tpu.memory_space<hbm>> -> memref<50000x32xf32, #tpu.memory_space<hbm>>
      tpu.enqueue_indirect_dma source(%dma_start3A_42 : memref<50000x32xf32, #tpu.memory_space<hbm>>) target(%dma_start3A_32 : memref<128x32xf32, #tpu.memory_space<vmem>>) offsets(%dma_start3A_35 : memref<128xi32, #tpu.memory_space<vmem>>) semaphore(%arg10 : memref<!tpu.dma_semaphore, #tpu.memory_space<semaphore_mem>>)
      %scan3A_43 = arith.constant 0 : i32
      %scan3A_44 = arith.constant 20 : i32
      %scan3A_45 = arith.addi %scan3A_43, %scan3A_44 : i32
      %scan3A_46 = arith.constant 1 : i32
      scf.for %scan3A_48 = %scan3A_43 to %scan3A_45 step %scan3A_46  : i32 {
        %mul3A_49 = arith.constant 2 : i32
        %mul3A_50 = arith.muli %mul3A_49, %scan3A_48 : i32
        %add3A_51 = arith.constant 1 : i32
        %add3A_52 = arith.addi %mul3A_50, %add3A_51 : i32
        %dma_start3A_53 = arith.constant 1 : i32
        %dma_start3A_54 = arith.constant 0 : i32
        %dma_start3A_55 = arith.constant 0 : i32
        %dma_start3A_56 = tpu.memref_slice %arg8[%dma_start3A_53, %dma_start3A_54, %dma_start3A_55] : memref<2x128x32xf32, #tpu.memory_space<vmem>> -> memref<1x128x32xf32, #tpu.memory_space<vmem>>
        %dma_start3A_57 = tpu.memref_squeeze %dma_start3A_56 : memref<1x128x32xf32, #tpu.memory_space<vmem>> -> memref<128x32xf32, #tpu.memory_space<vmem>>
        %dma_start3A_58 = arith.constant 0 : i32
        %dma_start3A_59 = tpu.memref_slice %arg6[%add3A_52, %dma_start3A_58] : memref<40x128xi32, #tpu.memory_space<vmem>> -> memref<1x128xi32, #tpu.memory_space<vmem>>
        %dma_start3A_60 = tpu.memref_squeeze %dma_start3A_59 : memref<1x128xi32, #tpu.memory_space<vmem>> -> memref<128xi32, #tpu.memory_space<vmem>>
        %dma_start3A_61 = arith.constant 0 : i32
        %dma_start3A_62 = arith.constant 0 : i32
        %dma_start3A_63 = tpu.memref_slice %arg2[%arg0, %dma_start3A_61, %dma_start3A_62] : memref<2x50000x32xf32, #tpu.memory_space<hbm>> -> memref<1x50000x32xf32, #tpu.memory_space<hbm>>
        %dma_start3A_64 = tpu.memref_squeeze %dma_start3A_63 : memref<1x50000x32xf32, #tpu.memory_space<hbm>> -> memref<50000x32xf32, #tpu.memory_space<hbm>>
        %dma_start3A_65 = arith.constant 0 : i32
        %dma_start3A_66 = arith.constant 0 : i32
        %dma_start3A_67 = tpu.memref_slice %dma_start3A_64[%dma_start3A_65, %dma_start3A_66] : memref<50000x32xf32, #tpu.memory_space<hbm>> -> memref<50000x32xf32, #tpu.memory_space<hbm>>
        tpu.enqueue_indirect_dma source(%dma_start3A_67 : memref<50000x32xf32, #tpu.memory_space<hbm>>) target(%dma_start3A_57 : memref<128x32xf32, #tpu.memory_space<vmem>>) offsets(%dma_start3A_60 : memref<128xi32, #tpu.memory_space<vmem>>) semaphore(%arg11 : memref<!tpu.dma_semaphore, #tpu.memory_space<semaphore_mem>>)
        %dma_wait3A = arith.constant 0 : i32
        %dma_wait3A_68 = arith.constant 0 : i32
        %dma_wait3A_69 = arith.constant 0 : i32
        %dma_wait3A_70 = tpu.memref_slice %arg8[%dma_wait3A, %dma_wait3A_68, %dma_wait3A_69] : memref<2x128x32xf32, #tpu.memory_space<vmem>> -> memref<1x128x32xf32, #tpu.memory_space<vmem>>
        %dma_wait3A_71 = tpu.memref_squeeze %dma_wait3A_70 : memref<1x128x32xf32, #tpu.memory_space<vmem>> -> memref<128x32xf32, #tpu.memory_space<vmem>>
        %dma_wait3A_72 = arith.constant 0 : i32
        %dma_wait3A_73 = tpu.memref_slice %arg6[%mul3A_50, %dma_wait3A_72] : memref<40x128xi32, #tpu.memory_space<vmem>> -> memref<1x128xi32, #tpu.memory_space<vmem>>
        %dma_wait3A_74 = tpu.memref_squeeze %dma_wait3A_73 : memref<1x128xi32, #tpu.memory_space<vmem>> -> memref<128xi32, #tpu.memory_space<vmem>>
        %dma_wait3A_75 = arith.constant 0 : i32
        %dma_wait3A_76 = arith.constant 0 : i32
        %dma_wait3A_77 = tpu.memref_slice %arg2[%arg0, %dma_wait3A_75, %dma_wait3A_76] : memref<2x50000x32xf32, #tpu.memory_space<hbm>> -> memref<1x50000x32xf32, #tpu.memory_space<hbm>>
        %dma_wait3A_78 = tpu.memref_squeeze %dma_wait3A_77 : memref<1x50000x32xf32, #tpu.memory_space<hbm>> -> memref<50000x32xf32, #tpu.memory_space<hbm>>
        %dma_wait3A_79 = arith.constant 0 : i32
        %dma_wait3A_80 = arith.constant 0 : i32
        %dma_wait3A_81 = tpu.memref_slice %dma_wait3A_78[%dma_wait3A_79, %dma_wait3A_80] : memref<50000x32xf32, #tpu.memory_space<hbm>> -> memref<50000x32xf32, #tpu.memory_space<hbm>>
        tpu.wait_indirect_dma semaphore(%arg10 : memref<!tpu.dma_semaphore, #tpu.memory_space<semaphore_mem>>) src(%dma_wait3A_81 : memref<50000x32xf32, #tpu.memory_space<hbm>>) dst(%dma_wait3A_71 : memref<128x32xf32, #tpu.memory_space<vmem>>)
        %run_scoped3A = arith.constant 0 : i32
        "tpu.region"() ({
          %run_scoped3A_103 = tpu.sem_alloc : memref<!tpu.dma_semaphore, #tpu.memory_space<semaphore_mem>>
          %dma_start3A_104 = arith.constant 0 : i32
          %dma_start3A_105 = arith.constant 0 : i32
          %dma_start3A_106 = tpu.memref_slice %arg8[%run_scoped3A, %dma_start3A_104, %dma_start3A_105] : memref<2x128x32xf32, #tpu.memory_space<vmem>> -> memref<1x128x32xf32, #tpu.memory_space<vmem>>
          %dma_start3A_107 = tpu.memref_squeeze %dma_start3A_106 : memref<1x128x32xf32, #tpu.memory_space<vmem>> -> memref<128x32xf32, #tpu.memory_space<vmem>>
          %dma_start3A_108 = arith.constant 0 : i32
          %dma_start3A_109 = tpu.memref_slice %arg7[%mul3A_50, %dma_start3A_108] : memref<40x128xi32, #tpu.memory_space<vmem>> -> memref<1x128xi32, #tpu.memory_space<vmem>>
          %dma_start3A_110 = tpu.memref_squeeze %dma_start3A_109 : memref<1x128xi32, #tpu.memory_space<vmem>> -> memref<128xi32, #tpu.memory_space<vmem>>
          %dma_start3A_111 = arith.constant 0 : i32
          %dma_start3A_112 = arith.constant 0 : i32
          %dma_start3A_113 = tpu.memref_slice %arg9[%dma_start3A_111, %dma_start3A_112] : memref<50048x32xf32, #tpu.memory_space<vmem_shared>> -> memref<50048x32xf32, #tpu.memory_space<vmem_shared>>
          tpu.enqueue_indirect_dma source(%dma_start3A_107 : memref<128x32xf32, #tpu.memory_space<vmem>>) target(%dma_start3A_113 : memref<50048x32xf32, #tpu.memory_space<vmem_shared>>) offsets(%dma_start3A_110 : memref<128xi32, #tpu.memory_space<vmem>>) semaphore(%run_scoped3A_103 : memref<!tpu.dma_semaphore, #tpu.memory_space<semaphore_mem>>) {add = true}
          %dma_wait3A_114 = arith.constant 0 : i32
          %dma_wait3A_115 = arith.constant 0 : i32
          %dma_wait3A_116 = tpu.memref_slice %arg8[%run_scoped3A, %dma_wait3A_114, %dma_wait3A_115] : memref<2x128x32xf32, #tpu.memory_space<vmem>> -> memref<1x128x32xf32, #tpu.memory_space<vmem>>
          %dma_wait3A_117 = tpu.memref_squeeze %dma_wait3A_116 : memref<1x128x32xf32, #tpu.memory_space<vmem>> -> memref<128x32xf32, #tpu.memory_space<vmem>>
          %dma_wait3A_118 = arith.constant 0 : i32
          %dma_wait3A_119 = tpu.memref_slice %arg7[%mul3A_50, %dma_wait3A_118] : memref<40x128xi32, #tpu.memory_space<vmem>> -> memref<1x128xi32, #tpu.memory_space<vmem>>
          %dma_wait3A_120 = tpu.memref_squeeze %dma_wait3A_119 : memref<1x128xi32, #tpu.memory_space<vmem>> -> memref<128xi32, #tpu.memory_space<vmem>>
          %dma_wait3A_121 = arith.constant 0 : i32
          %dma_wait3A_122 = arith.constant 0 : i32
          %dma_wait3A_123 = tpu.memref_slice %arg9[%dma_wait3A_121, %dma_wait3A_122] : memref<50048x32xf32, #tpu.memory_space<vmem_shared>> -> memref<50048x32xf32, #tpu.memory_space<vmem_shared>>
          tpu.wait_indirect_dma semaphore(%run_scoped3A_103 : memref<!tpu.dma_semaphore, #tpu.memory_space<semaphore_mem>>) src(%dma_wait3A_117 : memref<128x32xf32, #tpu.memory_space<vmem>>) dst(%dma_wait3A_123 : memref<50048x32xf32, #tpu.memory_space<vmem_shared>>)
          tpu.yield
        }) : () -> ()
        %lt3A_82 = arith.constant 19 : i32
        %lt3A_83 = arith.cmpi slt, %scan3A_48, %lt3A_82 : i32
        %convert_element_type3A_84 = arith.extui %lt3A_83 : i1 to i32
        %cond3A_85 = arith.constant 0 : i32
        %cond3A_86 = arith.cmpi ne, %convert_element_type3A_84, %cond3A_85 : i32
        scf.if %cond3A_86 {
          %add3A_103 = arith.constant 2 : i32
          %add3A_104 = arith.addi %mul3A_50, %add3A_103 : i32
          %dma_start3A_105 = arith.constant 0 : i32
          %dma_start3A_106 = arith.constant 0 : i32
          %dma_start3A_107 = arith.constant 0 : i32
          %dma_start3A_108 = tpu.memref_slice %arg8[%dma_start3A_105, %dma_start3A_106, %dma_start3A_107] : memref<2x128x32xf32, #tpu.memory_space<vmem>> -> memref<1x128x32xf32, #tpu.memory_space<vmem>>
          %dma_start3A_109 = tpu.memref_squeeze %dma_start3A_108 : memref<1x128x32xf32, #tpu.memory_space<vmem>> -> memref<128x32xf32, #tpu.memory_space<vmem>>
          %dma_start3A_110 = arith.constant 0 : i32
          %dma_start3A_111 = tpu.memref_slice %arg6[%add3A_104, %dma_start3A_110] : memref<40x128xi32, #tpu.memory_space<vmem>> -> memref<1x128xi32, #tpu.memory_space<vmem>>
          %dma_start3A_112 = tpu.memref_squeeze %dma_start3A_111 : memref<1x128xi32, #tpu.memory_space<vmem>> -> memref<128xi32, #tpu.memory_space<vmem>>
          %dma_start3A_113 = arith.constant 0 : i32
          %dma_start3A_114 = arith.constant 0 : i32
          %dma_start3A_115 = tpu.memref_slice %arg2[%arg0, %dma_start3A_113, %dma_start3A_114] : memref<2x50000x32xf32, #tpu.memory_space<hbm>> -> memref<1x50000x32xf32, #tpu.memory_space<hbm>>
          %dma_start3A_116 = tpu.memref_squeeze %dma_start3A_115 : memref<1x50000x32xf32, #tpu.memory_space<hbm>> -> memref<50000x32xf32, #tpu.memory_space<hbm>>
          %dma_start3A_117 = arith.constant 0 : i32
          %dma_start3A_118 = arith.constant 0 : i32
          %dma_start3A_119 = tpu.memref_slice %dma_start3A_116[%dma_start3A_117, %dma_start3A_118] : memref<50000x32xf32, #tpu.memory_space<hbm>> -> memref<50000x32xf32, #tpu.memory_space<hbm>>
          tpu.enqueue_indirect_dma source(%dma_start3A_119 : memref<50000x32xf32, #tpu.memory_space<hbm>>) target(%dma_start3A_109 : memref<128x32xf32, #tpu.memory_space<vmem>>) offsets(%dma_start3A_112 : memref<128xi32, #tpu.memory_space<vmem>>) semaphore(%arg10 : memref<!tpu.dma_semaphore, #tpu.memory_space<semaphore_mem>>)
        } else {
        }
        %dma_wait3A_87 = arith.constant 1 : i32
        %dma_wait3A_88 = arith.constant 0 : i32
        %dma_wait3A_89 = arith.constant 0 : i32
        %dma_wait3A_90 = tpu.memref_slice %arg8[%dma_wait3A_87, %dma_wait3A_88, %dma_wait3A_89] : memref<2x128x32xf32, #tpu.memory_space<vmem>> -> memref<1x128x32xf32, #tpu.memory_space<vmem>>
        %dma_wait3A_91 = tpu.memref_squeeze %dma_wait3A_90 : memref<1x128x32xf32, #tpu.memory_space<vmem>> -> memref<128x32xf32, #tpu.memory_space<vmem>>
        %dma_wait3A_92 = arith.constant 0 : i32
        %dma_wait3A_93 = tpu.memref_slice %arg6[%add3A_52, %dma_wait3A_92] : memref<40x128xi32, #tpu.memory_space<vmem>> -> memref<1x128xi32, #tpu.memory_space<vmem>>
        %dma_wait3A_94 = tpu.memref_squeeze %dma_wait3A_93 : memref<1x128xi32, #tpu.memory_space<vmem>> -> memref<128xi32, #tpu.memory_space<vmem>>
        %dma_wait3A_95 = arith.constant 0 : i32
        %dma_wait3A_96 = arith.constant 0 : i32
        %dma_wait3A_97 = tpu.memref_slice %arg2[%arg0, %dma_wait3A_95, %dma_wait3A_96] : memref<2x50000x32xf32, #tpu.memory_space<hbm>> -> memref<1x50000x32xf32, #tpu.memory_space<hbm>>
        %dma_wait3A_98 = tpu.memref_squeeze %dma_wait3A_97 : memref<1x50000x32xf32, #tpu.memory_space<hbm>> -> memref<50000x32xf32, #tpu.memory_space<hbm>>
        %dma_wait3A_99 = arith.constant 0 : i32
        %dma_wait3A_100 = arith.constant 0 : i32
        %dma_wait3A_101 = tpu.memref_slice %dma_wait3A_98[%dma_wait3A_99, %dma_wait3A_100] : memref<50000x32xf32, #tpu.memory_space<hbm>> -> memref<50000x32xf32, #tpu.memory_space<hbm>>
        tpu.wait_indirect_dma semaphore(%arg11 : memref<!tpu.dma_semaphore, #tpu.memory_space<semaphore_mem>>) src(%dma_wait3A_101 : memref<50000x32xf32, #tpu.memory_space<hbm>>) dst(%dma_wait3A_91 : memref<128x32xf32, #tpu.memory_space<vmem>>)
        %run_scoped3A_102 = arith.constant 1 : i32
        "tpu.region"() ({
          %run_scoped3A_103 = tpu.sem_alloc : memref<!tpu.dma_semaphore, #tpu.memory_space<semaphore_mem>>
          %dma_start3A_104 = arith.constant 0 : i32
          %dma_start3A_105 = arith.constant 0 : i32
          %dma_start3A_106 = tpu.memref_slice %arg8[%run_scoped3A_102, %dma_start3A_104, %dma_start3A_105] : memref<2x128x32xf32, #tpu.memory_space<vmem>> -> memref<1x128x32xf32, #tpu.memory_space<vmem>>
          %dma_start3A_107 = tpu.memref_squeeze %dma_start3A_106 : memref<1x128x32xf32, #tpu.memory_space<vmem>> -> memref<128x32xf32, #tpu.memory_space<vmem>>
          %dma_start3A_108 = arith.constant 0 : i32
          %dma_start3A_109 = tpu.memref_slice %arg7[%add3A_52, %dma_start3A_108] : memref<40x128xi32, #tpu.memory_space<vmem>> -> memref<1x128xi32, #tpu.memory_space<vmem>>
          %dma_start3A_110 = tpu.memref_squeeze %dma_start3A_109 : memref<1x128xi32, #tpu.memory_space<vmem>> -> memref<128xi32, #tpu.memory_space<vmem>>
          %dma_start3A_111 = arith.constant 0 : i32
          %dma_start3A_112 = arith.constant 0 : i32
          %dma_start3A_113 = tpu.memref_slice %arg9[%dma_start3A_111, %dma_start3A_112] : memref<50048x32xf32, #tpu.memory_space<vmem_shared>> -> memref<50048x32xf32, #tpu.memory_space<vmem_shared>>
          tpu.enqueue_indirect_dma source(%dma_start3A_107 : memref<128x32xf32, #tpu.memory_space<vmem>>) target(%dma_start3A_113 : memref<50048x32xf32, #tpu.memory_space<vmem_shared>>) offsets(%dma_start3A_110 : memref<128xi32, #tpu.memory_space<vmem>>) semaphore(%run_scoped3A_103 : memref<!tpu.dma_semaphore, #tpu.memory_space<semaphore_mem>>) {add = true}
          %dma_wait3A_114 = arith.constant 0 : i32
          %dma_wait3A_115 = arith.constant 0 : i32
          %dma_wait3A_116 = tpu.memref_slice %arg8[%run_scoped3A_102, %dma_wait3A_114, %dma_wait3A_115] : memref<2x128x32xf32, #tpu.memory_space<vmem>> -> memref<1x128x32xf32, #tpu.memory_space<vmem>>
          %dma_wait3A_117 = tpu.memref_squeeze %dma_wait3A_116 : memref<1x128x32xf32, #tpu.memory_space<vmem>> -> memref<128x32xf32, #tpu.memory_space<vmem>>
          %dma_wait3A_118 = arith.constant 0 : i32
          %dma_wait3A_119 = tpu.memref_slice %arg7[%add3A_52, %dma_wait3A_118] : memref<40x128xi32, #tpu.memory_space<vmem>> -> memref<1x128xi32, #tpu.memory_space<vmem>>
          %dma_wait3A_120 = tpu.memref_squeeze %dma_wait3A_119 : memref<1x128xi32, #tpu.memory_space<vmem>> -> memref<128xi32, #tpu.memory_space<vmem>>
          %dma_wait3A_121 = arith.constant 0 : i32
          %dma_wait3A_122 = arith.constant 0 : i32
          %dma_wait3A_123 = tpu.memref_slice %arg9[%dma_wait3A_121, %dma_wait3A_122] : memref<50048x32xf32, #tpu.memory_space<vmem_shared>> -> memref<50048x32xf32, #tpu.memory_space<vmem_shared>>
          tpu.wait_indirect_dma semaphore(%run_scoped3A_103 : memref<!tpu.dma_semaphore, #tpu.memory_space<semaphore_mem>>) src(%dma_wait3A_117 : memref<128x32xf32, #tpu.memory_space<vmem>>) dst(%dma_wait3A_123 : memref<50048x32xf32, #tpu.memory_space<vmem_shared>>)
          tpu.yield
        }) : () -> ()
      }
      %scan3A_47 = arith.constant 20 : i32
    }
    %scan3A_11 = arith.constant 10 : i32
    %barrier3A_12 = arith.constant 0 : index
    tpu.barrier barrier_id(%barrier3A_12)
    %lt3A_13 = arith.constant 15 : i32
    %lt3A_14 = arith.cmpi slt, %arg1, %lt3A_13 : i32
    %convert_element_type3A_15 = arith.extui %lt3A_14 : i1 to i32
    %cond3A_16 = arith.constant 0 : i32
    %cond3A_17 = arith.cmpi ne, %convert_element_type3A_15, %cond3A_16 : i32
    scf.if %cond3A_17 {
      "tpu.region"() ({
        %run_scoped3A = tpu.sem_alloc : memref<!tpu.dma_semaphore, #tpu.memory_space<semaphore_mem>>
        %dma_start3A = arith.constant 0 : i32
        %dma_start3A_23 = tpu.memref_slice %arg5[%arg0, %mul3A_0, %dma_start3A] : memref<2x50000x32xf32, #tpu.memory_space<hbm>> -> memref<1x3128x32xf32, #tpu.memory_space<hbm>>
        %dma_start3A_24 = tpu.memref_squeeze %dma_start3A_23 : memref<1x3128x32xf32, #tpu.memory_space<hbm>> -> memref<3128x32xf32, #tpu.memory_space<hbm>>
        %dma_start3A_25 = arith.constant 0 : i32
        %dma_start3A_26 = tpu.memref_slice %arg9[%mul3A_0, %dma_start3A_25] : memref<50048x32xf32, #tpu.memory_space<vmem_shared>> -> memref<3128x32xf32, #tpu.memory_space<vmem_shared>>
        tpu.enqueue_dma source(%dma_start3A_26 : memref<3128x32xf32, #tpu.memory_space<vmem_shared>>) target(%dma_start3A_24 : memref<3128x32xf32, #tpu.memory_space<hbm>>) target_semaphore(%run_scoped3A : memref<!tpu.dma_semaphore, #tpu.memory_space<semaphore_mem>>)
        %dma_wait3A = arith.constant 0 : i32
        %dma_wait3A_27 = tpu.memref_slice %arg5[%arg0, %mul3A_0, %dma_wait3A] : memref<2x50000x32xf32, #tpu.memory_space<hbm>> -> memref<1x3128x32xf32, #tpu.memory_space<hbm>>
        %dma_wait3A_28 = tpu.memref_squeeze %dma_wait3A_27 : memref<1x3128x32xf32, #tpu.memory_space<hbm>> -> memref<3128x32xf32, #tpu.memory_space<hbm>>
        %dma_wait3A_29 = arith.constant 0 : i32
        %dma_wait3A_30 = tpu.memref_slice %arg9[%mul3A_0, %dma_wait3A_29] : memref<50048x32xf32, #tpu.memory_space<vmem_shared>> -> memref<3128x32xf32, #tpu.memory_space<vmem_shared>>
        tpu.wait_dma2 semaphore(%run_scoped3A : memref<!tpu.dma_semaphore, #tpu.memory_space<semaphore_mem>>) src(%dma_wait3A_30 : memref<3128x32xf32, #tpu.memory_space<vmem_shared>>) dst(%dma_wait3A_28 : memref<3128x32xf32, #tpu.memory_space<hbm>>)
        tpu.yield
      }) : () -> ()
    } else {
    }
    %eq3A_18 = arith.constant 15 : i32
    %eq3A_19 = arith.cmpi eq, %arg1, %eq3A_18 : i32
    %convert_element_type3A_20 = arith.extui %eq3A_19 : i1 to i32
    %cond3A_21 = arith.constant 0 : i32
    %cond3A_22 = arith.cmpi ne, %convert_element_type3A_20, %cond3A_21 : i32
    scf.if %cond3A_22 {
      "tpu.region"() ({
        %run_scoped3A = tpu.sem_alloc : memref<!tpu.dma_semaphore, #tpu.memory_space<semaphore_mem>>
        %dma_start3A = arith.constant 0 : i32
        %dma_start3A_23 = tpu.memref_slice %arg5[%arg0, %mul3A_0, %dma_start3A] : memref<2x50000x32xf32, #tpu.memory_space<hbm>> -> memref<1x3080x32xf32, #tpu.memory_space<hbm>>
        %dma_start3A_24 = tpu.memref_squeeze %dma_start3A_23 : memref<1x3080x32xf32, #tpu.memory_space<hbm>> -> memref<3080x32xf32, #tpu.memory_space<hbm>>
        %dma_start3A_25 = arith.constant 0 : i32
        %dma_start3A_26 = tpu.memref_slice %arg9[%mul3A_0, %dma_start3A_25] : memref<50048x32xf32, #tpu.memory_space<vmem_shared>> -> memref<3080x32xf32, #tpu.memory_space<vmem_shared>>
        tpu.enqueue_dma source(%dma_start3A_26 : memref<3080x32xf32, #tpu.memory_space<vmem_shared>>) target(%dma_start3A_24 : memref<3080x32xf32, #tpu.memory_space<hbm>>) target_semaphore(%run_scoped3A : memref<!tpu.dma_semaphore, #tpu.memory_space<semaphore_mem>>)
        %dma_wait3A = arith.constant 0 : i32
        %dma_wait3A_27 = tpu.memref_slice %arg5[%arg0, %mul3A_0, %dma_wait3A] : memref<2x50000x32xf32, #tpu.memory_space<hbm>> -> memref<1x3080x32xf32, #tpu.memory_space<hbm>>
        %dma_wait3A_28 = tpu.memref_squeeze %dma_wait3A_27 : memref<1x3080x32xf32, #tpu.memory_space<hbm>> -> memref<3080x32xf32, #tpu.memory_space<hbm>>
        %dma_wait3A_29 = arith.constant 0 : i32
        %dma_wait3A_30 = tpu.memref_slice %arg9[%mul3A_0, %dma_wait3A_29] : memref<50048x32xf32, #tpu.memory_space<vmem_shared>> -> memref<3080x32xf32, #tpu.memory_space<vmem_shared>>
        tpu.wait_dma2 semaphore(%run_scoped3A : memref<!tpu.dma_semaphore, #tpu.memory_space<semaphore_mem>>) src(%dma_wait3A_30 : memref<3080x32xf32, #tpu.memory_space<vmem_shared>>) dst(%dma_wait3A_28 : memref<3080x32xf32, #tpu.memory_space<hbm>>)
        tpu.yield
      }) : () -> ()
    } else {
    }
    return
  }
}

#map = affine_map<(d0, d1) -> (0, 0, 0)>
#map1 = affine_map<(d0, d1) -> (0, 0)>
module attributes {stable_mosaic.version = 14 : i64} {
  func.func @_spmm_body(%arg0: i32, %arg1: i32, %arg2: memref<2x50000x32xf32, #tpu.memory_space<hbm>>, %arg3: memref<6400x128xi32, #tpu.memory_space<hbm>>, %arg4: memref<6400x128xi32, #tpu.memory_space<hbm>>, %arg5: memref<2x50000x32xf32, #tpu.memory_space<hbm>>, %arg6: memref<40x128xi32, #tpu.memory_space<vmem>>, %arg7: memref<40x128xi32, #tpu.memory_space<vmem>>, %arg8: memref<2x128x32xf32, #tpu.memory_space<vmem>>, %arg9: memref<50048x32xf32, #tpu.memory_space<vmem_shared>>, %arg10: memref<!tpu.dma_semaphore, #tpu.memory_space<semaphore_mem>>, %arg11: memref<!tpu.dma_semaphore, #tpu.memory_space<semaphore_mem>>) attributes {dimension_semantics = [#tpu.dimension_semantics<core_parallel>, #tpu.dimension_semantics<subcore_parallel>], iteration_bounds = array<i64: 2, 16>, scalar_prefetch = 0 : i64, scratch_operands = 6 : i64, tpu.core_type = #tpu.core_type<sc_vector_subcore>, window_params = [{transform_indices = #map}, {transform_indices = #map1}, {transform_indices = #map1}, {transform_indices = #map}]} {
    %mul3A = arith.constant 3128 : i32
    %mul3A_0 = arith.muli %arg1, %mul3A : i32
    %lt3A = arith.constant 15 : i32
    %lt3A_1 = arith.cmpi slt, %arg1, %lt3A : i32
    %convert_element_type3A = arith.extui %lt3A_1 : i1 to i32
    %cond3A = arith.constant 0 : i32
    %cond3A_2 = arith.cmpi ne, %convert_element_type3A, %cond3A : i32
    scf.if %cond3A_2 {
      "tpu.region"() ({
        %run_scoped3A = tpu.sem_alloc : memref<!tpu.dma_semaphore, #tpu.memory_space<semaphore_mem>>
        %dma_start3A = arith.constant 0 : i32
        %dma_start3A_23 = tpu.memref_slice %arg9[%mul3A_0, %dma_start3A] : memref<50048x32xf32, #tpu.memory_space<vmem_shared>> -> memref<3128x32xf32, #tpu.memory_space<vmem_shared>>
        %dma_start3A_24 = arith.constant 0 : i32
        %dma_start3A_25 = arith.constant 0 : i32
        %dma_start3A_26 = tpu.memref_slice %arg2[%arg0, %dma_start3A_24, %dma_start3A_25] : memref<2x50000x32xf32, #tpu.memory_space<hbm>> -> memref<1x50000x32xf32, #tpu.memory_space<hbm>>
        %dma_start3A_27 = tpu.memref_squeeze %dma_start3A_26 : memref<1x50000x32xf32, #tpu.memory_space<hbm>> -> memref<50000x32xf32, #tpu.memory_space<hbm>>
        %dma_start3A_28 = arith.constant 0 : i32
        %dma_start3A_29 = tpu.memref_slice %dma_start3A_27[%mul3A_0, %dma_start3A_28] : memref<50000x32xf32, #tpu.memory_space<hbm>> -> memref<3128x32xf32, #tpu.memory_space<hbm>>
        tpu.enqueue_dma source(%dma_start3A_29 : memref<3128x32xf32, #tpu.memory_space<hbm>>) target(%dma_start3A_23 : memref<3128x32xf32, #tpu.memory_space<vmem_shared>>) target_semaphore(%run_scoped3A : memref<!tpu.dma_semaphore, #tpu.memory_space<semaphore_mem>>)
        %dma_wait3A = arith.constant 0 : i32
        %dma_wait3A_30 = tpu.memref_slice %arg9[%mul3A_0, %dma_wait3A] : memref<50048x32xf32, #tpu.memory_space<vmem_shared>> -> memref<3128x32xf32, #tpu.memory_space<vmem_shared>>
        %dma_wait3A_31 = arith.constant 0 : i32
        %dma_wait3A_32 = arith.constant 0 : i32
        %dma_wait3A_33 = tpu.memref_slice %arg2[%arg0, %dma_wait3A_31, %dma_wait3A_32] : memref<2x50000x32xf32, #tpu.memory_space<hbm>> -> memref<1x50000x32xf32, #tpu.memory_space<hbm>>
        %dma_wait3A_34 = tpu.memref_squeeze %dma_wait3A_33 : memref<1x50000x32xf32, #tpu.memory_space<hbm>> -> memref<50000x32xf32, #tpu.memory_space<hbm>>
        %dma_wait3A_35 = arith.constant 0 : i32
        %dma_wait3A_36 = tpu.memref_slice %dma_wait3A_34[%mul3A_0, %dma_wait3A_35] : memref<50000x32xf32, #tpu.memory_space<hbm>> -> memref<3128x32xf32, #tpu.memory_space<hbm>>
        tpu.wait_dma2 semaphore(%run_scoped3A : memref<!tpu.dma_semaphore, #tpu.memory_space<semaphore_mem>>) src(%dma_wait3A_36 : memref<3128x32xf32, #tpu.memory_space<hbm>>) dst(%dma_wait3A_30 : memref<3128x32xf32, #tpu.memory_space<vmem_shared>>)
        tpu.yield
      }) : () -> ()
    } else {
    }
    %eq3A = arith.constant 15 : i32
    %eq3A_3 = arith.cmpi eq, %arg1, %eq3A : i32
    %convert_element_type3A_4 = arith.extui %eq3A_3 : i1 to i32
    %cond3A_5 = arith.constant 0 : i32
    %cond3A_6 = arith.cmpi ne, %convert_element_type3A_4, %cond3A_5 : i32
    scf.if %cond3A_6 {
      "tpu.region"() ({
        %run_scoped3A = tpu.sem_alloc : memref<!tpu.dma_semaphore, #tpu.memory_space<semaphore_mem>>
        %dma_start3A = arith.constant 0 : i32
        %dma_start3A_23 = tpu.memref_slice %arg9[%mul3A_0, %dma_start3A] : memref<50048x32xf32, #tpu.memory_space<vmem_shared>> -> memref<3080x32xf32, #tpu.memory_space<vmem_shared>>
        %dma_start3A_24 = arith.constant 0 : i32
        %dma_start3A_25 = arith.constant 0 : i32
        %dma_start3A_26 = tpu.memref_slice %arg2[%arg0, %dma_start3A_24, %dma_start3A_25] : memref<2x50000x32xf32, #tpu.memory_space<hbm>> -> memref<1x50000x32xf32, #tpu.memory_space<hbm>>
        %dma_start3A_27 = tpu.memref_squeeze %dma_start3A_26 : memref<1x50000x32xf32, #tpu.memory_space<hbm>> -> memref<50000x32xf32, #tpu.memory_space<hbm>>
        %dma_start3A_28 = arith.constant 0 : i32
        %dma_start3A_29 = tpu.memref_slice %dma_start3A_27[%mul3A_0, %dma_start3A_28] : memref<50000x32xf32, #tpu.memory_space<hbm>> -> memref<3080x32xf32, #tpu.memory_space<hbm>>
        tpu.enqueue_dma source(%dma_start3A_29 : memref<3080x32xf32, #tpu.memory_space<hbm>>) target(%dma_start3A_23 : memref<3080x32xf32, #tpu.memory_space<vmem_shared>>) target_semaphore(%run_scoped3A : memref<!tpu.dma_semaphore, #tpu.memory_space<semaphore_mem>>)
        %dma_wait3A = arith.constant 0 : i32
        %dma_wait3A_30 = tpu.memref_slice %arg9[%mul3A_0, %dma_wait3A] : memref<50048x32xf32, #tpu.memory_space<vmem_shared>> -> memref<3080x32xf32, #tpu.memory_space<vmem_shared>>
        %dma_wait3A_31 = arith.constant 0 : i32
        %dma_wait3A_32 = arith.constant 0 : i32
        %dma_wait3A_33 = tpu.memref_slice %arg2[%arg0, %dma_wait3A_31, %dma_wait3A_32] : memref<2x50000x32xf32, #tpu.memory_space<hbm>> -> memref<1x50000x32xf32, #tpu.memory_space<hbm>>
        %dma_wait3A_34 = tpu.memref_squeeze %dma_wait3A_33 : memref<1x50000x32xf32, #tpu.memory_space<hbm>> -> memref<50000x32xf32, #tpu.memory_space<hbm>>
        %dma_wait3A_35 = arith.constant 0 : i32
        %dma_wait3A_36 = tpu.memref_slice %dma_wait3A_34[%mul3A_0, %dma_wait3A_35] : memref<50000x32xf32, #tpu.memory_space<hbm>> -> memref<3080x32xf32, #tpu.memory_space<hbm>>
        tpu.wait_dma2 semaphore(%run_scoped3A : memref<!tpu.dma_semaphore, #tpu.memory_space<semaphore_mem>>) src(%dma_wait3A_36 : memref<3080x32xf32, #tpu.memory_space<hbm>>) dst(%dma_wait3A_30 : memref<3080x32xf32, #tpu.memory_space<vmem_shared>>)
        tpu.yield
      }) : () -> ()
    } else {
    }
    %barrier3A = arith.constant 0 : index
    tpu.barrier barrier_id(%barrier3A)
    %scan3A = arith.constant 0 : i32
    %scan3A_7 = arith.constant 0 : i32
    %scan3A_8 = arith.constant 10 : i32
    %scan3A_9 = arith.addi %scan3A_7, %scan3A_8 : i32
    %scan3A_10 = arith.constant 1 : i32
    scf.for %scan3A_23 = %scan3A_7 to %scan3A_9 step %scan3A_10  : i32 {
      %mul3A_24 = arith.constant 400 : i32
      %mul3A_25 = arith.muli %arg1, %mul3A_24 : i32
      %mul3A_26 = arith.constant 40 : i32
      %mul3A_27 = arith.muli %scan3A_23, %mul3A_26 : i32
      %add3A = arith.addi %mul3A_25, %mul3A_27 : i32
      "tpu.region"() ({
        %run_scoped3A = tpu.sem_alloc : memref<!tpu.dma_semaphore, #tpu.memory_space<semaphore_mem>>
        %dma_start3A_48 = arith.constant 0 : i32
        %dma_start3A_49 = tpu.memref_slice %arg3[%add3A, %dma_start3A_48] : memref<6400x128xi32, #tpu.memory_space<hbm>> -> memref<40x128xi32, #tpu.memory_space<hbm>>
        %dma_start3A_50 = arith.constant 0 : i32
        %dma_start3A_51 = tpu.memref_slice %arg3[%add3A, %dma_start3A_50] : memref<6400x128xi32, #tpu.memory_space<hbm>> -> memref<40x128xi32, #tpu.memory_space<hbm>>
        tpu.enqueue_dma source(%dma_start3A_51 : memref<40x128xi32, #tpu.memory_space<hbm>>) target(%arg6 : memref<40x128xi32, #tpu.memory_space<vmem>>) target_semaphore(%run_scoped3A : memref<!tpu.dma_semaphore, #tpu.memory_space<semaphore_mem>>)
        %dma_wait3A = arith.constant 0 : i32
        %dma_wait3A_52 = tpu.memref_slice %arg3[%add3A, %dma_wait3A] : memref<6400x128xi32, #tpu.memory_space<hbm>> -> memref<40x128xi32, #tpu.memory_space<hbm>>
        %dma_wait3A_53 = arith.constant 0 : i32
        %dma_wait3A_54 = tpu.memref_slice %arg3[%add3A, %dma_wait3A_53] : memref<6400x128xi32, #tpu.memory_space<hbm>> -> memref<40x128xi32, #tpu.memory_space<hbm>>
        tpu.wait_dma2 semaphore(%run_scoped3A : memref<!tpu.dma_semaphore, #tpu.memory_space<semaphore_mem>>) src(%dma_wait3A_54 : memref<40x128xi32, #tpu.memory_space<hbm>>) dst(%arg6 : memref<40x128xi32, #tpu.memory_space<vmem>>)
        tpu.yield
      }) : () -> ()
      "tpu.region"() ({
        %run_scoped3A = tpu.sem_alloc : memref<!tpu.dma_semaphore, #tpu.memory_space<semaphore_mem>>
        %dma_start3A_48 = arith.constant 0 : i32
        %dma_start3A_49 = tpu.memref_slice %arg4[%add3A, %dma_start3A_48] : memref<6400x128xi32, #tpu.memory_space<hbm>> -> memref<40x128xi32, #tpu.memory_space<hbm>>
        %dma_start3A_50 = arith.constant 0 : i32
        %dma_start3A_51 = tpu.memref_slice %arg4[%add3A, %dma_start3A_50] : memref<6400x128xi32, #tpu.memory_space<hbm>> -> memref<40x128xi32, #tpu.memory_space<hbm>>
        tpu.enqueue_dma source(%dma_start3A_51 : memref<40x128xi32, #tpu.memory_space<hbm>>) target(%arg7 : memref<40x128xi32, #tpu.memory_space<vmem>>) target_semaphore(%run_scoped3A : memref<!tpu.dma_semaphore, #tpu.memory_space<semaphore_mem>>)
        %dma_wait3A = arith.constant 0 : i32
        %dma_wait3A_52 = tpu.memref_slice %arg4[%add3A, %dma_wait3A] : memref<6400x128xi32, #tpu.memory_space<hbm>> -> memref<40x128xi32, #tpu.memory_space<hbm>>
        %dma_wait3A_53 = arith.constant 0 : i32
        %dma_wait3A_54 = tpu.memref_slice %arg4[%add3A, %dma_wait3A_53] : memref<6400x128xi32, #tpu.memory_space<hbm>> -> memref<40x128xi32, #tpu.memory_space<hbm>>
        tpu.wait_dma2 semaphore(%run_scoped3A : memref<!tpu.dma_semaphore, #tpu.memory_space<semaphore_mem>>) src(%dma_wait3A_54 : memref<40x128xi32, #tpu.memory_space<hbm>>) dst(%arg7 : memref<40x128xi32, #tpu.memory_space<vmem>>)
        tpu.yield
      }) : () -> ()
      %dma_start3A = arith.constant 0 : i32
      %dma_start3A_28 = arith.constant 0 : i32
      %dma_start3A_29 = arith.constant 0 : i32
      %dma_start3A_30 = arith.constant 0 : i32
      %dma_start3A_31 = tpu.memref_slice %arg8[%dma_start3A_28, %dma_start3A_29, %dma_start3A_30] : memref<2x128x32xf32, #tpu.memory_space<vmem>> -> memref<1x128x32xf32, #tpu.memory_space<vmem>>
      %dma_start3A_32 = tpu.memref_squeeze %dma_start3A_31 : memref<1x128x32xf32, #tpu.memory_space<vmem>> -> memref<128x32xf32, #tpu.memory_space<vmem>>
      %dma_start3A_33 = arith.constant 0 : i32
      %dma_start3A_34 = tpu.memref_slice %arg6[%dma_start3A, %dma_start3A_33] : memref<40x128xi32, #tpu.memory_space<vmem>> -> memref<1x128xi32, #tpu.memory_space<vmem>>
      %dma_start3A_35 = tpu.memref_squeeze %dma_start3A_34 : memref<1x128xi32, #tpu.memory_space<vmem>> -> memref<128xi32, #tpu.memory_space<vmem>>
      %dma_start3A_36 = arith.constant 0 : i32
      %dma_start3A_37 = arith.constant 0 : i32
      %dma_start3A_38 = tpu.memref_slice %arg2[%arg0, %dma_start3A_36, %dma_start3A_37] : memref<2x50000x32xf32, #tpu.memory_space<hbm>> -> memref<1x50000x32xf32, #tpu.memory_space<hbm>>
      %dma_start3A_39 = tpu.memref_squeeze %dma_start3A_38 : memref<1x50000x32xf32, #tpu.memory_space<hbm>> -> memref<50000x32xf32, #tpu.memory_space<hbm>>
      %dma_start3A_40 = arith.constant 0 : i32
      %dma_start3A_41 = arith.constant 0 : i32
      %dma_start3A_42 = tpu.memref_slice %dma_start3A_39[%dma_start3A_40, %dma_start3A_41] : memref<50000x32xf32, #tpu.memory_space<hbm>> -> memref<50000x32xf32, #tpu.memory_space<hbm>>
      tpu.enqueue_indirect_dma source(%dma_start3A_42 : memref<50000x32xf32, #tpu.memory_space<hbm>>) target(%dma_start3A_32 : memref<128x32xf32, #tpu.memory_space<vmem>>) offsets(%dma_start3A_35 : memref<128xi32, #tpu.memory_space<vmem>>) semaphore(%arg10 : memref<!tpu.dma_semaphore, #tpu.memory_space<semaphore_mem>>)
      %scan3A_43 = arith.constant 0 : i32
      %scan3A_44 = arith.constant 20 : i32
      %scan3A_45 = arith.addi %scan3A_43, %scan3A_44 : i32
      %scan3A_46 = arith.constant 1 : i32
      scf.for %scan3A_48 = %scan3A_43 to %scan3A_45 step %scan3A_46  : i32 {
        %mul3A_49 = arith.constant 2 : i32
        %mul3A_50 = arith.muli %mul3A_49, %scan3A_48 : i32
        %add3A_51 = arith.constant 1 : i32
        %add3A_52 = arith.addi %mul3A_50, %add3A_51 : i32
        %dma_start3A_53 = arith.constant 1 : i32
        %dma_start3A_54 = arith.constant 0 : i32
        %dma_start3A_55 = arith.constant 0 : i32
        %dma_start3A_56 = tpu.memref_slice %arg8[%dma_start3A_53, %dma_start3A_54, %dma_start3A_55] : memref<2x128x32xf32, #tpu.memory_space<vmem>> -> memref<1x128x32xf32, #tpu.memory_space<vmem>>
        %dma_start3A_57 = tpu.memref_squeeze %dma_start3A_56 : memref<1x128x32xf32, #tpu.memory_space<vmem>> -> memref<128x32xf32, #tpu.memory_space<vmem>>
        %dma_start3A_58 = arith.constant 0 : i32
        %dma_start3A_59 = tpu.memref_slice %arg6[%add3A_52, %dma_start3A_58] : memref<40x128xi32, #tpu.memory_space<vmem>> -> memref<1x128xi32, #tpu.memory_space<vmem>>
        %dma_start3A_60 = tpu.memref_squeeze %dma_start3A_59 : memref<1x128xi32, #tpu.memory_space<vmem>> -> memref<128xi32, #tpu.memory_space<vmem>>
        %dma_start3A_61 = arith.constant 0 : i32
        %dma_start3A_62 = arith.constant 0 : i32
        %dma_start3A_63 = tpu.memref_slice %arg2[%arg0, %dma_start3A_61, %dma_start3A_62] : memref<2x50000x32xf32, #tpu.memory_space<hbm>> -> memref<1x50000x32xf32, #tpu.memory_space<hbm>>
        %dma_start3A_64 = tpu.memref_squeeze %dma_start3A_63 : memref<1x50000x32xf32, #tpu.memory_space<hbm>> -> memref<50000x32xf32, #tpu.memory_space<hbm>>
        %dma_start3A_65 = arith.constant 0 : i32
        %dma_start3A_66 = arith.constant 0 : i32
        %dma_start3A_67 = tpu.memref_slice %dma_start3A_64[%dma_start3A_65, %dma_start3A_66] : memref<50000x32xf32, #tpu.memory_space<hbm>> -> memref<50000x32xf32, #tpu.memory_space<hbm>>
        tpu.enqueue_indirect_dma source(%dma_start3A_67 : memref<50000x32xf32, #tpu.memory_space<hbm>>) target(%dma_start3A_57 : memref<128x32xf32, #tpu.memory_space<vmem>>) offsets(%dma_start3A_60 : memref<128xi32, #tpu.memory_space<vmem>>) semaphore(%arg11 : memref<!tpu.dma_semaphore, #tpu.memory_space<semaphore_mem>>)
        %dma_wait3A = arith.constant 0 : i32
        %dma_wait3A_68 = arith.constant 0 : i32
        %dma_wait3A_69 = arith.constant 0 : i32
        %dma_wait3A_70 = tpu.memref_slice %arg8[%dma_wait3A, %dma_wait3A_68, %dma_wait3A_69] : memref<2x128x32xf32, #tpu.memory_space<vmem>> -> memref<1x128x32xf32, #tpu.memory_space<vmem>>
        %dma_wait3A_71 = tpu.memref_squeeze %dma_wait3A_70 : memref<1x128x32xf32, #tpu.memory_space<vmem>> -> memref<128x32xf32, #tpu.memory_space<vmem>>
        %dma_wait3A_72 = arith.constant 0 : i32
        %dma_wait3A_73 = tpu.memref_slice %arg6[%mul3A_50, %dma_wait3A_72] : memref<40x128xi32, #tpu.memory_space<vmem>> -> memref<1x128xi32, #tpu.memory_space<vmem>>
        %dma_wait3A_74 = tpu.memref_squeeze %dma_wait3A_73 : memref<1x128xi32, #tpu.memory_space<vmem>> -> memref<128xi32, #tpu.memory_space<vmem>>
        %dma_wait3A_75 = arith.constant 0 : i32
        %dma_wait3A_76 = arith.constant 0 : i32
        %dma_wait3A_77 = tpu.memref_slice %arg2[%arg0, %dma_wait3A_75, %dma_wait3A_76] : memref<2x50000x32xf32, #tpu.memory_space<hbm>> -> memref<1x50000x32xf32, #tpu.memory_space<hbm>>
        %dma_wait3A_78 = tpu.memref_squeeze %dma_wait3A_77 : memref<1x50000x32xf32, #tpu.memory_space<hbm>> -> memref<50000x32xf32, #tpu.memory_space<hbm>>
        %dma_wait3A_79 = arith.constant 0 : i32
        %dma_wait3A_80 = arith.constant 0 : i32
        %dma_wait3A_81 = tpu.memref_slice %dma_wait3A_78[%dma_wait3A_79, %dma_wait3A_80] : memref<50000x32xf32, #tpu.memory_space<hbm>> -> memref<50000x32xf32, #tpu.memory_space<hbm>>
        tpu.wait_indirect_dma semaphore(%arg10 : memref<!tpu.dma_semaphore, #tpu.memory_space<semaphore_mem>>) src(%dma_wait3A_81 : memref<50000x32xf32, #tpu.memory_space<hbm>>) dst(%dma_wait3A_71 : memref<128x32xf32, #tpu.memory_space<vmem>>)
        %run_scoped3A = arith.constant 0 : i32
        "tpu.region"() ({
          %run_scoped3A_103 = tpu.sem_alloc : memref<!tpu.dma_semaphore, #tpu.memory_space<semaphore_mem>>
          %dma_start3A_104 = arith.constant 0 : i32
          %dma_start3A_105 = arith.constant 0 : i32
          %dma_start3A_106 = tpu.memref_slice %arg8[%run_scoped3A, %dma_start3A_104, %dma_start3A_105] : memref<2x128x32xf32, #tpu.memory_space<vmem>> -> memref<1x128x32xf32, #tpu.memory_space<vmem>>
          %dma_start3A_107 = tpu.memref_squeeze %dma_start3A_106 : memref<1x128x32xf32, #tpu.memory_space<vmem>> -> memref<128x32xf32, #tpu.memory_space<vmem>>
          %dma_start3A_108 = arith.constant 0 : i32
          %dma_start3A_109 = tpu.memref_slice %arg7[%mul3A_50, %dma_start3A_108] : memref<40x128xi32, #tpu.memory_space<vmem>> -> memref<1x128xi32, #tpu.memory_space<vmem>>
          %dma_start3A_110 = tpu.memref_squeeze %dma_start3A_109 : memref<1x128xi32, #tpu.memory_space<vmem>> -> memref<128xi32, #tpu.memory_space<vmem>>
          %dma_start3A_111 = arith.constant 0 : i32
          %dma_start3A_112 = arith.constant 0 : i32
          %dma_start3A_113 = tpu.memref_slice %arg9[%dma_start3A_111, %dma_start3A_112] : memref<50048x32xf32, #tpu.memory_space<vmem_shared>> -> memref<50048x32xf32, #tpu.memory_space<vmem_shared>>
          tpu.enqueue_indirect_dma source(%dma_start3A_107 : memref<128x32xf32, #tpu.memory_space<vmem>>) target(%dma_start3A_113 : memref<50048x32xf32, #tpu.memory_space<vmem_shared>>) offsets(%dma_start3A_110 : memref<128xi32, #tpu.memory_space<vmem>>) semaphore(%run_scoped3A_103 : memref<!tpu.dma_semaphore, #tpu.memory_space<semaphore_mem>>) {add = true}
          %dma_wait3A_114 = arith.constant 0 : i32
          %dma_wait3A_115 = arith.constant 0 : i32
          %dma_wait3A_116 = tpu.memref_slice %arg8[%run_scoped3A, %dma_wait3A_114, %dma_wait3A_115] : memref<2x128x32xf32, #tpu.memory_space<vmem>> -> memref<1x128x32xf32, #tpu.memory_space<vmem>>
          %dma_wait3A_117 = tpu.memref_squeeze %dma_wait3A_116 : memref<1x128x32xf32, #tpu.memory_space<vmem>> -> memref<128x32xf32, #tpu.memory_space<vmem>>
          %dma_wait3A_118 = arith.constant 0 : i32
          %dma_wait3A_119 = tpu.memref_slice %arg7[%mul3A_50, %dma_wait3A_118] : memref<40x128xi32, #tpu.memory_space<vmem>> -> memref<1x128xi32, #tpu.memory_space<vmem>>
          %dma_wait3A_120 = tpu.memref_squeeze %dma_wait3A_119 : memref<1x128xi32, #tpu.memory_space<vmem>> -> memref<128xi32, #tpu.memory_space<vmem>>
          %dma_wait3A_121 = arith.constant 0 : i32
          %dma_wait3A_122 = arith.constant 0 : i32
          %dma_wait3A_123 = tpu.memref_slice %arg9[%dma_wait3A_121, %dma_wait3A_122] : memref<50048x32xf32, #tpu.memory_space<vmem_shared>> -> memref<50048x32xf32, #tpu.memory_space<vmem_shared>>
          tpu.wait_indirect_dma semaphore(%run_scoped3A_103 : memref<!tpu.dma_semaphore, #tpu.memory_space<semaphore_mem>>) src(%dma_wait3A_117 : memref<128x32xf32, #tpu.memory_space<vmem>>) dst(%dma_wait3A_123 : memref<50048x32xf32, #tpu.memory_space<vmem_shared>>)
          tpu.yield
        }) : () -> ()
        %lt3A_82 = arith.constant 19 : i32
        %lt3A_83 = arith.cmpi slt, %scan3A_48, %lt3A_82 : i32
        %convert_element_type3A_84 = arith.extui %lt3A_83 : i1 to i32
        %cond3A_85 = arith.constant 0 : i32
        %cond3A_86 = arith.cmpi ne, %convert_element_type3A_84, %cond3A_85 : i32
        scf.if %cond3A_86 {
          %add3A_103 = arith.constant 2 : i32
          %add3A_104 = arith.addi %mul3A_50, %add3A_103 : i32
          %dma_start3A_105 = arith.constant 0 : i32
          %dma_start3A_106 = arith.constant 0 : i32
          %dma_start3A_107 = arith.constant 0 : i32
          %dma_start3A_108 = tpu.memref_slice %arg8[%dma_start3A_105, %dma_start3A_106, %dma_start3A_107] : memref<2x128x32xf32, #tpu.memory_space<vmem>> -> memref<1x128x32xf32, #tpu.memory_space<vmem>>
          %dma_start3A_109 = tpu.memref_squeeze %dma_start3A_108 : memref<1x128x32xf32, #tpu.memory_space<vmem>> -> memref<128x32xf32, #tpu.memory_space<vmem>>
          %dma_start3A_110 = arith.constant 0 : i32
          %dma_start3A_111 = tpu.memref_slice %arg6[%add3A_104, %dma_start3A_110] : memref<40x128xi32, #tpu.memory_space<vmem>> -> memref<1x128xi32, #tpu.memory_space<vmem>>
          %dma_start3A_112 = tpu.memref_squeeze %dma_start3A_111 : memref<1x128xi32, #tpu.memory_space<vmem>> -> memref<128xi32, #tpu.memory_space<vmem>>
          %dma_start3A_113 = arith.constant 0 : i32
          %dma_start3A_114 = arith.constant 0 : i32
          %dma_start3A_115 = tpu.memref_slice %arg2[%arg0, %dma_start3A_113, %dma_start3A_114] : memref<2x50000x32xf32, #tpu.memory_space<hbm>> -> memref<1x50000x32xf32, #tpu.memory_space<hbm>>
          %dma_start3A_116 = tpu.memref_squeeze %dma_start3A_115 : memref<1x50000x32xf32, #tpu.memory_space<hbm>> -> memref<50000x32xf32, #tpu.memory_space<hbm>>
          %dma_start3A_117 = arith.constant 0 : i32
          %dma_start3A_118 = arith.constant 0 : i32
          %dma_start3A_119 = tpu.memref_slice %dma_start3A_116[%dma_start3A_117, %dma_start3A_118] : memref<50000x32xf32, #tpu.memory_space<hbm>> -> memref<50000x32xf32, #tpu.memory_space<hbm>>
          tpu.enqueue_indirect_dma source(%dma_start3A_119 : memref<50000x32xf32, #tpu.memory_space<hbm>>) target(%dma_start3A_109 : memref<128x32xf32, #tpu.memory_space<vmem>>) offsets(%dma_start3A_112 : memref<128xi32, #tpu.memory_space<vmem>>) semaphore(%arg10 : memref<!tpu.dma_semaphore, #tpu.memory_space<semaphore_mem>>)
        } else {
        }
        %dma_wait3A_87 = arith.constant 1 : i32
        %dma_wait3A_88 = arith.constant 0 : i32
        %dma_wait3A_89 = arith.constant 0 : i32
        %dma_wait3A_90 = tpu.memref_slice %arg8[%dma_wait3A_87, %dma_wait3A_88, %dma_wait3A_89] : memref<2x128x32xf32, #tpu.memory_space<vmem>> -> memref<1x128x32xf32, #tpu.memory_space<vmem>>
        %dma_wait3A_91 = tpu.memref_squeeze %dma_wait3A_90 : memref<1x128x32xf32, #tpu.memory_space<vmem>> -> memref<128x32xf32, #tpu.memory_space<vmem>>
        %dma_wait3A_92 = arith.constant 0 : i32
        %dma_wait3A_93 = tpu.memref_slice %arg6[%add3A_52, %dma_wait3A_92] : memref<40x128xi32, #tpu.memory_space<vmem>> -> memref<1x128xi32, #tpu.memory_space<vmem>>
        %dma_wait3A_94 = tpu.memref_squeeze %dma_wait3A_93 : memref<1x128xi32, #tpu.memory_space<vmem>> -> memref<128xi32, #tpu.memory_space<vmem>>
        %dma_wait3A_95 = arith.constant 0 : i32
        %dma_wait3A_96 = arith.constant 0 : i32
        %dma_wait3A_97 = tpu.memref_slice %arg2[%arg0, %dma_wait3A_95, %dma_wait3A_96] : memref<2x50000x32xf32, #tpu.memory_space<hbm>> -> memref<1x50000x32xf32, #tpu.memory_space<hbm>>
        %dma_wait3A_98 = tpu.memref_squeeze %dma_wait3A_97 : memref<1x50000x32xf32, #tpu.memory_space<hbm>> -> memref<50000x32xf32, #tpu.memory_space<hbm>>
        %dma_wait3A_99 = arith.constant 0 : i32
        %dma_wait3A_100 = arith.constant 0 : i32
        %dma_wait3A_101 = tpu.memref_slice %dma_wait3A_98[%dma_wait3A_99, %dma_wait3A_100] : memref<50000x32xf32, #tpu.memory_space<hbm>> -> memref<50000x32xf32, #tpu.memory_space<hbm>>
        tpu.wait_indirect_dma semaphore(%arg11 : memref<!tpu.dma_semaphore, #tpu.memory_space<semaphore_mem>>) src(%dma_wait3A_101 : memref<50000x32xf32, #tpu.memory_space<hbm>>) dst(%dma_wait3A_91 : memref<128x32xf32, #tpu.memory_space<vmem>>)
        %run_scoped3A_102 = arith.constant 1 : i32
        "tpu.region"() ({
          %run_scoped3A_103 = tpu.sem_alloc : memref<!tpu.dma_semaphore, #tpu.memory_space<semaphore_mem>>
          %dma_start3A_104 = arith.constant 0 : i32
          %dma_start3A_105 = arith.constant 0 : i32
          %dma_start3A_106 = tpu.memref_slice %arg8[%run_scoped3A_102, %dma_start3A_104, %dma_start3A_105] : memref<2x128x32xf32, #tpu.memory_space<vmem>> -> memref<1x128x32xf32, #tpu.memory_space<vmem>>
          %dma_start3A_107 = tpu.memref_squeeze %dma_start3A_106 : memref<1x128x32xf32, #tpu.memory_space<vmem>> -> memref<128x32xf32, #tpu.memory_space<vmem>>
          %dma_start3A_108 = arith.constant 0 : i32
          %dma_start3A_109 = tpu.memref_slice %arg7[%add3A_52, %dma_start3A_108] : memref<40x128xi32, #tpu.memory_space<vmem>> -> memref<1x128xi32, #tpu.memory_space<vmem>>
          %dma_start3A_110 = tpu.memref_squeeze %dma_start3A_109 : memref<1x128xi32, #tpu.memory_space<vmem>> -> memref<128xi32, #tpu.memory_space<vmem>>
          %dma_start3A_111 = arith.constant 0 : i32
          %dma_start3A_112 = arith.constant 0 : i32
          %dma_start3A_113 = tpu.memref_slice %arg9[%dma_start3A_111, %dma_start3A_112] : memref<50048x32xf32, #tpu.memory_space<vmem_shared>> -> memref<50048x32xf32, #tpu.memory_space<vmem_shared>>
          tpu.enqueue_indirect_dma source(%dma_start3A_107 : memref<128x32xf32, #tpu.memory_space<vmem>>) target(%dma_start3A_113 : memref<50048x32xf32, #tpu.memory_space<vmem_shared>>) offsets(%dma_start3A_110 : memref<128xi32, #tpu.memory_space<vmem>>) semaphore(%run_scoped3A_103 : memref<!tpu.dma_semaphore, #tpu.memory_space<semaphore_mem>>) {add = true}
          %dma_wait3A_114 = arith.constant 0 : i32
          %dma_wait3A_115 = arith.constant 0 : i32
          %dma_wait3A_116 = tpu.memref_slice %arg8[%run_scoped3A_102, %dma_wait3A_114, %dma_wait3A_115] : memref<2x128x32xf32, #tpu.memory_space<vmem>> -> memref<1x128x32xf32, #tpu.memory_space<vmem>>
          %dma_wait3A_117 = tpu.memref_squeeze %dma_wait3A_116 : memref<1x128x32xf32, #tpu.memory_space<vmem>> -> memref<128x32xf32, #tpu.memory_space<vmem>>
          %dma_wait3A_118 = arith.constant 0 : i32
          %dma_wait3A_119 = tpu.memref_slice %arg7[%add3A_52, %dma_wait3A_118] : memref<40x128xi32, #tpu.memory_space<vmem>> -> memref<1x128xi32, #tpu.memory_space<vmem>>
          %dma_wait3A_120 = tpu.memref_squeeze %dma_wait3A_119 : memref<1x128xi32, #tpu.memory_space<vmem>> -> memref<128xi32, #tpu.memory_space<vmem>>
          %dma_wait3A_121 = arith.constant 0 : i32
          %dma_wait3A_122 = arith.constant 0 : i32
          %dma_wait3A_123 = tpu.memref_slice %arg9[%dma_wait3A_121, %dma_wait3A_122] : memref<50048x32xf32, #tpu.memory_space<vmem_shared>> -> memref<50048x32xf32, #tpu.memory_space<vmem_shared>>
          tpu.wait_indirect_dma semaphore(%run_scoped3A_103 : memref<!tpu.dma_semaphore, #tpu.memory_space<semaphore_mem>>) src(%dma_wait3A_117 : memref<128x32xf32, #tpu.memory_space<vmem>>) dst(%dma_wait3A_123 : memref<50048x32xf32, #tpu.memory_space<vmem_shared>>)
          tpu.yield
        }) : () -> ()
      }
      %scan3A_47 = arith.constant 20 : i32
    }
    %scan3A_11 = arith.constant 10 : i32
    %barrier3A_12 = arith.constant 0 : index
    tpu.barrier barrier_id(%barrier3A_12)
    %lt3A_13 = arith.constant 15 : i32
    %lt3A_14 = arith.cmpi slt, %arg1, %lt3A_13 : i32
    %convert_element_type3A_15 = arith.extui %lt3A_14 : i1 to i32
    %cond3A_16 = arith.constant 0 : i32
    %cond3A_17 = arith.cmpi ne, %convert_element_type3A_15, %cond3A_16 : i32
    scf.if %cond3A_17 {
      "tpu.region"() ({
        %run_scoped3A = tpu.sem_alloc : memref<!tpu.dma_semaphore, #tpu.memory_space<semaphore_mem>>
        %dma_start3A = arith.constant 0 : i32
        %dma_start3A_23 = tpu.memref_slice %arg5[%arg0, %mul3A_0, %dma_start3A] : memref<2x50000x32xf32, #tpu.memory_space<hbm>> -> memref<1x3128x32xf32, #tpu.memory_space<hbm>>
        %dma_start3A_24 = tpu.memref_squeeze %dma_start3A_23 : memref<1x3128x32xf32, #tpu.memory_space<hbm>> -> memref<3128x32xf32, #tpu.memory_space<hbm>>
        %dma_start3A_25 = arith.constant 0 : i32
        %dma_start3A_26 = tpu.memref_slice %arg9[%mul3A_0, %dma_start3A_25] : memref<50048x32xf32, #tpu.memory_space<vmem_shared>> -> memref<3128x32xf32, #tpu.memory_space<vmem_shared>>
        tpu.enqueue_dma source(%dma_start3A_26 : memref<3128x32xf32, #tpu.memory_space<vmem_shared>>) target(%dma_start3A_24 : memref<3128x32xf32, #tpu.memory_space<hbm>>) target_semaphore(%run_scoped3A : memref<!tpu.dma_semaphore, #tpu.memory_space<semaphore_mem>>)
        %dma_wait3A = arith.constant 0 : i32
        %dma_wait3A_27 = tpu.memref_slice %arg5[%arg0, %mul3A_0, %dma_wait3A] : memref<2x50000x32xf32, #tpu.memory_space<hbm>> -> memref<1x3128x32xf32, #tpu.memory_space<hbm>>
        %dma_wait3A_28 = tpu.memref_squeeze %dma_wait3A_27 : memref<1x3128x32xf32, #tpu.memory_space<hbm>> -> memref<3128x32xf32, #tpu.memory_space<hbm>>
        %dma_wait3A_29 = arith.constant 0 : i32
        %dma_wait3A_30 = tpu.memref_slice %arg9[%mul3A_0, %dma_wait3A_29] : memref<50048x32xf32, #tpu.memory_space<vmem_shared>> -> memref<3128x32xf32, #tpu.memory_space<vmem_shared>>
        tpu.wait_dma2 semaphore(%run_scoped3A : memref<!tpu.dma_semaphore, #tpu.memory_space<semaphore_mem>>) src(%dma_wait3A_30 : memref<3128x32xf32, #tpu.memory_space<vmem_shared>>) dst(%dma_wait3A_28 : memref<3128x32xf32, #tpu.memory_space<hbm>>)
        tpu.yield
      }) : () -> ()
    } else {
    }
    %eq3A_18 = arith.constant 15 : i32
    %eq3A_19 = arith.cmpi eq, %arg1, %eq3A_18 : i32
    %convert_element_type3A_20 = arith.extui %eq3A_19 : i1 to i32
    %cond3A_21 = arith.constant 0 : i32
    %cond3A_22 = arith.cmpi ne, %convert_element_type3A_20, %cond3A_21 : i32
    scf.if %cond3A_22 {
      "tpu.region"() ({
        %run_scoped3A = tpu.sem_alloc : memref<!tpu.dma_semaphore, #tpu.memory_space<semaphore_mem>>
        %dma_start3A = arith.constant 0 : i32
        %dma_start3A_23 = tpu.memref_slice %arg5[%arg0, %mul3A_0, %dma_start3A] : memref<2x50000x32xf32, #tpu.memory_space<hbm>> -> memref<1x3080x32xf32, #tpu.memory_space<hbm>>
        %dma_start3A_24 = tpu.memref_squeeze %dma_start3A_23 : memref<1x3080x32xf32, #tpu.memory_space<hbm>> -> memref<3080x32xf32, #tpu.memory_space<hbm>>
        %dma_start3A_25 = arith.constant 0 : i32
        %dma_start3A_26 = tpu.memref_slice %arg9[%mul3A_0, %dma_start3A_25] : memref<50048x32xf32, #tpu.memory_space<vmem_shared>> -> memref<3080x32xf32, #tpu.memory_space<vmem_shared>>
        tpu.enqueue_dma source(%dma_start3A_26 : memref<3080x32xf32, #tpu.memory_space<vmem_shared>>) target(%dma_start3A_24 : memref<3080x32xf32, #tpu.memory_space<hbm>>) target_semaphore(%run_scoped3A : memref<!tpu.dma_semaphore, #tpu.memory_space<semaphore_mem>>)
        %dma_wait3A = arith.constant 0 : i32
        %dma_wait3A_27 = tpu.memref_slice %arg5[%arg0, %mul3A_0, %dma_wait3A] : memref<2x50000x32xf32, #tpu.memory_space<hbm>> -> memref<1x3080x32xf32, #tpu.memory_space<hbm>>
        %dma_wait3A_28 = tpu.memref_squeeze %dma_wait3A_27 : memref<1x3080x32xf32, #tpu.memory_space<hbm>> -> memref<3080x32xf32, #tpu.memory_space<hbm>>
        %dma_wait3A_29 = arith.constant 0 : i32
        %dma_wait3A_30 = tpu.memref_slice %arg9[%mul3A_0, %dma_wait3A_29] : memref<50048x32xf32, #tpu.memory_space<vmem_shared>> -> memref<3080x32xf32, #tpu.memory_space<vmem_shared>>
        tpu.wait_dma2 semaphore(%run_scoped3A : memref<!tpu.dma_semaphore, #tpu.memory_space<semaphore_mem>>) src(%dma_wait3A_30 : memref<3080x32xf32, #tpu.memory_space<vmem_shared>>) dst(%dma_wait3A_28 : memref<3080x32xf32, #tpu.memory_space<hbm>>)
        tpu.yield
      }) : () -> ()
    } else {
    }
    return
  }
}

module attributes {stable_mosaic.version = 14 : i64} {
  func.func @_dinv_body(%arg0: memref<32x50048xf32, #tpu.memory_space<vmem>>, %arg1: memref<50000x1xf32, #tpu.memory_space<vmem>>) attributes {dimension_semantics = [], scalar_prefetch = 0 : i64, scratch_operands = 0 : i64, tpu.core_type = #tpu.core_type<tc>} {
    %get3A = arith.constant 0 : index
    %get3A_0 = arith.constant 0 : index
    %get3A_1 = vector.load %arg0[%get3A, %get3A_0] : memref<32x50048xf32, #tpu.memory_space<vmem>>, vector<32x50048xf32>
    %reduce_sum3A = arith.constant dense<0.000000e+00> : vector<50048xf32>
    %reduce_sum3A_2 = vector.multi_reduction <add>, %get3A_1, %reduce_sum3A [0] : vector<32x50048xf32> to vector<50048xf32>
    %slice3A = vector.extract_strided_slice %reduce_sum3A_2 {offsets = [0], sizes = [50000], strides = [1]} : vector<50048xf32> to vector<50000xf32>
    %add3A = arith.constant 1.000000e+00 : f32
    %add3A_3 = vector.broadcast %add3A : f32 to vector<50000xf32>
    %add3A_4 = arith.addf %slice3A, %add3A_3 : vector<50000xf32>
    %rsqrt3A = math.rsqrt %add3A_4 : vector<50000xf32>
    %broadcast_in_dim3A = vector.shape_cast %rsqrt3A : vector<50000xf32> to vector<50000x1xf32>
    %swap3A = arith.constant 0 : index
    %swap3A_5 = arith.constant 0 : index
    %swap3A_6 = vector.load %arg1[%swap3A, %swap3A_5] : memref<50000x1xf32, #tpu.memory_space<vmem>>, vector<50000x1xf32>
    tpu.vector_store %arg1[%swap3A, %swap3A_5], %broadcast_in_dim3A {strides = array<i32>} : memref<50000x1xf32, #tpu.memory_space<vmem>>, vector<50000x1xf32>,
    return
  }
}

module attributes {stable_mosaic.version = 14 : i64} {
  func.func @_pre_body(%arg0: i32, %arg1: memref<2000x10xf32, #tpu.memory_space<vmem>>, %arg2: memref<10x64xf32, #tpu.memory_space<vmem>>, %arg3: memref<2000x1xf32, #tpu.memory_space<vmem>>, %arg4: memref<2x2000x32xf32, #tpu.memory_space<vmem>>) attributes {dimension_semantics = [#tpu.dimension_semantics<arbitrary>], iteration_bounds = array<i64: 25>, scalar_prefetch = 0 : i64, scratch_operands = 0 : i64, tpu.core_type = #tpu.core_type<tc>, window_params = [{transform_indices = @transform_0, window_bounds = array<i64: 2000, 10>}, {pipeline_mode = #tpu.pipeline_mode<synchronous>, transform_indices = @transform_1, window_bounds = array<i64: 10, 64>}, {transform_indices = @transform_2, window_bounds = array<i64: 2000, 1>}, {transform_indices = @transform_3, window_bounds = array<i64: 2, 2000, 32>}]} {
    %get3A = arith.constant 0 : index
    %get3A_0 = arith.constant 0 : index
    %get3A_1 = vector.load %arg1[%get3A, %get3A_0] : memref<2000x10xf32, #tpu.memory_space<vmem>>, vector<2000x10xf32>
    %get3A_2 = arith.constant 0 : index
    %get3A_3 = arith.constant 0 : index
    %get3A_4 = vector.load %arg2[%get3A_2, %get3A_3] : memref<10x64xf32, #tpu.memory_space<vmem>>, vector<10x64xf32>
    %dot_general3A = arith.constant dense<0.000000e+00> : vector<2000x64xf32>
    %dot_general3A_5 = tpu.matmul %get3A_1, %get3A_4, %dot_general3A {dimension_numbers = #tpu.dot_dimension_numbers<[1], [0], [0], [1], [0, 0, 1, 1], [], []>, transpose_lhs_hint = false} : vector<2000x10xf32>, vector<10x64xf32>, vector<2000x64xf32> -> vector<2000x64xf32>
    %get3A_6 = arith.constant 0 : index
    %get3A_7 = arith.constant 0 : index
    %get3A_8 = vector.load %arg3[%get3A_6, %get3A_7] : memref<2000x1xf32, #tpu.memory_space<vmem>>, vector<2000x1xf32>
    %mul3A = vector.broadcast %get3A_8 : vector<2000x1xf32> to vector<2000x64xf32>
    %mul3A_9 = arith.mulf %mul3A, %dot_general3A_5 : vector<2000x64xf32>
    %slice3A = vector.extract_strided_slice %mul3A_9 {offsets = [0, 0], sizes = [2000, 32], strides = [1, 1]} : vector<2000x64xf32> to vector<2000x32xf32>
    %swap3A = arith.constant 0 : index
    %swap3A_10 = arith.constant 0 : index
    %swap3A_11 = arith.constant 0 : index
    %swap3A_12 = vector.load %arg4[%swap3A, %swap3A_10, %swap3A_11] : memref<2x2000x32xf32, #tpu.memory_space<vmem>>, vector<1x2000x32xf32>
    %swap3A_13 = vector.shape_cast %swap3A_12 : vector<1x2000x32xf32> to vector<2000x32xf32>
    %swap3A_14 = vector.shape_cast %slice3A : vector<2000x32xf32> to vector<1x2000x32xf32>
    tpu.vector_store %arg4[%swap3A, %swap3A_10, %swap3A_11], %swap3A_14 {strides = array<i32>} : memref<2x2000x32xf32, #tpu.memory_space<vmem>>, vector<1x2000x32xf32>,
    %slice3A_15 = vector.extract_strided_slice %mul3A_9 {offsets = [0, 32], sizes = [2000, 32], strides = [1, 1]} : vector<2000x64xf32> to vector<2000x32xf32>
    %swap3A_16 = arith.constant 1 : index
    %swap3A_17 = arith.constant 0 : index
    %swap3A_18 = arith.constant 0 : index
    %swap3A_19 = vector.load %arg4[%swap3A_16, %swap3A_17, %swap3A_18] : memref<2x2000x32xf32, #tpu.memory_space<vmem>>, vector<1x2000x32xf32>
    %swap3A_20 = vector.shape_cast %swap3A_19 : vector<1x2000x32xf32> to vector<2000x32xf32>
    %swap3A_21 = vector.shape_cast %slice3A_15 : vector<2000x32xf32> to vector<1x2000x32xf32>
    tpu.vector_store %arg4[%swap3A_16, %swap3A_17, %swap3A_18], %swap3A_21 {strides = array<i32>} : memref<2x2000x32xf32, #tpu.memory_space<vmem>>, vector<1x2000x32xf32>,
    return
  }
  func.func @transform_0(%arg0: i32) -> (i32, i32) {
    %c0_i32 = arith.constant 0 : i32
    %c0_i32_0 = arith.constant 0 : i32
    return %arg0, %c0_i32 : i32, i32
  }
  func.func @transform_1(%arg0: i32) -> (i32, i32) {
    %c0_i32 = arith.constant 0 : i32
    %c0_i32_0 = arith.constant 0 : i32
    %c0_i32_1 = arith.constant 0 : i32
    return %c0_i32, %c0_i32_0 : i32, i32
  }
  func.func @transform_2(%arg0: i32) -> (i32, i32) {
    %c0_i32 = arith.constant 0 : i32
    %c0_i32_0 = arith.constant 0 : i32
    return %arg0, %c0_i32 : i32, i32
  }
  func.func @transform_3(%arg0: i32) -> (i32, i32, i32) {
    %c0_i32 = arith.constant 0 : i32
    %c0_i32_0 = arith.constant 0 : i32
    %c0_i32_1 = arith.constant 0 : i32
    return %c0_i32, %arg0, %c0_i32_0 : i32, i32, i32
  }
}

module attributes {stable_mosaic.version = 14 : i64} {
  func.func @_mid_body(%arg0: i32, %arg1: memref<2x2000x32xf32, #tpu.memory_space<vmem>>, %arg2: memref<2000x1xf32, #tpu.memory_space<vmem>>, %arg3: memref<1x64xf32, #tpu.memory_space<vmem>>, %arg4: memref<64x64xf32, #tpu.memory_space<vmem>>, %arg5: memref<2x2000x32xf32, #tpu.memory_space<vmem>>) attributes {dimension_semantics = [#tpu.dimension_semantics<arbitrary>], iteration_bounds = array<i64: 25>, scalar_prefetch = 0 : i64, scratch_operands = 0 : i64, tpu.core_type = #tpu.core_type<tc>, window_params = [{transform_indices = @transform_0, window_bounds = array<i64: 2, 2000, 32>}, {transform_indices = @transform_1, window_bounds = array<i64: 2000, 1>}, {pipeline_mode = #tpu.pipeline_mode<synchronous>, transform_indices = @transform_2, window_bounds = array<i64: 1, 64>}, {pipeline_mode = #tpu.pipeline_mode<synchronous>, transform_indices = @transform_3, window_bounds = array<i64: 64, 64>}, {transform_indices = @transform_4, window_bounds = array<i64: 2, 2000, 32>}]} {
    %get3A = arith.constant 0 : index
    %get3A_0 = arith.constant 0 : index
    %get3A_1 = vector.load %arg2[%get3A, %get3A_0] : memref<2000x1xf32, #tpu.memory_space<vmem>>, vector<2000x1xf32>
    %get3A_2 = arith.constant 0 : index
    %get3A_3 = arith.constant 0 : index
    %get3A_4 = arith.constant 0 : index
    %get3A_5 = vector.load %arg1[%get3A_2, %get3A_3, %get3A_4] : memref<2x2000x32xf32, #tpu.memory_space<vmem>>, vector<1x2000x32xf32>
    %get3A_6 = vector.shape_cast %get3A_5 : vector<1x2000x32xf32> to vector<2000x32xf32>
    %mul3A = vector.broadcast %get3A_1 : vector<2000x1xf32> to vector<2000x32xf32>
    %mul3A_7 = arith.mulf %mul3A, %get3A_6 : vector<2000x32xf32>
    %get3A_8 = arith.constant 0 : index
    %get3A_9 = arith.constant 0 : index
    %get3A_10 = vector.load %arg3[%get3A_8, %get3A_9] : memref<1x64xf32, #tpu.memory_space<vmem>>, vector<1x32xf32>
    %get3A_11 = vector.shape_cast %get3A_10 : vector<1x32xf32> to vector<32xf32>
    %broadcast_in_dim3A = vector.shape_cast %get3A_11 : vector<32xf32> to vector<1x32xf32>
    %add3A = vector.broadcast %broadcast_in_dim3A : vector<1x32xf32> to vector<2000x32xf32>
    %add3A_12 = arith.addf %mul3A_7, %add3A : vector<2000x32xf32>
    %max3A = arith.constant 0.000000e+00 : f32
    %max3A_13 = vector.broadcast %max3A : f32 to vector<2000x32xf32>
    %max3A_14 = arith.maximumf %add3A_12, %max3A_13 : vector<2000x32xf32>
    %get3A_15 = arith.constant 1 : index
    %get3A_16 = arith.constant 0 : index
    %get3A_17 = arith.constant 0 : index
    %get3A_18 = vector.load %arg1[%get3A_15, %get3A_16, %get3A_17] : memref<2x2000x32xf32, #tpu.memory_space<vmem>>, vector<1x2000x32xf32>
    %get3A_19 = vector.shape_cast %get3A_18 : vector<1x2000x32xf32> to vector<2000x32xf32>
    %mul3A_20 = vector.broadcast %get3A_1 : vector<2000x1xf32> to vector<2000x32xf32>
    %mul3A_21 = arith.mulf %mul3A_20, %get3A_19 : vector<2000x32xf32>
    %get3A_22 = arith.constant 0 : index
    %get3A_23 = arith.constant 32 : index
    %get3A_24 = vector.load %arg3[%get3A_22, %get3A_23] : memref<1x64xf32, #tpu.memory_space<vmem>>, vector<1x32xf32>
    %get3A_25 = vector.shape_cast %get3A_24 : vector<1x32xf32> to vector<32xf32>
    %broadcast_in_dim3A_26 = vector.shape_cast %get3A_25 : vector<32xf32> to vector<1x32xf32>
    %add3A_27 = vector.broadcast %broadcast_in_dim3A_26 : vector<1x32xf32> to vector<2000x32xf32>
    %add3A_28 = arith.addf %mul3A_21, %add3A_27 : vector<2000x32xf32>
    %max3A_29 = arith.constant 0.000000e+00 : f32
    %max3A_30 = vector.broadcast %max3A_29 : f32 to vector<2000x32xf32>
    %max3A_31 = arith.maximumf %add3A_28, %max3A_30 : vector<2000x32xf32>
    %get3A_32 = arith.constant 0 : index
    %get3A_33 = arith.constant 0 : index
    %get3A_34 = vector.load %arg4[%get3A_32, %get3A_33] : memref<64x64xf32, #tpu.memory_space<vmem>>, vector<32x64xf32>
    %dot_general3A = arith.constant dense<0.000000e+00> : vector<2000x64xf32>
    %dot_general3A_35 = tpu.matmul %max3A_14, %get3A_34, %dot_general3A {dimension_numbers = #tpu.dot_dimension_numbers<[1], [0], [0], [1], [0, 0, 1, 1], [], []>, transpose_lhs_hint = false} : vector<2000x32xf32>, vector<32x64xf32>, vector<2000x64xf32> -> vector<2000x64xf32>
    %get3A_36 = arith.constant 32 : index
    %get3A_37 = arith.constant 0 : index
    %get3A_38 = vector.load %arg4[%get3A_36, %get3A_37] : memref<64x64xf32, #tpu.memory_space<vmem>>, vector<32x64xf32>
    %dot_general3A_39 = arith.constant dense<0.000000e+00> : vector<2000x64xf32>
    %dot_general3A_40 = tpu.matmul %max3A_31, %get3A_38, %dot_general3A_39 {dimension_numbers = #tpu.dot_dimension_numbers<[1], [0], [0], [1], [0, 0, 1, 1], [], []>, transpose_lhs_hint = false} : vector<2000x32xf32>, vector<32x64xf32>, vector<2000x64xf32> -> vector<2000x64xf32>
    %add3A_41 = arith.addf %dot_general3A_35, %dot_general3A_40 : vector<2000x64xf32>
    %mul3A_42 = vector.broadcast %get3A_1 : vector<2000x1xf32> to vector<2000x64xf32>
    %mul3A_43 = arith.mulf %mul3A_42, %add3A_41 : vector<2000x64xf32>
    %slice3A = vector.extract_strided_slice %mul3A_43 {offsets = [0, 0], sizes = [2000, 32], strides = [1, 1]} : vector<2000x64xf32> to vector<2000x32xf32>
    %swap3A = arith.constant 0 : index
    %swap3A_44 = arith.constant 0 : index
    %swap3A_45 = arith.constant 0 : index
    %swap3A_46 = vector.load %arg5[%swap3A, %swap3A_44, %swap3A_45] : memref<2x2000x32xf32, #tpu.memory_space<vmem>>, vector<1x2000x32xf32>
    %swap3A_47 = vector.shape_cast %swap3A_46 : vector<1x2000x32xf32> to vector<2000x32xf32>
    %swap3A_48 = vector.shape_cast %slice3A : vector<2000x32xf32> to vector<1x2000x32xf32>
    tpu.vector_store %arg5[%swap3A, %swap3A_44, %swap3A_45], %swap3A_48 {strides = array<i32>} : memref<2x2000x32xf32, #tpu.memory_space<vmem>>, vector<1x2000x32xf32>,
    %slice3A_49 = vector.extract_strided_slice %mul3A_43 {offsets = [0, 32], sizes = [2000, 32], strides = [1, 1]} : vector<2000x64xf32> to vector<2000x32xf32>
    %swap3A_50 = arith.constant 1 : index
    %swap3A_51 = arith.constant 0 : index
    %swap3A_52 = arith.constant 0 : index
    %swap3A_53 = vector.load %arg5[%swap3A_50, %swap3A_51, %swap3A_52] : memref<2x2000x32xf32, #tpu.memory_space<vmem>>, vector<1x2000x32xf32>
    %swap3A_54 = vector.shape_cast %swap3A_53 : vector<1x2000x32xf32> to vector<2000x32xf32>
    %swap3A_55 = vector.shape_cast %slice3A_49 : vector<2000x32xf32> to vector<1x2000x32xf32>
    tpu.vector_store %arg5[%swap3A_50, %swap3A_51, %swap3A_52], %swap3A_55 {strides = array<i32>} : memref<2x2000x32xf32, #tpu.memory_space<vmem>>, vector<1x2000x32xf32>,
    return
  }
  func.func @transform_0(%arg0: i32) -> (i32, i32, i32) {
    %c0_i32 = arith.constant 0 : i32
    %c0_i32_0 = arith.constant 0 : i32
    %c0_i32_1 = arith.constant 0 : i32
    return %c0_i32, %arg0, %c0_i32_0 : i32, i32, i32
  }
  func.func @transform_1(%arg0: i32) -> (i32, i32) {
    %c0_i32 = arith.constant 0 : i32
    %c0_i32_0 = arith.constant 0 : i32
    return %arg0, %c0_i32 : i32, i32
  }
  func.func @transform_2(%arg0: i32) -> (i32, i32) {
    %c0_i32 = arith.constant 0 : i32
    %c0_i32_0 = arith.constant 0 : i32
    %c0_i32_1 = arith.constant 0 : i32
    return %c0_i32, %c0_i32_0 : i32, i32
  }
  func.func @transform_3(%arg0: i32) -> (i32, i32) {
    %c0_i32 = arith.constant 0 : i32
    %c0_i32_0 = arith.constant 0 : i32
    %c0_i32_1 = arith.constant 0 : i32
    return %c0_i32, %c0_i32_0 : i32, i32
  }
  func.func @transform_4(%arg0: i32) -> (i32, i32, i32) {
    %c0_i32 = arith.constant 0 : i32
    %c0_i32_0 = arith.constant 0 : i32
    %c0_i32_1 = arith.constant 0 : i32
    return %c0_i32, %arg0, %c0_i32_0 : i32, i32, i32
  }
}

module attributes {stable_mosaic.version = 14 : i64} {
  func.func @_final_body(%arg0: i32, %arg1: memref<2x2000x32xf32, #tpu.memory_space<vmem>>, %arg2: memref<2000x1xf32, #tpu.memory_space<vmem>>, %arg3: memref<1x64xf32, #tpu.memory_space<vmem>>, %arg4: memref<2000x1xi32, #tpu.memory_space<vmem>>, %arg5: memref<64x256xf32, #tpu.memory_space<vmem>>, %arg6: memref<1x256xf32, #tpu.memory_space<vmem>>, %arg7: memref<256x2xf32, #tpu.memory_space<vmem>>, %arg8: memref<1x2xf32, #tpu.memory_space<vmem>>, %arg9: memref<128x2xf32, #tpu.memory_space<vmem>>, %arg10: memref<128x64xf32, #tpu.memory_space<vmem>>, %arg11: memref<128x1xf32, #tpu.memory_space<vmem>>) attributes {dimension_semantics = [#tpu.dimension_semantics<arbitrary>], iteration_bounds = array<i64: 25>, scalar_prefetch = 0 : i64, scratch_operands = 2 : i64, tpu.core_type = #tpu.core_type<tc>, window_params = [{transform_indices = @transform_0, window_bounds = array<i64: 2, 2000, 32>}, {transform_indices = @transform_1, window_bounds = array<i64: 2000, 1>}, {pipeline_mode = #tpu.pipeline_mode<synchronous>, transform_indices = @transform_2, window_bounds = array<i64: 1, 64>}, {transform_indices = @transform_3, window_bounds = array<i64: 2000, 1>}, {pipeline_mode = #tpu.pipeline_mode<synchronous>, transform_indices = @transform_4, window_bounds = array<i64: 64, 256>}, {pipeline_mode = #tpu.pipeline_mode<synchronous>, transform_indices = @transform_5, window_bounds = array<i64: 1, 256>}, {pipeline_mode = #tpu.pipeline_mode<synchronous>, transform_indices = @transform_6, window_bounds = array<i64: 256, 2>}, {pipeline_mode = #tpu.pipeline_mode<synchronous>, transform_indices = @transform_7, window_bounds = array<i64: 1, 2>}, {pipeline_mode = #tpu.pipeline_mode<synchronous>, transform_indices = @transform_8, window_bounds = array<i64: 128, 2>}]} {
    %eq3A = arith.constant 0 : i32
    %eq3A_0 = arith.cmpi eq, %arg0, %eq3A : i32
    %convert_element_type3A = arith.extui %eq3A_0 : i1 to i32
    %cond3A = arith.constant 0 : i32
    %cond3A_1 = arith.cmpi ne, %convert_element_type3A, %cond3A : i32
    scf.if %cond3A_1 {
      %broadcast_in_dim3A_48 = arith.constant 0.000000e+00 : f32
      %broadcast_in_dim3A_49 = vector.broadcast %broadcast_in_dim3A_48 : f32 to vector<128x64xf32>
      %swap3A_50 = arith.constant 0 : index
      %swap3A_51 = arith.constant 0 : index
      %swap3A_52 = vector.load %arg10[%swap3A_50, %swap3A_51] : memref<128x64xf32, #tpu.memory_space<vmem>>, vector<128x64xf32>
      tpu.vector_store %arg10[%swap3A_50, %swap3A_51], %broadcast_in_dim3A_49 {strides = array<i32>} : memref<128x64xf32, #tpu.memory_space<vmem>>, vector<128x64xf32>,
      %broadcast_in_dim3A_53 = arith.constant 0.000000e+00 : f32
      %broadcast_in_dim3A_54 = vector.broadcast %broadcast_in_dim3A_53 : f32 to vector<128x1xf32>
      %swap3A_55 = arith.constant 0 : index
      %swap3A_56 = arith.constant 0 : index
      %swap3A_57 = vector.load %arg11[%swap3A_55, %swap3A_56] : memref<128x1xf32, #tpu.memory_space<vmem>>, vector<128x1xf32>
      tpu.vector_store %arg11[%swap3A_55, %swap3A_56], %broadcast_in_dim3A_54 {strides = array<i32>} : memref<128x1xf32, #tpu.memory_space<vmem>>, vector<128x1xf32>,
    } else {
    }
    %get3A = arith.constant 0 : index
    %get3A_2 = arith.constant 0 : index
    %get3A_3 = vector.load %arg2[%get3A, %get3A_2] : memref<2000x1xf32, #tpu.memory_space<vmem>>, vector<2000x1xf32>
    %get3A_4 = arith.constant 0 : index
    %get3A_5 = arith.constant 0 : index
    %get3A_6 = arith.constant 0 : index
    %get3A_7 = vector.load %arg1[%get3A_4, %get3A_5, %get3A_6] : memref<2x2000x32xf32, #tpu.memory_space<vmem>>, vector<1x2000x32xf32>
    %get3A_8 = vector.shape_cast %get3A_7 : vector<1x2000x32xf32> to vector<2000x32xf32>
    %get3A_9 = arith.constant 1 : index
    %get3A_10 = arith.constant 0 : index
    %get3A_11 = arith.constant 0 : index
    %get3A_12 = vector.load %arg1[%get3A_9, %get3A_10, %get3A_11] : memref<2x2000x32xf32, #tpu.memory_space<vmem>>, vector<1x2000x32xf32>
    %get3A_13 = vector.shape_cast %get3A_12 : vector<1x2000x32xf32> to vector<2000x32xf32>
    %concatenate3A = tpu.concatenate %get3A_8, %get3A_13 in 1 : vector<2000x32xf32>, vector<2000x32xf32> -> vector<2000x64xf32>
    %mul3A = vector.broadcast %get3A_3 : vector<2000x1xf32> to vector<2000x64xf32>
    %mul3A_14 = arith.mulf %mul3A, %concatenate3A : vector<2000x64xf32>
    %get3A_15 = arith.constant 0 : index
    %get3A_16 = arith.constant 0 : index
    %get3A_17 = vector.load %arg3[%get3A_15, %get3A_16] : memref<1x64xf32, #tpu.memory_space<vmem>>, vector<1x64xf32>
    %add3A = vector.broadcast %get3A_17 : vector<1x64xf32> to vector<2000x64xf32>
    %add3A_18 = arith.addf %mul3A_14, %add3A : vector<2000x64xf32>
    %get3A_19 = arith.constant 0 : index
    %get3A_20 = arith.constant 0 : index
    %get3A_21 = vector.load %arg4[%get3A_19, %get3A_20] : memref<2000x1xi32, #tpu.memory_space<vmem>>, vector<2000x1xi32>
    %iota3A = tpu.iota {dimensions = array<i32: 1>} : vector<2000x128xi32>
    %eq3A_22 = vector.broadcast %get3A_21 : vector<2000x1xi32> to vector<2000x128xi32>
    %eq3A_23 = arith.cmpi eq, %eq3A_22, %iota3A : vector<2000x128xi32>
    %convert_element_type3A_24 = arith.extui %eq3A_23 : vector<2000x128xi1> to vector<2000x128xi32>
    %convert_element_type3A_25 = arith.sitofp %convert_element_type3A_24 : vector<2000x128xi32> to vector<2000x128xf32>
    %get3A_26 = arith.constant 0 : index
    %get3A_27 = arith.constant 0 : index
    %get3A_28 = vector.load %arg10[%get3A_26, %get3A_27] : memref<128x64xf32, #tpu.memory_space<vmem>>, vector<128x64xf32>
    %dot_general3A = arith.constant dense<0.000000e+00> : vector<128x64xf32>
    %dot_general3A_29 = tpu.matmul %convert_element_type3A_25, %add3A_18, %dot_general3A {dimension_numbers = #tpu.dot_dimension_numbers<[0], [0], [1], [1], [0, 1, 1, 1], [], []>, precision = #tpu.contract_precision<fp32>, transpose_lhs_hint = false} : vector<2000x128xf32>, vector<2000x64xf32>, vector<128x64xf32> -> vector<128x64xf32>
    %add3A_30 = arith.addf %get3A_28, %dot_general3A_29 : vector<128x64xf32>
    %swap3A = arith.constant 0 : index
    %swap3A_31 = arith.constant 0 : index
    %swap3A_32 = vector.load %arg10[%swap3A, %swap3A_31] : memref<128x64xf32, #tpu.memory_space<vmem>>, vector<128x64xf32>
    tpu.vector_store %arg10[%swap3A, %swap3A_31], %add3A_30 {strides = array<i32>} : memref<128x64xf32, #tpu.memory_space<vmem>>, vector<128x64xf32>,
    %get3A_33 = arith.constant 0 : index
    %get3A_34 = arith.constant 0 : index
    %get3A_35 = vector.load %arg11[%get3A_33, %get3A_34] : memref<128x1xf32, #tpu.memory_space<vmem>>, vector<128x1xf32>
    %broadcast_in_dim3A = arith.constant 1.000000e+00 : f32
    %broadcast_in_dim3A_36 = vector.broadcast %broadcast_in_dim3A : f32 to vector<2000x1xf32>
    %dot_general3A_37 = arith.constant dense<0.000000e+00> : vector<128x1xf32>
    %dot_general3A_38 = tpu.matmul %convert_element_type3A_25, %broadcast_in_dim3A_36, %dot_general3A_37 {dimension_numbers = #tpu.dot_dimension_numbers<[0], [0], [1], [1], [0, 1, 1, 1], [], []>, precision = #tpu.contract_precision<fp32>, transpose_lhs_hint = false} : vector<2000x128xf32>, vector<2000x1xf32>, vector<128x1xf32> -> vector<128x1xf32>
    %add3A_39 = arith.addf %get3A_35, %dot_general3A_38 : vector<128x1xf32>
    %swap3A_40 = arith.constant 0 : index
    %swap3A_41 = arith.constant 0 : index
    %swap3A_42 = vector.load %arg11[%swap3A_40, %swap3A_41] : memref<128x1xf32, #tpu.memory_space<vmem>>, vector<128x1xf32>
    tpu.vector_store %arg11[%swap3A_40, %swap3A_41], %add3A_39 {strides = array<i32>} : memref<128x1xf32, #tpu.memory_space<vmem>>, vector<128x1xf32>,
    %eq3A_43 = arith.constant 24 : i32
    %eq3A_44 = arith.cmpi eq, %arg0, %eq3A_43 : i32
    %convert_element_type3A_45 = arith.extui %eq3A_44 : i1 to i32
    %cond3A_46 = arith.constant 0 : i32
    %cond3A_47 = arith.cmpi ne, %convert_element_type3A_45, %cond3A_46 : i32
    scf.if %cond3A_47 {
      %get3A_48 = arith.constant 0 : index
      %get3A_49 = arith.constant 0 : index
      %get3A_50 = vector.load %arg10[%get3A_48, %get3A_49] : memref<128x64xf32, #tpu.memory_space<vmem>>, vector<128x64xf32>
      %get3A_51 = arith.constant 0 : index
      %get3A_52 = arith.constant 0 : index
      %get3A_53 = vector.load %arg11[%get3A_51, %get3A_52] : memref<128x1xf32, #tpu.memory_space<vmem>>, vector<128x1xf32>
      %max3A = arith.constant 1.000000e+00 : f32
      %max3A_54 = vector.broadcast %max3A : f32 to vector<128x1xf32>
      %max3A_55 = arith.maximumf %get3A_53, %max3A_54 : vector<128x1xf32>
      %div3A = vector.broadcast %max3A_55 : vector<128x1xf32> to vector<128x64xf32>
      %div3A_56 = arith.divf %get3A_50, %div3A : vector<128x64xf32>
      %get3A_57 = arith.constant 0 : index
      %get3A_58 = arith.constant 0 : index
      %get3A_59 = vector.load %arg5[%get3A_57, %get3A_58] : memref<64x256xf32, #tpu.memory_space<vmem>>, vector<64x256xf32>
      %dot_general3A_60 = arith.constant dense<0.000000e+00> : vector<128x256xf32>
      %dot_general3A_61 = tpu.matmul %div3A_56, %get3A_59, %dot_general3A_60 {dimension_numbers = #tpu.dot_dimension_numbers<[1], [0], [0], [1], [0, 0, 1, 1], [], []>, transpose_lhs_hint = false} : vector<128x64xf32>, vector<64x256xf32>, vector<128x256xf32> -> vector<128x256xf32>
      %get3A_62 = arith.constant 0 : index
      %get3A_63 = arith.constant 0 : index
      %get3A_64 = vector.load %arg6[%get3A_62, %get3A_63] : memref<1x256xf32, #tpu.memory_space<vmem>>, vector<1x256xf32>
      %add3A_65 = vector.broadcast %get3A_64 : vector<1x256xf32> to vector<128x256xf32>
      %add3A_66 = arith.addf %dot_general3A_61, %add3A_65 : vector<128x256xf32>
      %reduce_sum3A = arith.constant dense<0.000000e+00> : vector<256xf32>
      %reduce_sum3A_67 = vector.multi_reduction <add>, %add3A_66, %reduce_sum3A [0] : vector<128x256xf32> to vector<256xf32>
      %broadcast_in_dim3A_68 = vector.shape_cast %reduce_sum3A_67 : vector<256xf32> to vector<1x256xf32>
      %div3A_69 = arith.constant 1.280000e+02 : f32
      %div3A_70 = vector.broadcast %div3A_69 : f32 to vector<1x256xf32>
      %div3A_71 = arith.divf %broadcast_in_dim3A_68, %div3A_70 : vector<1x256xf32>
      %sub3A = vector.broadcast %div3A_71 : vector<1x256xf32> to vector<128x256xf32>
      %sub3A_72 = arith.subf %add3A_66, %sub3A : vector<128x256xf32>
      %integer_pow3A = arith.mulf %sub3A_72, %sub3A_72 : vector<128x256xf32>
      %reduce_sum3A_73 = arith.constant dense<0.000000e+00> : vector<256xf32>
      %reduce_sum3A_74 = vector.multi_reduction <add>, %integer_pow3A, %reduce_sum3A_73 [0] : vector<128x256xf32> to vector<256xf32>
      %broadcast_in_dim3A_75 = vector.shape_cast %reduce_sum3A_74 : vector<256xf32> to vector<1x256xf32>
      %div3A_76 = arith.constant 1.280000e+02 : f32
      %div3A_77 = vector.broadcast %div3A_76 : f32 to vector<1x256xf32>
      %div3A_78 = arith.divf %broadcast_in_dim3A_75, %div3A_77 : vector<1x256xf32>
      %sub3A_79 = vector.broadcast %div3A_71 : vector<1x256xf32> to vector<128x256xf32>
      %sub3A_80 = arith.subf %add3A_66, %sub3A_79 : vector<128x256xf32>
      %add3A_81 = arith.constant 9.99999974E-6 : f32
      %add3A_82 = vector.broadcast %add3A_81 : f32 to vector<1x256xf32>
      %add3A_83 = arith.addf %div3A_78, %add3A_82 : vector<1x256xf32>
      %rsqrt3A = math.rsqrt %add3A_83 : vector<1x256xf32>
      %mul3A_84 = vector.broadcast %rsqrt3A : vector<1x256xf32> to vector<128x256xf32>
      %mul3A_85 = arith.mulf %sub3A_80, %mul3A_84 : vector<128x256xf32>
      %max3A_86 = arith.constant 0.000000e+00 : f32
      %max3A_87 = vector.broadcast %max3A_86 : f32 to vector<128x256xf32>
      %max3A_88 = arith.maximumf %mul3A_85, %max3A_87 : vector<128x256xf32>
      %get3A_89 = arith.constant 0 : index
      %get3A_90 = arith.constant 0 : index
      %get3A_91 = vector.load %arg7[%get3A_89, %get3A_90] : memref<256x2xf32, #tpu.memory_space<vmem>>, vector<256x2xf32>
      %dot_general3A_92 = arith.constant dense<0.000000e+00> : vector<128x2xf32>
      %dot_general3A_93 = tpu.matmul %max3A_88, %get3A_91, %dot_general3A_92 {dimension_numbers = #tpu.dot_dimension_numbers<[1], [0], [0], [1], [0, 0, 1, 1], [], []>, transpose_lhs_hint = false} : vector<128x256xf32>, vector<256x2xf32>, vector<128x2xf32> -> vector<128x2xf32>
      %get3A_94 = arith.constant 0 : index
      %get3A_95 = arith.constant 0 : index
      %get3A_96 = vector.load %arg8[%get3A_94, %get3A_95] : memref<1x2xf32, #tpu.memory_space<vmem>>, vector<1x2xf32>
      %add3A_97 = vector.broadcast %get3A_96 : vector<1x2xf32> to vector<128x2xf32>
      %add3A_98 = arith.addf %dot_general3A_93, %add3A_97 : vector<128x2xf32>
      %swap3A_99 = arith.constant 0 : index
      %swap3A_100 = arith.constant 0 : index
      %swap3A_101 = vector.load %arg9[%swap3A_99, %swap3A_100] : memref<128x2xf32, #tpu.memory_space<vmem>>, vector<128x2xf32>
      tpu.vector_store %arg9[%swap3A_99, %swap3A_100], %add3A_98 {strides = array<i32>} : memref<128x2xf32, #tpu.memory_space<vmem>>, vector<128x2xf32>,
    } else {
    }
    return
  }
  func.func @transform_0(%arg0: i32) -> (i32, i32, i32) {
    %c0_i32 = arith.constant 0 : i32
    %c0_i32_0 = arith.constant 0 : i32
    %c0_i32_1 = arith.constant 0 : i32
    return %c0_i32, %arg0, %c0_i32_0 : i32, i32, i32
  }
  func.func @transform_1(%arg0: i32) -> (i32, i32) {
    %c0_i32 = arith.constant 0 : i32
    %c0_i32_0 = arith.constant 0 : i32
    return %arg0, %c0_i32 : i32, i32
  }
  func.func @transform_2(%arg0: i32) -> (i32, i32) {
    %c0_i32 = arith.constant 0 : i32
    %c0_i32_0 = arith.constant 0 : i32
    %c0_i32_1 = arith.constant 0 : i32
    return %c0_i32, %c0_i32_0 : i32, i32
  }
  func.func @transform_3(%arg0: i32) -> (i32, i32) {
    %c0_i32 = arith.constant 0 : i32
    %c0_i32_0 = arith.constant 0 : i32
    return %arg0, %c0_i32 : i32, i32
  }
  func.func @transform_4(%arg0: i32) -> (i32, i32) {
    %c0_i32 = arith.constant 0 : i32
    %c0_i32_0 = arith.constant 0 : i32
    %c0_i32_1 = arith.constant 0 : i32
    return %c0_i32, %c0_i32_0 : i32, i32
  }
  func.func @transform_5(%arg0: i32) -> (i32, i32) {
    %c0_i32 = arith.constant 0 : i32
    %c0_i32_0 = arith.constant 0 : i32
    %c0_i32_1 = arith.constant 0 : i32
    return %c0_i32, %c0_i32_0 : i32, i32
  }
  func.func @transform_6(%arg0: i32) -> (i32, i32) {
    %c0_i32 = arith.constant 0 : i32
    %c0_i32_0 = arith.constant 0 : i32
    %c0_i32_1 = arith.constant 0 : i32
    return %c0_i32, %c0_i32_0 : i32, i32
  }
  func.func @transform_7(%arg0: i32) -> (i32, i32) {
    %c0_i32 = arith.constant 0 : i32
    %c0_i32_0 = arith.constant 0 : i32
    %c0_i32_1 = arith.constant 0 : i32
    return %c0_i32, %c0_i32_0 : i32, i32
  }
  func.func @transform_8(%arg0: i32) -> (i32, i32) {
    %c0_i32 = arith.constant 0 : i32
    %c0_i32_0 = arith.constant 0 : i32
    %c0_i32_1 = arith.constant 0 : i32
    return %c0_i32, %c0_i32_0 : i32, i32
  }
}

</mosaic_0001>

<sc_bundles>
// kernel: kernel.13.cloned.1.call-start
scs
__scs_entry_jumppad:
0x0: {  	(pc) =	sbr.rel $0x88, $3  }
0x1: {  	(tag) =	ssettag $0x0;
	lr =	simm.s32 $0x1  }
0x2: {  	[smem:$0x3F92] =	sst lr;
	_ =	strace $0xD0000000  }
0x3: {  	_ = 	snop  }
0x4: {  	_ = 	snop  }
0x5: {  	_ = 	snop  }
0x6: {  	_ = 	snop  }
0x7: {  	_ = 	snop  }
__scs_overlays_trampoline_lowered:
0x8: {  	[smem:$0x3FA1] =	sst s0  }
0x9: {  	[smem:$0x3FA2] =	sst s1  }
0xa: {  	[smem:$0x3FA3] =	sst s2  }
0xb: {  	[smem:$0x3FA4] =	sst s3  }
0xc: {  	[smem:$0x3FA5] =	sst s4  }
0xd: {  	[smem:$0x3FA6] =	sst s5  }
0xe: {  	[smem:$0x3FA7] =	sst s6  }
0xf: {  	[smem:$0x3FA8] =	sst s7  }
0x10: {  	[smem:$0x3FA9] =	sst s8  }
0x11: {  	[smem:$0x3FAA] =	sst s9;
	s0 =	simm.s32 @!p0 $0x0  }
0x12: {  	s1 =	sld [smem:$0x3F90];
	s0 =	simm.s32 @p0 $0x1  }
0x13: {  	[smem:$0x3FAB] =	sst s0;
	s0 =	simm.s32 @!p1 $0x0  }
0x14: {  	s2 =	sld [smem:$0x3F8F];
	s0 =	simm.s32 @p1 $0x1  }
0x15: {  	[smem:$0x3FAC] =	sst s0;
	s0 =	simm.s32 @!p2 $0x0  }
0x16: {  	s3 =	sld [smem:$0x3FDB];
	s0 =	simm.s32 @p2 $0x1  }
0x17: {  	s4 =	simm.s32 $0x1BF5;
	[smem:$0x3FAE] =	sst s0  }
0x18: {  	s0 =	sld [smem:$0x3F91];
	_ =	swait.ge [sflag:s4], $0x0  }
0x19: {  	s7 =	sld [smem:$0x3F92]  }
0x1a: {  	s8 =	sadd.s32 $0xFFFFE003, lr  }
0x1b: {  	s9 =	sadd.s32 $0xFFFFFEF7, lr;
	s5 =	simm.s32 $0xFFFFFFFF;
	p2 =	slt.u32 s8, $0xFFFFF086  }
0x1c: {  	p1 =	slt.u32 s9, $0xF7A;
	s5 =	simm.s32 @!p2 $0x0  }
0x1d: {  	s5 =	simm.s32 @p1 $0x1;
	p0 =	seq.s32 s7, s2  }
0x1e: {  	s7 =	smul.u32 @!p0 $0xF7A, s2;
	p2 =	seq.s32 @!p0 s5, $0x0  }
0x1f: {  	s9 =	smul.u32 $0xF7A, s1;
	s8 =	simm.s32 @!p0 $0x1BF5;
	p2 =	por !p2, p0  }
0x20: {  	[sflag:s8] =	ssyncset.s32 @!p0 $0xFFFFF086;
	s6 =	sadd.s32 @!p0 s3, s7;
	s7 =	simm.s32 @!p0 $0x108  }
0x21: {  	s3 =	sadd.s32 s3, s9;
	s6 =	sadd.s32 @!p0 $0x88, s6;
	s7 =	simm.s32 @p2 $0x1082  }
0x22: {  	[simem:s7], [sflag:s8] =	dma.local @!p0 [hbm:s6], $0xF7A  }
0x23: {  	s9 =	sor.u32 $0xD0000000, s2;
	s6 =	simm.s32 $0x108;
	_ =	swait.ge @!p0 [sflag:s8], $0x0  }
0x24: {  	s3 =	sadd.s32 $0x88, s3;
	s6 =	simm.s32 @!p1 $0x1082;
	[sflag:s4] =	ssyncset.s32 $0xFFFFF086  }
0x25: {  	[simem:s6], [sflag:s4] =	dma.local [hbm:s3], $0xF7A  }
0x26: {  	[smem:$0x3F92] =	sst s1;
	(tag) =	ssettag s2;
	_ =	strace s9  }
0x27: {  	s1 =	sld [smem:$0x3FA2]  }
0x28: {  	s2 =	sld [smem:$0x3FA3]  }
0x29: {  	s4 =	sld [smem:$0x3FA5]  }
0x2a: {  	p0 =	seq.s32 s5, $0x0;
	s5 =	sld [smem:$0x3FA6]  }
0x2b: {  	s6 =	sld [smem:$0x3FA7]  }
0x2c: {  	s7 =	sld [smem:$0x3FA8]  }
0x2d: {  	s3 =	simm.s32 $0x108;
	s8 =	sld [smem:$0x3FA9]  }
0x2e: {  	s3 =	simm.s32 @!p0 $0x1082;
	s9 =	sld [smem:$0x3FAA]  }
0x2f: {  	lr =	sadd.s32 s0, s3;
	s0 =	sld [smem:$0x3FA1]  }
0x30: {  	s3 =	sld [smem:$0x3FA4]  }
0x31: {  	[smem:$0x3FAD] =	sst s10  }
0x32: {  	s10 =	sld [smem:$0x3FAB];
	_ =	sdelay $0x3  }
0x33: {  	p0 =	seq.s32 s10, $0x1;
	s10 =	sld [smem:$0x3FAD];
	_ =	sdelay $0x3  }
0x34: {  	[smem:$0x3FAD] =	sst s10  }
0x35: {  	s10 =	sld [smem:$0x3FAC];
	_ =	sdelay $0x3  }
0x36: {  	p1 =	seq.s32 s10, $0x1;
	s10 =	sld [smem:$0x3FAD];
	_ =	sdelay $0x3  }
0x37: {  	[smem:$0x3FAD] =	sst s10  }
0x38: {  	s10 =	sld [smem:$0x3FAE]  }
0x39: {  	_ = 	snop;
	(pc) =	sbr.ind lr, $3  }
0x3a: {  	_ = 	snop  }
0x3b: {  	_ = 	snop  }
0x3c: {  	p2 =	seq.s32 s10, $0x1;
	s10 =	sld [smem:$0x3FAD]  }
0x3d: {  	_ =	shalt  }
0x3e: {  	_ =	shalt  }
0x3f: {  	_ =	shalt  }
0x40: {  	_ =	shalt  }
0x41: {  	_ =	shalt  }
0x42: {  	_ =	shalt  }
0x43: {  	_ =	shalt  }
0x44: {  	_ =	shalt  }
0x45: {  	_ =	shalt  }
0x46: {  	_ =	shalt  }
0x47: {  	_ =	shalt  }
0x48: {  	_ =	shalt  }
0x49: {  	_ =	shalt  }
0x4a: {  	_ =	shalt  }
0x4b: {  	_ =	shalt  }
0x4c: {  	_ =	shalt  }
0x4d: {  	_ =	shalt  }
0x4e: {  	_ =	shalt  }
0x4f: {  	_ =	shalt  }
0x50: {  	_ =	shalt  }
0x51: {  	_ =	shalt  }
0x52: {  	_ =	shalt  }
0x53: {  	_ =	shalt  }
0x54: {  	_ =	shalt  }
0x55: {  	_ =	shalt  }
0x56: {  	_ =	shalt  }
0x57: {  	_ =	shalt  }
0x58: {  	_ =	shalt  }
0x59: {  	_ =	shalt  }
0x5a: {  	_ =	shalt  }
0x5b: {  	_ =	shalt  }
0x5c: {  	_ =	shalt  }
0x5d: {  	_ =	shalt  }
0x5e: {  	_ =	shalt  }
0x5f: {  	_ =	shalt  }
0x60: {  	_ =	shalt  }
0x61: {  	_ =	shalt  }
0x62: {  	_ =	shalt  }
0x63: {  	_ =	shalt  }
0x64: {  	_ =	shalt  }
0x65: {  	_ =	shalt  }
0x66: {  	_ =	shalt  }
0x67: {  	_ =	shalt  }
0x68: {  	_ =	shalt  }
0x69: {  	_ =	shalt  }
0x6a: {  	_ =	shalt  }
0x6b: {  	_ =	shalt  }
0x6c: {  	_ =	shalt  }
0x6d: {  	_ =	shalt  }
0x6e: {  	_ =	shalt  }
0x6f: {  	_ =	shalt  }
0x70: {  	_ =	shalt  }
0x71: {  	_ =	shalt  }
0x72: {  	_ =	shalt  }
0x73: {  	_ =	shalt  }
0x74: {  	_ =	shalt  }
0x75: {  	_ =	shalt  }
0x76: {  	_ =	shalt  }
0x77: {  	_ =	shalt  }
0x78: {  	_ =	shalt  }
0x79: {  	_ =	shalt  }
0x7a: {  	_ =	shalt  }
0x7b: {  	_ =	shalt  }
0x7c: {  	_ =	shalt  }
0x7d: {  	_ =	shalt  }
0x7e: {  	_ =	shalt  }
0x7f: {  	_ =	shalt  }
0x80: {  	_ =	shalt  }
0x81: {  	_ =	shalt  }
0x82: {  	_ =	shalt  }
0x83: {  	_ =	shalt  }
0x84: {  	_ =	shalt  }
0x85: {  	_ =	shalt  }
0x86: {  	_ =	shalt  }
0x87: {  	_ =	shalt  }
.Lfunc_end0:
.L_simem_size_0:
called_computation_lowered:
.L_overlay_start_0:
0x88: {  	s2 =	sld [smem:$0x3FD9]  }
0x89: {  	s3 =	sld [smem:$0x3FFE];
	_ =	sdelay $0x1  }
0x8a: {  	s1 =	srdreg.scid  }
0x8b: {  	s0 =	sand.u32 $0x1, s1  }
0x8c: {  	s16 =	sshll.u32 s0, $0xA;
	s2 =	sadd.s32 s3, s2  }
0x8d: {  	s2 =	sadd.s32 s2, s16  }
0x8e: {  	[smem:$0x3FB9] =	sst s2  }
0x8f: {  	_ = 	snop  }
0x90: {  	(tm) =	ssettm $0x1  }
0x91: {  	s17 =	sld [smem:$0x3FFB];
	_ =	sdelay $0x3  }
0x92: {  	_ =	strace s17  }
0x93: {  	s2 =	sld [smem:$0x3FFC];
	_ =	sdelay $0x3  }
0x94: {  	_ =	strace s2  }
0x95: {  	s2 =	sld [smem:$0x3FFD];
	_ =	sdelay $0x3  }
0x96: {  	_ =	strace s2  }
0x97: {  	_ =	strace $0x8FFFFFFF  }
0x98: {  	s18 =	sld [smem:$0x3FDB];
	_ =	sdelay $0x1  }
0x99: {  	s19 =	simm.s32 $_scs_section_size  }
0x9a: {  	s4 =	simm.s32 $_size__tile_overlayer_lowered;
	s5 =	simm.s32 $_tile_overlayer_lowered  }
0x9b: {  	s22 =	simm.s32 $0x1BFF;
	s21 =	sshll.u32 s5, $0x1;
	s2 =	sadd.s32 s19, s18  }
0x9c: {  	s6 =	simm.s32 $0x0;
	s20 =	sshll.u32 s4, $0x1;
	s4 =	sadd.s32 s21, s2  }
0x9d: {  	[timem:s6], [sflag:s22] =	dma.local [hbm:s4], s20  }
0x9e: {  	_ =	swait.ge [sflag:s22], s20  }
0x9f: {  	s3 =	ssub.s32 $0x0, s20;
	[sflag:s22] =	ssyncset.done $0x0  }
0xa0: {  	[sflag:s22] =	ssyncadd.s32 s3;
	_ =	sdelay $0x1  }
0xa1: {  	s23 =	simm.s32 $0x1B8B  }
0xa2: {  	_ =	swait.ge [sflag:s23], $0x1  }
0xa3: {  	[sflag:s23] =	ssyncset.done $0x0  }
0xa4: {  	s25 =	simm.s32 $0x1B8E;
	s24 =	sld [smem:$0x3FFE];
	[sflag:s23] =	ssyncadd.s32 $0xFFFFFFFF  }
0xa5: {  	s26 =	simm.s32 $execute0_lowered;
	[smem:$0x3FD2] =	sst s25  }
0xa6: {  	s4 =	sshll.u32 s26, $0x1;
	_ =	strace $0x80000046;
	[dreg:$0x1] =	wrdreg $0xFFFFFFFF  }
0xa7: {  	s28 =	simm.s32 $_size_execute0_lowered;
	s2 =	sadd.s32 s2, s4;
	[dreg:$0x0] =	wrdreg $0x0  }
0xa8: {  	s4 =	sshll.u32 s28, $0x1;
	[dreg:$0x2] =	wrdreg s2  }
0xa9: {  	[dreg:$0x3] =	wrdreg s4  }
0xaa: {  	[dreg:$0x4] =	wrdreg $0xC0  }
0xab: {  	_ =	task [dreg:s6], $0x5FFFF  }
0xac: {  	[dreg:$0x1] =	wrdreg $0xFFFFFFFF  }
0xad: {  	[dreg:$0x0] =	wrdreg $0x60  }
0xae: {  	[dreg:$0x2] =	wrdreg s24  }
0xaf: {  	[dreg:$0x3] =	wrdreg $0x9  }
0xb0: {  	_ =	task.clear_ibuf [dreg:s6], $0x4FFFF;
	_ =	strace $0x90000046  }
0xb1: {  	s29 =	simm.s32 $0x9;
	_ =	strace $0x80000048  }
0xb2: {  	_ =	swait.ge [sflag:s29], $0x1  }
0xb3: {  	[sflag:s29] =	ssyncadd.s32 $0xFFFFFFFF  }
0xb4: {  	_ =	strace $0x90000048  }
0xb5: {  	_ =	sfence  }
0xb6: {  	s30 =	sld [smem:$0x0];
	_ =	sdelay $0x2  }
0xb7: {  	s31 =	sshll.u32 s1, $0xD;
	s1 =	sshrl.u32 s1, $0x2  }
0xb8: {  	s3 =	sand.u32 $0x4000, s31;
	s1 =	sadd.s32 s1, s30  }
0xb9: {  	s0 =	sor.u32 s3, s0;
	s1 =	sshll.u32 s1, $0x11  }
0xba: {  	s0 =	sor.u32 s1, s0  }
0xbb: {  	s0 =	sadd.s32 $0x8F2B, s0  }
0xbc: {  	[sflag:s0] =	ssyncadd.remote.s32 $0x1  }
0xbd: {  	_ =	sfence.sel $0xFFFF  }
0xbe: {  	[dreg:$0x0] =	wrdreg $0xFFFFFFFF;
	(pc) =	sbr.abs _section_cstart, $3  }
0xbf: {  	[dreg:$0x1] =	wrdreg $0xFFFFFFFF  }
0xc0: {  	_ =	task.clear_ibuf [dreg:s6], $0x2FFFF;
	_ =	strace $0x9FFFFFFF  }
0xc1: {  	(tm) =	ssettm $0x7FFFFFFF  }
tec
execute0_lowered:
.L_overlay_start_1:
0x0: {  	(tag) =	ssettag $0x1  }
0x1: {  	s1 =	srdreg.scid;
	s0 =	stileid.u32  }
0x2: {  	s4 =	rddreg [dreg:$0x0];
	s3 =	sand.u32 $0x1, s1;
	s30 =	sshll.u32 s0, $0x1  }
0x3: {  	s2 =	simm.s32 $0x0;
	s8 =	simm.s32 $0x0;
	s5 =	sor.u32 s3, s30  }
0x4: {  	s1 =	rddreg [dreg:$0x1];
	s3 =	ssub.s32 $0x2, s3;
	s6 =	smul.u32 $0xC80, s5  }
0x5: {  	[smem:$0x7FF] =	sst s2;
	s5 =	smul.u32 $0x1870, s5;
	s7 =	sshrl.u32 s3, $0x1  }
0x6: {  	_ =	strace $0x80000047;
	s31 =	ssub.s32 s3, s7;
	s7 =	simm.s32 $0x6400  }
0x7: {  	s6 =	sadd.s32 s6, s4;
	s4 =	sadd.s32 s5, s4;
	s5 =	smax.u32 s31, $0x1  }
0x8: {  	v0 =	vimm.f32 $0.0e+00;
	v1 =	vimm.f32 $1.000000000e+00;
	s3 =	sadd.s32 $0x2800, s6;
	s4 =	sadd.s32 $0x1B800, s4;
	s6 =	simm.s32 $0x1  }
.LBB2_1:
0x9: {  	[tilespmem:s2], [sflag:$0x1] =	stream.linear.gather [hbm4b:s3+s2], $0x6400, $0x38;
	[tilespmem:$0x12780] =	vst v63  }
0xa: {  	_ =	swait.ge [sflag:s6], $0x6400  }
0xb: {  	[sflag:s6] =	ssyncset.done $0x0  }
0xc: {  	s9 =	simm.s32 $0x0;
	[sflag:s6] =	ssyncadd.s32 $0xFFFF9C00  }
.LBB2_2:
0xd: {  	p0 =	sne.s32 s9, $0x30DC0  }
.Ltmp0:
0xe: {  	_ = 	snop;
	(pc) =	sbr.rel @p0 .LBB2_2-.Ltmp0, $3  }
0xf: {  	_ =	sdelay $0x1  }
0x10: {  	s10 =	sshra.s32 s9, $0x2  }
0x11: {  	s9 =	sadd.s32 $0x40, s9;
	[tilespmem:s10+$0x6400] =	vst v0  }
0x12: {  	s9 =	simm.s32 $0x1C0  }
.LBB2_4:
0x13: {  	s10 =	sshra.s32 s9, $0x2  }
0x14: {  	v2 =	vld [tilespmem:s10+$0xFFFFFF90];
	_ =	sdelay $0x7  }
0x15: {  	[tilespmem:v2+s7+$0x0] =	vst.idx.add.f32.msk $0xffff, v1  }
0x16: {  	v2 =	vld [tilespmem:s10+$0xFFFFFFA0];
	_ =	sdelay $0x7  }
0x17: {  	[tilespmem:v2+s7+$0x0] =	vst.idx.add.f32.msk $0xffff, v1  }
0x18: {  	v2 =	vld [tilespmem:s10+$0xFFFFFFB0];
	_ =	sdelay $0x7  }
0x19: {  	[tilespmem:v2+s7+$0x0] =	vst.idx.add.f32.msk $0xffff, v1  }
0x1a: {  	v2 =	vld [tilespmem:s10+$0xFFFFFFC0];
	_ =	sdelay $0x7  }
0x1b: {  	[tilespmem:v2+s7+$0x0] =	vst.idx.add.f32.msk $0xffff, v1  }
0x1c: {  	v2 =	vld [tilespmem:s10+$0xFFFFFFD0];
	_ =	sdelay $0x7  }
0x1d: {  	[tilespmem:v2+s7+$0x0] =	vst.idx.add.f32.msk $0xffff, v1  }
0x1e: {  	v2 =	vld [tilespmem:s10+$0xFFFFFFE0];
	_ =	sdelay $0x7  }
0x1f: {  	[tilespmem:v2+s7+$0x0] =	vst.idx.add.f32.msk $0xffff, v1  }
0x20: {  	v2 =	vld [tilespmem:s10+$0xFFFFFFF0];
	_ =	sdelay $0x7  }
0x21: {  	[tilespmem:v2+s7+$0x0] =	vst.idx.add.f32.msk $0xffff, v1  }
0x22: {  	v2 =	vld [tilespmem:s10+$0x0];
	_ =	sdelay $0x2  }
0x23: {  	p0 =	sne.s32 s9, $0x18FC0  }
.Ltmp1:
0x24: {  	_ = 	snop;
	(pc) =	sbr.rel @p0 .LBB2_4-.Ltmp1, $2  }
0x25: {  	_ =	sdelay $0x2  }
0x26: {  	s9 =	sadd.s32 $0x200, s9;
	[tilespmem:v2+s7+$0x0] =	vst.idx.add.f32.msk $0xffff, v1  }
0x27: {  	s8 =	sadd.s32 $0x1, s8  }
0x28: {  	p0 =	sne.s32 s8, s5  }
.Ltmp2:
0x29: {  	_ = 	snop;
	(pc) =	sbr.rel @p0 .LBB2_1-.Ltmp2, $4  }
0x2a: {  	[hbm4b:s4+s2] =	stream.linear.scatter [tilespmem:s7], [sflag:$0x1], $0xC380, $0x38;
	[tilespmem:$0x12780] =	vst v63  }
0x2b: {  	_ =	swait.ge [sflag:s6], $0xC380  }
0x2c: {  	[sflag:s6] =	ssyncset.done $0x0  }
0x2d: {  	[sflag:s6] =	ssyncadd.s32 $0xFFFF3C80  }
0x2e: {  	_ =	sfence.sel $0x180000  }
0x2f: {  	[bflag:$0x0] =	sbarrier.arrive $0xFFFF  }
0x30: {  	p0 =	sne.s32 s0, $0x0;
	_ =	strace $0x90000047  }
0x31: {  	s0 =	sadd.s32 @!p0 $0x100000, s1;
	[bflag:$0x2] =	sbarrier.arrive $0xFFFF  }
0x32: {  	[sflag:s0] =	ssyncadd.tile.s32 @!p0 $0x1;
	_ =	shalt  }
.Lfunc_end2:
_tile_overlayer_lowered:
.L_overlay_start_2:
0x33: {  	(tag) =	ssettag $0x2  }
0x34: {  	s0 =	rddreg [dreg:$0x0];
	s2 =	stileid.u32  }
0x35: {  	s1 =	rddreg [dreg:$0x1];
	p0 =	sne.s32 s2, $0x0  }
0x36: {  	s3 =	rddreg [dreg:$0x2];
	[bflag:$0x3] =	sbarrier.arrive $0xFFFF;
	s2 =	simm.s32 @!p0 $0x1C01  }
0x37: {  	[timem:s3], [sflag:s2] =	dma.local @!p0 [hbm:s0], s1  }
0x38: {  	s0 =	simm.s32 @!p0 $0x1  }
0x39: {  	_ =	swait.ge @!p0 [sflag:s0], s1  }
0x3a: {  	s1 =	ssub.s32 @!p0 $0x0, s1;
	[sflag:s0] =	ssyncset.done @!p0 $0x0  }
0x3b: {  	[sflag:s0] =	ssyncadd.s32 @!p0 s1  }
0x3c: {  	[bflag:$0x3] =	sbarrier.arrive $0xFFFF  }
0x3d: {  	_ =	shalt  }

// kernel: kernel.16.cloned.1.call-start
scs
__scs_entry_jumppad:
0x0: {  	(pc) =	sbr.rel $0x88, $3  }
0x1: {  	(tag) =	ssettag $0x0;
	lr =	simm.s32 $0x1  }
0x2: {  	[smem:$0x3F92] =	sst lr;
	_ =	strace $0xD0000000  }
0x3: {  	_ = 	snop  }
0x4: {  	_ = 	snop  }
0x5: {  	_ = 	snop  }
0x6: {  	_ = 	snop  }
0x7: {  	_ = 	snop  }
__scs_overlays_trampoline_lowered:
0x8: {  	[smem:$0x3FA1] =	sst s0  }
0x9: {  	[smem:$0x3FA2] =	sst s1  }
0xa: {  	[smem:$0x3FA3] =	sst s2  }
0xb: {  	[smem:$0x3FA4] =	sst s3  }
0xc: {  	[smem:$0x3FA5] =	sst s4  }
0xd: {  	[smem:$0x3FA6] =	sst s5  }
0xe: {  	[smem:$0x3FA7] =	sst s6  }
0xf: {  	[smem:$0x3FA8] =	sst s7  }
0x10: {  	[smem:$0x3FA9] =	sst s8  }
0x11: {  	[smem:$0x3FAA] =	sst s9;
	s0 =	simm.s32 @!p0 $0x0  }
0x12: {  	s1 =	sld [smem:$0x3F90];
	s0 =	simm.s32 @p0 $0x1  }
0x13: {  	[smem:$0x3FAB] =	sst s0;
	s0 =	simm.s32 @!p1 $0x0  }
0x14: {  	s2 =	sld [smem:$0x3F8F];
	s0 =	simm.s32 @p1 $0x1  }
0x15: {  	[smem:$0x3FAC] =	sst s0;
	s0 =	simm.s32 @!p2 $0x0  }
0x16: {  	s3 =	sld [smem:$0x3FDB];
	s0 =	simm.s32 @p2 $0x1  }
0x17: {  	s4 =	simm.s32 $0x1BF5;
	[smem:$0x3FAE] =	sst s0  }
0x18: {  	s0 =	sld [smem:$0x3F91];
	_ =	swait.ge [sflag:s4], $0x0  }
0x19: {  	s7 =	sld [smem:$0x3F92]  }
0x1a: {  	s8 =	sadd.s32 $0xFFFFE003, lr  }
0x1b: {  	s9 =	sadd.s32 $0xFFFFFEF7, lr;
	s5 =	simm.s32 $0xFFFFFFFF;
	p2 =	slt.u32 s8, $0xFFFFF086  }
0x1c: {  	p1 =	slt.u32 s9, $0xF7A;
	s5 =	simm.s32 @!p2 $0x0  }
0x1d: {  	s5 =	simm.s32 @p1 $0x1;
	p0 =	seq.s32 s7, s2  }
0x1e: {  	s7 =	smul.u32 @!p0 $0xF7A, s2;
	p2 =	seq.s32 @!p0 s5, $0x0  }
0x1f: {  	s9 =	smul.u32 $0xF7A, s1;
	s8 =	simm.s32 @!p0 $0x1BF5;
	p2 =	por !p2, p0  }
0x20: {  	[sflag:s8] =	ssyncset.s32 @!p0 $0xFFFFF086;
	s6 =	sadd.s32 @!p0 s3, s7;
	s7 =	simm.s32 @!p0 $0x108  }
0x21: {  	s3 =	sadd.s32 s3, s9;
	s6 =	sadd.s32 @!p0 $0x88, s6;
	s7 =	simm.s32 @p2 $0x1082  }
0x22: {  	[simem:s7], [sflag:s8] =	dma.local @!p0 [hbm:s6], $0xF7A  }
0x23: {  	s9 =	sor.u32 $0xD0000000, s2;
	s6 =	simm.s32 $0x108;
	_ =	swait.ge @!p0 [sflag:s8], $0x0  }
0x24: {  	s3 =	sadd.s32 $0x88, s3;
	s6 =	simm.s32 @!p1 $0x1082;
	[sflag:s4] =	ssyncset.s32 $0xFFFFF086  }
0x25: {  	[simem:s6], [sflag:s4] =	dma.local [hbm:s3], $0xF7A  }
0x26: {  	[smem:$0x3F92] =	sst s1;
	(tag) =	ssettag s2;
	_ =	strace s9  }
0x27: {  	s1 =	sld [smem:$0x3FA2]  }
0x28: {  	s2 =	sld [smem:$0x3FA3]  }
0x29: {  	s4 =	sld [smem:$0x3FA5]  }
0x2a: {  	p0 =	seq.s32 s5, $0x0;
	s5 =	sld [smem:$0x3FA6]  }
0x2b: {  	s6 =	sld [smem:$0x3FA7]  }
0x2c: {  	s7 =	sld [smem:$0x3FA8]  }
0x2d: {  	s3 =	simm.s32 $0x108;
	s8 =	sld [smem:$0x3FA9]  }
0x2e: {  	s3 =	simm.s32 @!p0 $0x1082;
	s9 =	sld [smem:$0x3FAA]  }
0x2f: {  	lr =	sadd.s32 s0, s3;
	s0 =	sld [smem:$0x3FA1]  }
0x30: {  	s3 =	sld [smem:$0x3FA4]  }
0x31: {  	[smem:$0x3FAD] =	sst s10  }
0x32: {  	s10 =	sld [smem:$0x3FAB];
	_ =	sdelay $0x3  }
0x33: {  	p0 =	seq.s32 s10, $0x1;
	s10 =	sld [smem:$0x3FAD];
	_ =	sdelay $0x3  }
0x34: {  	[smem:$0x3FAD] =	sst s10  }
0x35: {  	s10 =	sld [smem:$0x3FAC];
	_ =	sdelay $0x3  }
0x36: {  	p1 =	seq.s32 s10, $0x1;
	s10 =	sld [smem:$0x3FAD];
	_ =	sdelay $0x3  }
0x37: {  	[smem:$0x3FAD] =	sst s10  }
0x38: {  	s10 =	sld [smem:$0x3FAE]  }
0x39: {  	_ = 	snop;
	(pc) =	sbr.ind lr, $3  }
0x3a: {  	_ = 	snop  }
0x3b: {  	_ = 	snop  }
0x3c: {  	p2 =	seq.s32 s10, $0x1;
	s10 =	sld [smem:$0x3FAD]  }
0x3d: {  	_ =	shalt  }
0x3e: {  	_ =	shalt  }
0x3f: {  	_ =	shalt  }
0x40: {  	_ =	shalt  }
0x41: {  	_ =	shalt  }
0x42: {  	_ =	shalt  }
0x43: {  	_ =	shalt  }
0x44: {  	_ =	shalt  }
0x45: {  	_ =	shalt  }
0x46: {  	_ =	shalt  }
0x47: {  	_ =	shalt  }
0x48: {  	_ =	shalt  }
0x49: {  	_ =	shalt  }
0x4a: {  	_ =	shalt  }
0x4b: {  	_ =	shalt  }
0x4c: {  	_ =	shalt  }
0x4d: {  	_ =	shalt  }
0x4e: {  	_ =	shalt  }
0x4f: {  	_ =	shalt  }
0x50: {  	_ =	shalt  }
0x51: {  	_ =	shalt  }
0x52: {  	_ =	shalt  }
0x53: {  	_ =	shalt  }
0x54: {  	_ =	shalt  }
0x55: {  	_ =	shalt  }
0x56: {  	_ =	shalt  }
0x57: {  	_ =	shalt  }
0x58: {  	_ =	shalt  }
0x59: {  	_ =	shalt  }
0x5a: {  	_ =	shalt  }
0x5b: {  	_ =	shalt  }
0x5c: {  	_ =	shalt  }
0x5d: {  	_ =	shalt  }
0x5e: {  	_ =	shalt  }
0x5f: {  	_ =	shalt  }
0x60: {  	_ =	shalt  }
0x61: {  	_ =	shalt  }
0x62: {  	_ =	shalt  }
0x63: {  	_ =	shalt  }
0x64: {  	_ =	shalt  }
0x65: {  	_ =	shalt  }
0x66: {  	_ =	shalt  }
0x67: {  	_ =	shalt  }
0x68: {  	_ =	shalt  }
0x69: {  	_ =	shalt  }
0x6a: {  	_ =	shalt  }
0x6b: {  	_ =	shalt  }
0x6c: {  	_ =	shalt  }
0x6d: {  	_ =	shalt  }
0x6e: {  	_ =	shalt  }
0x6f: {  	_ =	shalt  }
0x70: {  	_ =	shalt  }
0x71: {  	_ =	shalt  }
0x72: {  	_ =	shalt  }
0x73: {  	_ =	shalt  }
0x74: {  	_ =	shalt  }
0x75: {  	_ =	shalt  }
0x76: {  	_ =	shalt  }
0x77: {  	_ =	shalt  }
0x78: {  	_ =	shalt  }
0x79: {  	_ =	shalt  }
0x7a: {  	_ =	shalt  }
0x7b: {  	_ =	shalt  }
0x7c: {  	_ =	shalt  }
0x7d: {  	_ =	shalt  }
0x7e: {  	_ =	shalt  }
0x7f: {  	_ =	shalt  }
0x80: {  	_ =	shalt  }
0x81: {  	_ =	shalt  }
0x82: {  	_ =	shalt  }
0x83: {  	_ =	shalt  }
0x84: {  	_ =	shalt  }
0x85: {  	_ =	shalt  }
0x86: {  	_ =	shalt  }
0x87: {  	_ =	shalt  }
.Lfunc_end0:
.L_simem_size_0:
called_computation.1_lowered:
.L_overlay_start_0:
0x88: {  	s2 =	sld [smem:$0x3FD9]  }
0x89: {  	s3 =	sld [smem:$0x3FFE];
	_ =	sdelay $0x1  }
0x8a: {  	s1 =	srdreg.scid  }
0x8b: {  	s0 =	sand.u32 $0x1, s1  }
0x8c: {  	s16 =	sshll.u32 s0, $0xA;
	s2 =	sadd.s32 s3, s2  }
0x8d: {  	s2 =	sadd.s32 s2, s16  }
0x8e: {  	[smem:$0x3FB9] =	sst s2  }
0x8f: {  	_ = 	snop  }
0x90: {  	(tm) =	ssettm $0x1  }
0x91: {  	s17 =	sld [smem:$0x3FFB];
	_ =	sdelay $0x3  }
0x92: {  	_ =	strace s17  }
0x93: {  	s2 =	sld [smem:$0x3FFC];
	_ =	sdelay $0x3  }
0x94: {  	_ =	strace s2  }
0x95: {  	s2 =	sld [smem:$0x3FFD];
	_ =	sdelay $0x3  }
0x96: {  	_ =	strace s2  }
0x97: {  	_ =	strace $0x8FFFFFFF  }
0x98: {  	s18 =	sld [smem:$0x3FDB];
	_ =	sdelay $0x1  }
0x99: {  	s19 =	simm.s32 $_scs_section_size  }
0x9a: {  	s4 =	simm.s32 $_size__tile_overlayer_lowered;
	s5 =	simm.s32 $_tile_overlayer_lowered  }
0x9b: {  	s22 =	simm.s32 $0x1BFF;
	s21 =	sshll.u32 s5, $0x1;
	s2 =	sadd.s32 s19, s18  }
0x9c: {  	s6 =	simm.s32 $0x0;
	s20 =	sshll.u32 s4, $0x1;
	s4 =	sadd.s32 s21, s2  }
0x9d: {  	[timem:s6], [sflag:s22] =	dma.local [hbm:s4], s20  }
0x9e: {  	_ =	swait.ge [sflag:s22], s20  }
0x9f: {  	s3 =	ssub.s32 $0x0, s20;
	[sflag:s22] =	ssyncset.done $0x0  }
0xa0: {  	[sflag:s22] =	ssyncadd.s32 s3;
	_ =	sdelay $0x1  }
0xa1: {  	s23 =	simm.s32 $0x1B8B  }
0xa2: {  	_ =	swait.ge [sflag:s23], $0x1  }
0xa3: {  	[sflag:s23] =	ssyncset.done $0x0  }
0xa4: {  	s25 =	simm.s32 $0x1B8E;
	s24 =	sld [smem:$0x3FFE];
	[sflag:s23] =	ssyncadd.s32 $0xFFFFFFFF  }
0xa5: {  	s26 =	simm.s32 $execute0_lowered;
	[smem:$0x3FD2] =	sst s25  }
0xa6: {  	s4 =	sshll.u32 s26, $0x1;
	_ =	strace $0x80000049;
	[dreg:$0x1] =	wrdreg $0xFFFFFFFF  }
0xa7: {  	s28 =	simm.s32 $_size_execute0_lowered;
	s2 =	sadd.s32 s2, s4;
	[dreg:$0x0] =	wrdreg $0x0  }
0xa8: {  	s4 =	sshll.u32 s28, $0x1;
	[dreg:$0x2] =	wrdreg s2  }
0xa9: {  	[dreg:$0x3] =	wrdreg s4  }
0xaa: {  	[dreg:$0x4] =	wrdreg $0xC0  }
0xab: {  	_ =	task [dreg:s6], $0x5FFFF  }
0xac: {  	[dreg:$0x1] =	wrdreg $0xFFFFFFFF  }
0xad: {  	[dreg:$0x0] =	wrdreg $0x60  }
0xae: {  	[dreg:$0x2] =	wrdreg s24  }
0xaf: {  	[dreg:$0x3] =	wrdreg $0x48000  }
0xb0: {  	[dreg:$0x4] =	wrdreg $0x9  }
0xb1: {  	_ =	task.clear_ibuf [dreg:s6], $0x5FFFF;
	_ =	strace $0x90000049  }
0xb2: {  	s29 =	simm.s32 $0x9;
	_ =	strace $0x8000004B  }
0xb3: {  	_ =	swait.ge [sflag:s29], $0x1  }
0xb4: {  	[sflag:s29] =	ssyncadd.s32 $0xFFFFFFFF  }
0xb5: {  	_ =	strace $0x9000004B  }
0xb6: {  	_ =	sfence  }
0xb7: {  	s30 =	sld [smem:$0x0];
	_ =	sdelay $0x2  }
0xb8: {  	s31 =	sshll.u32 s1, $0xD;
	s1 =	sshrl.u32 s1, $0x2  }
0xb9: {  	s3 =	sand.u32 $0x4000, s31;
	s1 =	sadd.s32 s1, s30  }
0xba: {  	s0 =	sor.u32 s3, s0;
	s1 =	sshll.u32 s1, $0x11  }
0xbb: {  	s0 =	sor.u32 s1, s0  }
0xbc: {  	s0 =	sadd.s32 $0x8F2B, s0  }
0xbd: {  	[sflag:s0] =	ssyncadd.remote.s32 $0x1  }
0xbe: {  	_ =	sfence.sel $0xFFFF  }
0xbf: {  	[dreg:$0x0] =	wrdreg $0xFFFFFFFF;
	(pc) =	sbr.abs _section_cstart, $3  }
0xc0: {  	[dreg:$0x1] =	wrdreg $0xFFFFFFFF  }
0xc1: {  	_ =	task.clear_ibuf [dreg:s6], $0x2FFFF;
	_ =	strace $0x9FFFFFFF  }
0xc2: {  	(tm) =	ssettm $0x7FFFFFFF  }
0xc3: {  	_ =	shalt  }
tec
execute0_lowered:
.L_overlay_start_1:
0x0: {  	(tag) =	ssettag $0x1  }
0x1: {  	s6 =	rddreg [dreg:$0x0]  }
0x2: {  	s1 =	rddreg [dreg:$0x1]  }
0x3: {  	s3 =	srdreg.scid;
	s2 =	simm.s32 $0x0;
	s16 =	simm.s32 $0x3  }
0x4: {  	s17 =	simm.s32 $0x1400;
	s18 =	simm.s32 $0x80;
	s19 =	simm.s32 $0x2800  }
0x5: {  	s20 =	simm.s32 $0x3800;
	s21 =	simm.s32 $0x1;
	s22 =	simm.s32 $0x2  }
0x6: {  	s23 =	simm.s32 $0x1380;
	s24 =	simm.s32 $0x2700;
	s25 =	simm.s32 $0x2780  }
0x7: {  	s7 =	sand.u32 $0x1, s3;
	[smem:$0x7FF] =	sst s2;
	s4 =	sadd.s32 $0x10FC00, s6  }
0x8: {  	s5 =	sadd.s32 $0x2800, s6;
	s10 =	sadd.s32 $0x7D400, s6;
	s3 =	smul.u32 $0x30D40, s7  }
0x9: {  	s14 =	sadd.s32 $0x16E900, s1;
	s8 =	ssub.s32 $0x2, s7;
	s7 =	smul.u32 $0x186A00, s7  }
0xa: {  	s29 =	sshrl.u32 s8, $0x1;
	s12 =	sadd.s32 s3, s6;
	s3 =	stileid.u32  }
0xb: {  	_ =	strace $0x8000004A;
	s11 =	ssub.s32 s8, s29;
	s9 =	smul.u32 $0x18700, s3  }
0xc: {  	s6 =	sadd.s32 $0x1B800, s12;
	p0 =	seq.s32 s3, $0xF;
	s12 =	sadd.s32 $0x49520, s12  }
0xd: {  	s15 =	sadd.s32 s9, s1;
	s30 =	sadd.s32 s9, s7;
	s7 =	sshrl.u32 s7, $0x3  }
0xe: {  	s13 =	sshrl.u32 s9, $0x3;
	s8 =	sshrl.u32 s30, $0x3;
	s31 =	sadd.s32 s10, s7  }
0xf: {  	s7 =	smul.u32 $0x190, s3;
	s8 =	sadd.s32 s10, s8;
	s10 =	smax.u32 s11, $0x1  }
0x10: {  	s11 =	sadd.s32 s13, s6;
	s13 =	sshrl.u32 @p0 s14, $0x3;
	s14 =	sshll.u32 @!p0 s3, $0x6  }
0x11: {  	s15 =	sshrl.u32 @!p0 s15, $0x3;
	s9 =	sadd.s32 $0x2DD20, s31;
	s14 =	sor.u32 @!p0 $0x1C03, s14  }
.LBB2_1:
0x12: {  	s26 =	simm.s32 @p0 $0x1FC3  }
0x13: {  	[spmem:s13], [sflag:s26] =	dma.local @p0 [hbm:s12], $0x3020  }
0x14: {  	s26 =	simm.s32 @p0 $0x3  }
0x15: {  	_ =	swait.ge @p0 [sflag:s26], $0x3020  }
0x16: {  	[sflag:s26] =	ssyncset.done @p0 $0x0  }
0x17: {  	[sflag:s26] =	ssyncadd.s32 @p0 $0xFFFFCFE0;
	s26 =	simm.s32 @!p0 $0x3  }
0x18: {  	[spmem:s15], [sflag:s14] =	dma.local @!p0 [hbm:s11], $0x30E0  }
0x19: {  	_ =	swait.ge @!p0 [sflag:s26], $0x30E0  }
0x1a: {  	[sflag:s26] =	ssyncset.done @!p0 $0x0  }
0x1b: {  	[sflag:s26] =	ssyncadd.s32 @!p0 $0xFFFFCF20  }
0x1c: {  	s26 =	simm.s32 $0x0;
	[bflag:$0x0] =	sbarrier.arrive $0xFFFF  }
.LBB2_2:
0x1d: {  	s28 =	smul.u32 $0x28, s26;
	_ =	sdelay $0x1  }
0x1e: {  	s28 =	sadd.s32 s7, s28  }
0x1f: {  	s28 =	sshll.u32 s28, $0x4  }
0x20: {  	s30 =	simm.s32 $0x0;
	s29 =	sadd.s32 s4, s28  }
0x21: {  	[tilespmem:s30], [sflag:$0x3] =	stream.linear.gather [hbm4b:s29+s30], $0x1400, $0x38;
	[tilespmem:$0x1CF00] =	vst v63  }
0x22: {  	_ =	swait.ge [sflag:s16], $0x1400  }
0x23: {  	[sflag:s16] =	ssyncset.done $0x0  }
0x24: {  	s28 =	sadd.s32 s5, s28;
	[sflag:s16] =	ssyncadd.s32 $0xFFFFEC00  }
0x25: {  	[tilespmem:s17], [sflag:$0x3] =	stream.linear.gather [hbm4b:s28+s30], $0x1400, $0x38;
	[tilespmem:$0x1CF00] =	vst v63  }
0x26: {  	_ =	swait.ge [sflag:s16], $0x1400  }
0x27: {  	[sflag:s16] =	ssyncset.done $0x0  }
0x28: {  	[sflag:s16] =	ssyncadd.s32 $0xFFFFEC00  }
0x29: {  	[tilespmem:s19], [sflag:$0x1] =	stream.indirect.gather [hbm4b:s6+s18], $0x20, s30, s18, $0xb8;
	[tilespmem:$0x1CF00] =	vst v63  }
0x2a: {  	s28 =	simm.s32 $0x80  }
0x2b: {  	[tilespmem:s20], [sflag:$0x2] =	stream.indirect.gather [hbm4b:s6+s18], $0x20, s28, s18, $0xb8;
	[tilespmem:$0x1CF00] =	vst v63  }
0x2c: {  	_ =	swait.ge [sflag:s21], $0x1000  }
0x2d: {  	[sflag:s21] =	ssyncset.done $0x0  }
0x2e: {  	s28 =	simm.s32 $0x1400;
	[sflag:s21] =	ssyncadd.s32 $0xFFFFF000  }
0x2f: {  	[spmem:s1] =	stream.indirect.scatter.add.f32 [tilespmem:s19], [sflag:$0x3], $0x20, s28, s18, $0xb8;
	[tilespmem:$0x1CF00] =	vst v63  }
0x30: {  	_ =	swait.ge [sflag:s16], $0x1000  }
0x31: {  	[sflag:s16] =	ssyncset.done $0x0  }
0x32: {  	s28 =	simm.s32 $0x100;
	[sflag:s16] =	ssyncadd.s32 $0xFFFFF000  }
0x33: {  	[tilespmem:s19], [sflag:$0x1] =	stream.indirect.gather [hbm4b:s6+s18], $0x20, s28, s18, $0xb8;
	[tilespmem:$0x1CF00] =	vst v63  }
0x34: {  	_ =	swait.ge [sflag:s22], $0x1000  }
0x35: {  	[sflag:s22] =	ssyncset.done $0x0  }
0x36: {  	s28 =	simm.s32 $0x1480;
	[sflag:s22] =	ssyncadd.s32 $0xFFFFF000  }
0x37: {  	[spmem:s1] =	stream.indirect.scatter.add.f32 [tilespmem:s20], [sflag:$0x3], $0x20, s28, s18, $0xb8;
	[tilespmem:$0x1CF00] =	vst v63  }
0x38: {  	_ =	swait.ge [sflag:s16], $0x1000  }
0x39: {  	s29 =	simm.s32 $0x800;
	s28 =	simm.s32 $0x100;
	[sflag:s16] =	ssyncset.done $0x0  }
.LBB2_3:
0x3a: {  	s30 =	sadd.s32 $0x80, s28  }
0x3b: {  	[sflag:s16] =	ssyncadd.s32 $0xFFFFF000;
	s31 =	smov.u32 s29;
	s0 =	sadd.s32 $0x400, s29  }
0x3c: {  	[tilespmem:s20], [sflag:$0x2] =	stream.indirect.gather [hbm4b:s6+s18], $0x20, s30, s18, $0xb8;
	[tilespmem:$0x1CF00] =	vst v63  }
0x3d: {  	p1 =	sne.s32 s29, $0x4800;
	_ =	swait.ge [sflag:s21], $0x1000  }
0x3e: {  	[sflag:s21] =	ssyncset.done $0x0  }
0x3f: {  	s29 =	sadd.s32 $0x1400, s28;
	[sflag:s21] =	ssyncadd.s32 $0xFFFFF000  }
0x40: {  	[spmem:s1] =	stream.indirect.scatter.add.f32 [tilespmem:s19], [sflag:$0x3], $0x20, s29, s18, $0xb8;
	[tilespmem:$0x1CF00] =	vst v63  }
0x41: {  	_ =	swait.ge [sflag:s16], $0x1000  }
0x42: {  	[sflag:s16] =	ssyncset.done $0x0  }
0x43: {  	s29 =	sadd.s32 $0x100, s28;
	[sflag:s16] =	ssyncadd.s32 $0xFFFFF000  }
0x44: {  	[tilespmem:s19], [sflag:$0x1] =	stream.indirect.gather [hbm4b:s6+s18], $0x20, s29, s18, $0xb8;
	[tilespmem:$0x1CF00] =	vst v63  }
0x45: {  	_ =	swait.ge [sflag:s22], $0x1000  }
.Ltmp0:
0x46: {  	[sflag:s22] =	ssyncset.done $0x0;
	(pc) =	sbr.rel @p1 .LBB2_3-.Ltmp0, $4  }
0x47: {  	s28 =	sadd.s32 $0x1480, s28;
	[sflag:s22] =	ssyncadd.s32 $0xFFFFF000  }
0x48: {  	[spmem:s1] =	stream.indirect.scatter.add.f32 [tilespmem:s20], [sflag:$0x3], $0x20, s28, s18, $0xb8;
	[tilespmem:$0x1CF00] =	vst v63  }
0x49: {  	_ =	swait.ge [sflag:s16], $0x1000  }
0x4a: {  	s29 =	smov.u32 s0;
	s28 =	sshra.s32 s31, $0x2;
	[sflag:s16] =	ssyncset.done $0x0  }
0x4b: {  	s0 =	sadd.s32 $0x80, s28;
	[sflag:s16] =	ssyncadd.s32 $0xFFFFF000  }
0x4c: {  	[tilespmem:s20], [sflag:$0x2] =	stream.indirect.gather [hbm4b:s6+s18], $0x20, s0, s18, $0xb8;
	[tilespmem:$0x1CF00] =	vst v63  }
0x4d: {  	_ =	swait.ge [sflag:s21], $0x1000  }
0x4e: {  	[sflag:s21] =	ssyncset.done $0x0  }
0x4f: {  	s29 =	sadd.s32 $0x1400, s28;
	[sflag:s21] =	ssyncadd.s32 $0xFFFFF000  }
0x50: {  	[spmem:s1] =	stream.indirect.scatter.add.f32 [tilespmem:s19], [sflag:$0x3], $0x20, s29, s18, $0xb8;
	[tilespmem:$0x1CF00] =	vst v63  }
0x51: {  	_ =	swait.ge [sflag:s16], $0x1000  }
0x52: {  	[sflag:s16] =	ssyncset.done $0x0  }
0x53: {  	s30 =	sadd.s32 $0x100, s28;
	[sflag:s16] =	ssyncadd.s32 $0xFFFFF000  }
0x54: {  	[tilespmem:s19], [sflag:$0x1] =	stream.indirect.gather [hbm4b:s6+s18], $0x20, s30, s18, $0xb8;
	[tilespmem:$0x1CF00] =	vst v63  }
0x55: {  	_ =	swait.ge [sflag:s22], $0x1000  }
0x56: {  	[sflag:s22] =	ssyncset.done $0x0  }
0x57: {  	s31 =	sadd.s32 $0x1480, s28;
	[sflag:s22] =	ssyncadd.s32 $0xFFFFF000  }
0x58: {  	[spmem:s1] =	stream.indirect.scatter.add.f32 [tilespmem:s20], [sflag:$0x3], $0x20, s31, s18, $0xb8;
	[tilespmem:$0x1CF00] =	vst v63  }
0x59: {  	_ =	swait.ge [sflag:s16], $0x1000  }
0x5a: {  	[sflag:s16] =	ssyncset.done $0x0  }
0x5b: {  	[sflag:s16] =	ssyncadd.s32 $0xFFFFF000  }
0x5c: {  	[tilespmem:s20], [sflag:$0x2] =	stream.indirect.gather [hbm4b:s6+s18], $0x20, s23, s18, $0xb8;
	[tilespmem:$0x1CF00] =	vst v63  }
0x5d: {  	_ =	swait.ge [sflag:s21], $0x1000  }
0x5e: {  	[sflag:s21] =	ssyncset.done $0x0  }
0x5f: {  	[sflag:s21] =	ssyncadd.s32 $0xFFFFF000  }
0x60: {  	[spmem:s1] =	stream.indirect.scatter.add.f32 [tilespmem:s19], [sflag:$0x3], $0x20, s24, s18, $0xb8;
	[tilespmem:$0x1CF00] =	vst v63  }
0x61: {  	_ =	swait.ge [sflag:s16], $0x1000  }
0x62: {  	[sflag:s16] =	ssyncset.done $0x0  }
0x63: {  	[sflag:s16] =	ssyncadd.s32 $0xFFFFF000  }
0x64: {  	s26 =	sadd.s32 $0x1, s26;
	_ =	swait.ge [sflag:s22], $0x1000  }
0x65: {  	p1 =	sne.s32 s26, $0xA;
	[sflag:s22] =	ssyncset.done $0x0  }
.Ltmp1:
0x66: {  	[sflag:s22] =	ssyncadd.s32 $0xFFFFF000;
	(pc) =	sbr.rel @p1 .LBB2_2-.Ltmp1, $4  }
0x67: {  	[spmem:s1] =	stream.indirect.scatter.add.f32 [tilespmem:s20], [sflag:$0x3], $0x20, s25, s18, $0xb8;
	[tilespmem:$0x1CF00] =	vst v63  }
0x68: {  	_ =	swait.ge [sflag:s16], $0x1000  }
0x69: {  	[sflag:s16] =	ssyncset.done $0x0  }
0x6a: {  	[sflag:s16] =	ssyncadd.s32 $0xFFFFF000  }
0x6b: {  	[bflag:$0x0] =	sbarrier.arrive $0xFFFF;
	s0 =	simm.s32 @p0 $0x1FC3  }
0x6c: {  	[hbm:s9], [sflag:s0] =	dma.local @p0 [spmem:s13], $0x3020  }
0x6d: {  	s0 =	simm.s32 @p0 $0x3  }
0x6e: {  	s2 =	sadd.s32 $0x1, s2;
	_ =	swait.ge @p0 [sflag:s0], $0x3020  }
0x6f: {  	p1 =	sne.s32 s2, s10;
	[sflag:s0] =	ssyncset.done @p0 $0x0  }
.Ltmp2:
0x70: {  	[sflag:s0] =	ssyncadd.s32 @p0 $0xFFFFCFE0;
	s0 =	simm.s32 @!p0 $0x3;
	(pc) =	sbr.rel @p1 .LBB2_1-.Ltmp2, $4  }
0x71: {  	[hbm:s8], [sflag:s14] =	dma.local @!p0 [spmem:s15], $0x30E0  }
0x72: {  	_ =	swait.ge @!p0 [sflag:s0], $0x30E0  }
0x73: {  	[sflag:s0] =	ssyncset.done @!p0 $0x0  }
0x74: {  	[sflag:s0] =	ssyncadd.s32 @!p0 $0xFFFFCF20  }
0x75: {  	_ =	sfence.sel $0x180000  }
0x76: {  	[bflag:$0x0] =	sbarrier.arrive $0xFFFF  }
0x77: {  	_ =	strace $0x9000004A  }
0x78: {  	[bflag:$0x2] =	sbarrier.arrive $0xFFFF  }
0x79: {  	p0 =	sne.s32 s3, $0x0;
	s0 =	rddreg [dreg:$0x2]  }
0x7a: {  	s0 =	sadd.s32 @!p0 $0x100000, s0  }
0x7b: {  	[sflag:s0] =	ssyncadd.tile.s32 @!p0 $0x1;
	_ =	shalt  }
.Lfunc_end2:
_tile_overlayer_lowered:
.L_overlay_start_2:
0x7c: {  	(tag) =	ssettag $0x2  }
0x7d: {  	s0 =	rddreg [dreg:$0x0];
	s2 =	stileid.u32  }
0x7e: {  	s1 =	rddreg [dreg:$0x1];
	p0 =	sne.s32 s2, $0x0  }
0x7f: {  	s3 =	rddreg [dreg:$0x2];
	[bflag:$0x3] =	sbarrier.arrive $0xFFFF;
	s2 =	simm.s32 @!p0 $0x1C03  }
0x80: {  	[timem:s3], [sflag:s2] =	dma.local @!p0 [hbm:s0], s1  }
0x81: {  	s0 =	simm.s32 @!p0 $0x3  }
0x82: {  	_ =	swait.ge @!p0 [sflag:s0], s1  }
0x83: {  	s1 =	ssub.s32 @!p0 $0x0, s1;
	[sflag:s0] =	ssyncset.done @!p0 $0x0  }
0x84: {  	[sflag:s0] =	ssyncadd.s32 @!p0 s1  }
0x85: {  	[bflag:$0x3] =	sbarrier.arrive $0xFFFF  }
0x86: {  	_ =	shalt  }

// kernel: kernel.19.cloned.1.call-start
scs
__scs_entry_jumppad:
0x0: {  	(pc) =	sbr.rel $0x88, $3  }
0x1: {  	(tag) =	ssettag $0x0;
	lr =	simm.s32 $0x1  }
0x2: {  	[smem:$0x3F92] =	sst lr;
	_ =	strace $0xD0000000  }
0x3: {  	_ = 	snop  }
0x4: {  	_ = 	snop  }
0x5: {  	_ = 	snop  }
0x6: {  	_ = 	snop  }
0x7: {  	_ = 	snop  }
__scs_overlays_trampoline_lowered:
0x8: {  	[smem:$0x3FA1] =	sst s0  }
0x9: {  	[smem:$0x3FA2] =	sst s1  }
0xa: {  	[smem:$0x3FA3] =	sst s2  }
0xb: {  	[smem:$0x3FA4] =	sst s3  }
0xc: {  	[smem:$0x3FA5] =	sst s4  }
0xd: {  	[smem:$0x3FA6] =	sst s5  }
0xe: {  	[smem:$0x3FA7] =	sst s6  }
0xf: {  	[smem:$0x3FA8] =	sst s7  }
0x10: {  	[smem:$0x3FA9] =	sst s8  }
0x11: {  	[smem:$0x3FAA] =	sst s9;
	s0 =	simm.s32 @!p0 $0x0  }
0x12: {  	s1 =	sld [smem:$0x3F90];
	s0 =	simm.s32 @p0 $0x1  }
0x13: {  	[smem:$0x3FAB] =	sst s0;
	s0 =	simm.s32 @!p1 $0x0  }
0x14: {  	s2 =	sld [smem:$0x3F8F];
	s0 =	simm.s32 @p1 $0x1  }
0x15: {  	[smem:$0x3FAC] =	sst s0;
	s0 =	simm.s32 @!p2 $0x0  }
0x16: {  	s3 =	sld [smem:$0x3FDB];
	s0 =	simm.s32 @p2 $0x1  }
0x17: {  	s4 =	simm.s32 $0x1BF5;
	[smem:$0x3FAE] =	sst s0  }
0x18: {  	s0 =	sld [smem:$0x3F91];
	_ =	swait.ge [sflag:s4], $0x0  }
0x19: {  	s7 =	sld [smem:$0x3F92]  }
0x1a: {  	s8 =	sadd.s32 $0xFFFFE003, lr  }
0x1b: {  	s9 =	sadd.s32 $0xFFFFFEF7, lr;
	s5 =	simm.s32 $0xFFFFFFFF;
	p2 =	slt.u32 s8, $0xFFFFF086  }
0x1c: {  	p1 =	slt.u32 s9, $0xF7A;
	s5 =	simm.s32 @!p2 $0x0  }
0x1d: {  	s5 =	simm.s32 @p1 $0x1;
	p0 =	seq.s32 s7, s2  }
0x1e: {  	s7 =	smul.u32 @!p0 $0xF7A, s2;
	p2 =	seq.s32 @!p0 s5, $0x0  }
0x1f: {  	s9 =	smul.u32 $0xF7A, s1;
	s8 =	simm.s32 @!p0 $0x1BF5;
	p2 =	por !p2, p0  }
0x20: {  	[sflag:s8] =	ssyncset.s32 @!p0 $0xFFFFF086;
	s6 =	sadd.s32 @!p0 s3, s7;
	s7 =	simm.s32 @!p0 $0x108  }
0x21: {  	s3 =	sadd.s32 s3, s9;
	s6 =	sadd.s32 @!p0 $0x88, s6;
	s7 =	simm.s32 @p2 $0x1082  }
0x22: {  	[simem:s7], [sflag:s8] =	dma.local @!p0 [hbm:s6], $0xF7A  }
0x23: {  	s9 =	sor.u32 $0xD0000000, s2;
	s6 =	simm.s32 $0x108;
	_ =	swait.ge @!p0 [sflag:s8], $0x0  }
0x24: {  	s3 =	sadd.s32 $0x88, s3;
	s6 =	simm.s32 @!p1 $0x1082;
	[sflag:s4] =	ssyncset.s32 $0xFFFFF086  }
0x25: {  	[simem:s6], [sflag:s4] =	dma.local [hbm:s3], $0xF7A  }
0x26: {  	[smem:$0x3F92] =	sst s1;
	(tag) =	ssettag s2;
	_ =	strace s9  }
0x27: {  	s1 =	sld [smem:$0x3FA2]  }
0x28: {  	s2 =	sld [smem:$0x3FA3]  }
0x29: {  	s4 =	sld [smem:$0x3FA5]  }
0x2a: {  	p0 =	seq.s32 s5, $0x0;
	s5 =	sld [smem:$0x3FA6]  }
0x2b: {  	s6 =	sld [smem:$0x3FA7]  }
0x2c: {  	s7 =	sld [smem:$0x3FA8]  }
0x2d: {  	s3 =	simm.s32 $0x108;
	s8 =	sld [smem:$0x3FA9]  }
0x2e: {  	s3 =	simm.s32 @!p0 $0x1082;
	s9 =	sld [smem:$0x3FAA]  }
0x2f: {  	lr =	sadd.s32 s0, s3;
	s0 =	sld [smem:$0x3FA1]  }
0x30: {  	s3 =	sld [smem:$0x3FA4]  }
0x31: {  	[smem:$0x3FAD] =	sst s10  }
0x32: {  	s10 =	sld [smem:$0x3FAB];
	_ =	sdelay $0x3  }
0x33: {  	p0 =	seq.s32 s10, $0x1;
	s10 =	sld [smem:$0x3FAD];
	_ =	sdelay $0x3  }
0x34: {  	[smem:$0x3FAD] =	sst s10  }
0x35: {  	s10 =	sld [smem:$0x3FAC];
	_ =	sdelay $0x3  }
0x36: {  	p1 =	seq.s32 s10, $0x1;
	s10 =	sld [smem:$0x3FAD];
	_ =	sdelay $0x3  }
0x37: {  	[smem:$0x3FAD] =	sst s10  }
0x38: {  	s10 =	sld [smem:$0x3FAE]  }
0x39: {  	_ = 	snop;
	(pc) =	sbr.ind lr, $3  }
0x3a: {  	_ = 	snop  }
0x3b: {  	_ = 	snop  }
0x3c: {  	p2 =	seq.s32 s10, $0x1;
	s10 =	sld [smem:$0x3FAD]  }
0x3d: {  	_ =	shalt  }
0x3e: {  	_ =	shalt  }
0x3f: {  	_ =	shalt  }
0x40: {  	_ =	shalt  }
0x41: {  	_ =	shalt  }
0x42: {  	_ =	shalt  }
0x43: {  	_ =	shalt  }
0x44: {  	_ =	shalt  }
0x45: {  	_ =	shalt  }
0x46: {  	_ =	shalt  }
0x47: {  	_ =	shalt  }
0x48: {  	_ =	shalt  }
0x49: {  	_ =	shalt  }
0x4a: {  	_ =	shalt  }
0x4b: {  	_ =	shalt  }
0x4c: {  	_ =	shalt  }
0x4d: {  	_ =	shalt  }
0x4e: {  	_ =	shalt  }
0x4f: {  	_ =	shalt  }
0x50: {  	_ =	shalt  }
0x51: {  	_ =	shalt  }
0x52: {  	_ =	shalt  }
0x53: {  	_ =	shalt  }
0x54: {  	_ =	shalt  }
0x55: {  	_ =	shalt  }
0x56: {  	_ =	shalt  }
0x57: {  	_ =	shalt  }
0x58: {  	_ =	shalt  }
0x59: {  	_ =	shalt  }
0x5a: {  	_ =	shalt  }
0x5b: {  	_ =	shalt  }
0x5c: {  	_ =	shalt  }
0x5d: {  	_ =	shalt  }
0x5e: {  	_ =	shalt  }
0x5f: {  	_ =	shalt  }
0x60: {  	_ =	shalt  }
0x61: {  	_ =	shalt  }
0x62: {  	_ =	shalt  }
0x63: {  	_ =	shalt  }
0x64: {  	_ =	shalt  }
0x65: {  	_ =	shalt  }
0x66: {  	_ =	shalt  }
0x67: {  	_ =	shalt  }
0x68: {  	_ =	shalt  }
0x69: {  	_ =	shalt  }
0x6a: {  	_ =	shalt  }
0x6b: {  	_ =	shalt  }
0x6c: {  	_ =	shalt  }
0x6d: {  	_ =	shalt  }
0x6e: {  	_ =	shalt  }
0x6f: {  	_ =	shalt  }
0x70: {  	_ =	shalt  }
0x71: {  	_ =	shalt  }
0x72: {  	_ =	shalt  }
0x73: {  	_ =	shalt  }
0x74: {  	_ =	shalt  }
0x75: {  	_ =	shalt  }
0x76: {  	_ =	shalt  }
0x77: {  	_ =	shalt  }
0x78: {  	_ =	shalt  }
0x79: {  	_ =	shalt  }
0x7a: {  	_ =	shalt  }
0x7b: {  	_ =	shalt  }
0x7c: {  	_ =	shalt  }
0x7d: {  	_ =	shalt  }
0x7e: {  	_ =	shalt  }
0x7f: {  	_ =	shalt  }
0x80: {  	_ =	shalt  }
0x81: {  	_ =	shalt  }
0x82: {  	_ =	shalt  }
0x83: {  	_ =	shalt  }
0x84: {  	_ =	shalt  }
0x85: {  	_ =	shalt  }
0x86: {  	_ =	shalt  }
0x87: {  	_ =	shalt  }
.Lfunc_end0:
.L_simem_size_0:
called_computation.2_lowered:
.L_overlay_start_0:
0x88: {  	s2 =	sld [smem:$0x3FD9]  }
0x89: {  	s3 =	sld [smem:$0x3FFE];
	_ =	sdelay $0x1  }
0x8a: {  	s1 =	srdreg.scid  }
0x8b: {  	s0 =	sand.u32 $0x1, s1  }
0x8c: {  	s16 =	sshll.u32 s0, $0xA;
	s2 =	sadd.s32 s3, s2  }
0x8d: {  	s2 =	sadd.s32 s2, s16  }
0x8e: {  	[smem:$0x3FB9] =	sst s2  }
0x8f: {  	_ = 	snop  }
0x90: {  	(tm) =	ssettm $0x1  }
0x91: {  	s17 =	sld [smem:$0x3FFB];
	_ =	sdelay $0x3  }
0x92: {  	_ =	strace s17  }
0x93: {  	s2 =	sld [smem:$0x3FFC];
	_ =	sdelay $0x3  }
0x94: {  	_ =	strace s2  }
0x95: {  	s2 =	sld [smem:$0x3FFD];
	_ =	sdelay $0x3  }
0x96: {  	_ =	strace s2  }
0x97: {  	_ =	strace $0x8FFFFFFF  }
0x98: {  	s18 =	sld [smem:$0x3FDB];
	_ =	sdelay $0x1  }
0x99: {  	s19 =	simm.s32 $_scs_section_size  }
0x9a: {  	s4 =	simm.s32 $_size__tile_overlayer_lowered;
	s5 =	simm.s32 $_tile_overlayer_lowered  }
0x9b: {  	s22 =	simm.s32 $0x1BFF;
	s21 =	sshll.u32 s5, $0x1;
	s2 =	sadd.s32 s19, s18  }
0x9c: {  	s6 =	simm.s32 $0x0;
	s20 =	sshll.u32 s4, $0x1;
	s4 =	sadd.s32 s21, s2  }
0x9d: {  	[timem:s6], [sflag:s22] =	dma.local [hbm:s4], s20  }
0x9e: {  	_ =	swait.ge [sflag:s22], s20  }
0x9f: {  	s3 =	ssub.s32 $0x0, s20;
	[sflag:s22] =	ssyncset.done $0x0  }
0xa0: {  	[sflag:s22] =	ssyncadd.s32 s3;
	_ =	sdelay $0x1  }
0xa1: {  	s23 =	simm.s32 $0x1B8B  }
0xa2: {  	_ =	swait.ge [sflag:s23], $0x1  }
0xa3: {  	[sflag:s23] =	ssyncset.done $0x0  }
0xa4: {  	s25 =	simm.s32 $0x1B8E;
	s24 =	sld [smem:$0x3FFE];
	[sflag:s23] =	ssyncadd.s32 $0xFFFFFFFF  }
0xa5: {  	s26 =	simm.s32 $execute0_lowered;
	[smem:$0x3FD2] =	sst s25  }
0xa6: {  	s4 =	sshll.u32 s26, $0x1;
	_ =	strace $0x8000004C;
	[dreg:$0x1] =	wrdreg $0xFFFFFFFF  }
0xa7: {  	s28 =	simm.s32 $_size_execute0_lowered;
	s2 =	sadd.s32 s2, s4;
	[dreg:$0x0] =	wrdreg $0x0  }
0xa8: {  	s4 =	sshll.u32 s28, $0x1;
	[dreg:$0x2] =	wrdreg s2  }
0xa9: {  	[dreg:$0x3] =	wrdreg s4  }
0xaa: {  	[dreg:$0x4] =	wrdreg $0xC0  }
0xab: {  	_ =	task [dreg:s6], $0x5FFFF  }
0xac: {  	[dreg:$0x1] =	wrdreg $0xFFFFFFFF  }
0xad: {  	[dreg:$0x0] =	wrdreg $0x60  }
0xae: {  	[dreg:$0x2] =	wrdreg s24  }
0xaf: {  	[dreg:$0x3] =	wrdreg $0x48000  }
0xb0: {  	[dreg:$0x4] =	wrdreg $0x9  }
0xb1: {  	_ =	task.clear_ibuf [dreg:s6], $0x5FFFF;
	_ =	strace $0x9000004C  }
0xb2: {  	s29 =	simm.s32 $0x9;
	_ =	strace $0x8000004E  }
0xb3: {  	_ =	swait.ge [sflag:s29], $0x1  }
0xb4: {  	[sflag:s29] =	ssyncadd.s32 $0xFFFFFFFF  }
0xb5: {  	_ =	strace $0x9000004E  }
0xb6: {  	_ =	sfence  }
0xb7: {  	s30 =	sld [smem:$0x0];
	_ =	sdelay $0x2  }
0xb8: {  	s31 =	sshll.u32 s1, $0xD;
	s1 =	sshrl.u32 s1, $0x2  }
0xb9: {  	s3 =	sand.u32 $0x4000, s31;
	s1 =	sadd.s32 s1, s30  }
0xba: {  	s0 =	sor.u32 s3, s0;
	s1 =	sshll.u32 s1, $0x11  }
0xbb: {  	s0 =	sor.u32 s1, s0  }
0xbc: {  	s0 =	sadd.s32 $0x8F2B, s0  }
0xbd: {  	[sflag:s0] =	ssyncadd.remote.s32 $0x1  }
0xbe: {  	_ =	sfence.sel $0xFFFF  }
0xbf: {  	[dreg:$0x0] =	wrdreg $0xFFFFFFFF;
	(pc) =	sbr.abs _section_cstart, $3  }
0xc0: {  	[dreg:$0x1] =	wrdreg $0xFFFFFFFF  }
0xc1: {  	_ =	task.clear_ibuf [dreg:s6], $0x2FFFF;
	_ =	strace $0x9FFFFFFF  }
0xc2: {  	(tm) =	ssettm $0x7FFFFFFF  }
0xc3: {  	_ =	shalt  }
tec
execute0_lowered:
.L_overlay_start_1:
0x0: {  	(tag) =	ssettag $0x1  }
0x1: {  	s6 =	rddreg [dreg:$0x0]  }
0x2: {  	s1 =	rddreg [dreg:$0x1]  }
0x3: {  	s3 =	srdreg.scid;
	s2 =	simm.s32 $0x0;
	s16 =	simm.s32 $0x3  }
0x4: {  	s17 =	simm.s32 $0x1400;
	s18 =	simm.s32 $0x80;
	s19 =	simm.s32 $0x2800  }
0x5: {  	s20 =	simm.s32 $0x3800;
	s21 =	simm.s32 $0x1;
	s22 =	simm.s32 $0x2  }
0x6: {  	s23 =	simm.s32 $0x1380;
	s24 =	simm.s32 $0x2700;
	s25 =	simm.s32 $0x2780  }
0x7: {  	s7 =	sand.u32 $0x1, s3;
	[smem:$0x7FF] =	sst s2;
	s4 =	sadd.s32 $0x10FC00, s6  }
0x8: {  	s5 =	sadd.s32 $0x2800, s6;
	s10 =	sadd.s32 $0x7D400, s6;
	s3 =	smul.u32 $0x30D40, s7  }
0x9: {  	s14 =	sadd.s32 $0x16E900, s1;
	s8 =	ssub.s32 $0x2, s7;
	s7 =	smul.u32 $0x186A00, s7  }
0xa: {  	s29 =	sshrl.u32 s8, $0x1;
	s12 =	sadd.s32 s3, s6;
	s3 =	stileid.u32  }
0xb: {  	_ =	strace $0x8000004D;
	s11 =	ssub.s32 s8, s29;
	s9 =	smul.u32 $0x18700, s3  }
0xc: {  	s6 =	sadd.s32 $0x1B800, s12;
	p0 =	seq.s32 s3, $0xF;
	s12 =	sadd.s32 $0x49520, s12  }
0xd: {  	s15 =	sadd.s32 s9, s1;
	s30 =	sadd.s32 s9, s7;
	s7 =	sshrl.u32 s7, $0x3  }
0xe: {  	s13 =	sshrl.u32 s9, $0x3;
	s8 =	sshrl.u32 s30, $0x3;
	s31 =	sadd.s32 s10, s7  }
0xf: {  	s7 =	smul.u32 $0x190, s3;
	s8 =	sadd.s32 s10, s8;
	s10 =	smax.u32 s11, $0x1  }
0x10: {  	s11 =	sadd.s32 s13, s6;
	s13 =	sshrl.u32 @p0 s14, $0x3;
	s14 =	sshll.u32 @!p0 s3, $0x6  }
0x11: {  	s15 =	sshrl.u32 @!p0 s15, $0x3;
	s9 =	sadd.s32 $0x2DD20, s31;
	s14 =	sor.u32 @!p0 $0x1C03, s14  }
.LBB2_1:
0x12: {  	s26 =	simm.s32 @p0 $0x1FC3  }
0x13: {  	[spmem:s13], [sflag:s26] =	dma.local @p0 [hbm:s12], $0x3020  }
0x14: {  	s26 =	simm.s32 @p0 $0x3  }
0x15: {  	_ =	swait.ge @p0 [sflag:s26], $0x3020  }
0x16: {  	[sflag:s26] =	ssyncset.done @p0 $0x0  }
0x17: {  	[sflag:s26] =	ssyncadd.s32 @p0 $0xFFFFCFE0;
	s26 =	simm.s32 @!p0 $0x3  }
0x18: {  	[spmem:s15], [sflag:s14] =	dma.local @!p0 [hbm:s11], $0x30E0  }
0x19: {  	_ =	swait.ge @!p0 [sflag:s26], $0x30E0  }
0x1a: {  	[sflag:s26] =	ssyncset.done @!p0 $0x0  }
0x1b: {  	[sflag:s26] =	ssyncadd.s32 @!p0 $0xFFFFCF20  }
0x1c: {  	s26 =	simm.s32 $0x0;
	[bflag:$0x0] =	sbarrier.arrive $0xFFFF  }
.LBB2_2:
0x1d: {  	s28 =	smul.u32 $0x28, s26;
	_ =	sdelay $0x1  }
0x1e: {  	s28 =	sadd.s32 s7, s28  }
0x1f: {  	s28 =	sshll.u32 s28, $0x4  }
0x20: {  	s30 =	simm.s32 $0x0;
	s29 =	sadd.s32 s4, s28  }
0x21: {  	[tilespmem:s30], [sflag:$0x3] =	stream.linear.gather [hbm4b:s29+s30], $0x1400, $0x38;
	[tilespmem:$0x1CF00] =	vst v63  }
0x22: {  	_ =	swait.ge [sflag:s16], $0x1400  }
0x23: {  	[sflag:s16] =	ssyncset.done $0x0  }
0x24: {  	s28 =	sadd.s32 s5, s28;
	[sflag:s16] =	ssyncadd.s32 $0xFFFFEC00  }
0x25: {  	[tilespmem:s17], [sflag:$0x3] =	stream.linear.gather [hbm4b:s28+s30], $0x1400, $0x38;
	[tilespmem:$0x1CF00] =	vst v63  }
0x26: {  	_ =	swait.ge [sflag:s16], $0x1400  }
0x27: {  	[sflag:s16] =	ssyncset.done $0x0  }
0x28: {  	[sflag:s16] =	ssyncadd.s32 $0xFFFFEC00  }
0x29: {  	[tilespmem:s19], [sflag:$0x1] =	stream.indirect.gather [hbm4b:s6+s18], $0x20, s30, s18, $0xb8;
	[tilespmem:$0x1CF00] =	vst v63  }
0x2a: {  	s28 =	simm.s32 $0x80  }
0x2b: {  	[tilespmem:s20], [sflag:$0x2] =	stream.indirect.gather [hbm4b:s6+s18], $0x20, s28, s18, $0xb8;
	[tilespmem:$0x1CF00] =	vst v63  }
0x2c: {  	_ =	swait.ge [sflag:s21], $0x1000  }
0x2d: {  	[sflag:s21] =	ssyncset.done $0x0  }
0x2e: {  	s28 =	simm.s32 $0x1400;
	[sflag:s21] =	ssyncadd.s32 $0xFFFFF000  }
0x2f: {  	[spmem:s1] =	stream.indirect.scatter.add.f32 [tilespmem:s19], [sflag:$0x3], $0x20, s28, s18, $0xb8;
	[tilespmem:$0x1CF00] =	vst v63  }
0x30: {  	_ =	swait.ge [sflag:s16], $0x1000  }
0x31: {  	[sflag:s16] =	ssyncset.done $0x0  }
0x32: {  	s28 =	simm.s32 $0x100;
	[sflag:s16] =	ssyncadd.s32 $0xFFFFF000  }
0x33: {  	[tilespmem:s19], [sflag:$0x1] =	stream.indirect.gather [hbm4b:s6+s18], $0x20, s28, s18, $0xb8;
	[tilespmem:$0x1CF00] =	vst v63  }
0x34: {  	_ =	swait.ge [sflag:s22], $0x1000  }
0x35: {  	[sflag:s22] =	ssyncset.done $0x0  }
0x36: {  	s28 =	simm.s32 $0x1480;
	[sflag:s22] =	ssyncadd.s32 $0xFFFFF000  }
0x37: {  	[spmem:s1] =	stream.indirect.scatter.add.f32 [tilespmem:s20], [sflag:$0x3], $0x20, s28, s18, $0xb8;
	[tilespmem:$0x1CF00] =	vst v63  }
0x38: {  	_ =	swait.ge [sflag:s16], $0x1000  }
0x39: {  	s29 =	simm.s32 $0x800;
	s28 =	simm.s32 $0x100;
	[sflag:s16] =	ssyncset.done $0x0  }
.LBB2_3:
0x3a: {  	s30 =	sadd.s32 $0x80, s28  }
0x3b: {  	[sflag:s16] =	ssyncadd.s32 $0xFFFFF000;
	s31 =	smov.u32 s29;
	s0 =	sadd.s32 $0x400, s29  }
0x3c: {  	[tilespmem:s20], [sflag:$0x2] =	stream.indirect.gather [hbm4b:s6+s18], $0x20, s30, s18, $0xb8;
	[tilespmem:$0x1CF00] =	vst v63  }
0x3d: {  	p1 =	sne.s32 s29, $0x4800;
	_ =	swait.ge [sflag:s21], $0x1000  }
0x3e: {  	[sflag:s21] =	ssyncset.done $0x0  }
0x3f: {  	s29 =	sadd.s32 $0x1400, s28;
	[sflag:s21] =	ssyncadd.s32 $0xFFFFF000  }
0x40: {  	[spmem:s1] =	stream.indirect.scatter.add.f32 [tilespmem:s19], [sflag:$0x3], $0x20, s29, s18, $0xb8;
	[tilespmem:$0x1CF00] =	vst v63  }
0x41: {  	_ =	swait.ge [sflag:s16], $0x1000  }
0x42: {  	[sflag:s16] =	ssyncset.done $0x0  }
0x43: {  	s29 =	sadd.s32 $0x100, s28;
	[sflag:s16] =	ssyncadd.s32 $0xFFFFF000  }
0x44: {  	[tilespmem:s19], [sflag:$0x1] =	stream.indirect.gather [hbm4b:s6+s18], $0x20, s29, s18, $0xb8;
	[tilespmem:$0x1CF00] =	vst v63  }
0x45: {  	_ =	swait.ge [sflag:s22], $0x1000  }
.Ltmp0:
0x46: {  	[sflag:s22] =	ssyncset.done $0x0;
	(pc) =	sbr.rel @p1 .LBB2_3-.Ltmp0, $4  }
0x47: {  	s28 =	sadd.s32 $0x1480, s28;
	[sflag:s22] =	ssyncadd.s32 $0xFFFFF000  }
0x48: {  	[spmem:s1] =	stream.indirect.scatter.add.f32 [tilespmem:s20], [sflag:$0x3], $0x20, s28, s18, $0xb8;
	[tilespmem:$0x1CF00] =	vst v63  }
0x49: {  	_ =	swait.ge [sflag:s16], $0x1000  }
0x4a: {  	s29 =	smov.u32 s0;
	s28 =	sshra.s32 s31, $0x2;
	[sflag:s16] =	ssyncset.done $0x0  }
0x4b: {  	s0 =	sadd.s32 $0x80, s28;
	[sflag:s16] =	ssyncadd.s32 $0xFFFFF000  }
0x4c: {  	[tilespmem:s20], [sflag:$0x2] =	stream.indirect.gather [hbm4b:s6+s18], $0x20, s0, s18, $0xb8;
	[tilespmem:$0x1CF00] =	vst v63  }
0x4d: {  	_ =	swait.ge [sflag:s21], $0x1000  }
0x4e: {  	[sflag:s21] =	ssyncset.done $0x0  }
0x4f: {  	s29 =	sadd.s32 $0x1400, s28;
	[sflag:s21] =	ssyncadd.s32 $0xFFFFF000  }
0x50: {  	[spmem:s1] =	stream.indirect.scatter.add.f32 [tilespmem:s19], [sflag:$0x3], $0x20, s29, s18, $0xb8;
	[tilespmem:$0x1CF00] =	vst v63  }
0x51: {  	_ =	swait.ge [sflag:s16], $0x1000  }
0x52: {  	[sflag:s16] =	ssyncset.done $0x0  }
0x53: {  	s30 =	sadd.s32 $0x100, s28;
	[sflag:s16] =	ssyncadd.s32 $0xFFFFF000  }
0x54: {  	[tilespmem:s19], [sflag:$0x1] =	stream.indirect.gather [hbm4b:s6+s18], $0x20, s30, s18, $0xb8;
	[tilespmem:$0x1CF00] =	vst v63  }
0x55: {  	_ =	swait.ge [sflag:s22], $0x1000  }
0x56: {  	[sflag:s22] =	ssyncset.done $0x0  }
0x57: {  	s31 =	sadd.s32 $0x1480, s28;
	[sflag:s22] =	ssyncadd.s32 $0xFFFFF000  }
0x58: {  	[spmem:s1] =	stream.indirect.scatter.add.f32 [tilespmem:s20], [sflag:$0x3], $0x20, s31, s18, $0xb8;
	[tilespmem:$0x1CF00] =	vst v63  }
0x59: {  	_ =	swait.ge [sflag:s16], $0x1000  }
0x5a: {  	[sflag:s16] =	ssyncset.done $0x0  }
0x5b: {  	[sflag:s16] =	ssyncadd.s32 $0xFFFFF000  }
0x5c: {  	[tilespmem:s20], [sflag:$0x2] =	stream.indirect.gather [hbm4b:s6+s18], $0x20, s23, s18, $0xb8;
	[tilespmem:$0x1CF00] =	vst v63  }
0x5d: {  	_ =	swait.ge [sflag:s21], $0x1000  }
0x5e: {  	[sflag:s21] =	ssyncset.done $0x0  }
0x5f: {  	[sflag:s21] =	ssyncadd.s32 $0xFFFFF000  }
0x60: {  	[spmem:s1] =	stream.indirect.scatter.add.f32 [tilespmem:s19], [sflag:$0x3], $0x20, s24, s18, $0xb8;
	[tilespmem:$0x1CF00] =	vst v63  }
0x61: {  	_ =	swait.ge [sflag:s16], $0x1000  }
0x62: {  	[sflag:s16] =	ssyncset.done $0x0  }
0x63: {  	[sflag:s16] =	ssyncadd.s32 $0xFFFFF000  }
0x64: {  	s26 =	sadd.s32 $0x1, s26;
	_ =	swait.ge [sflag:s22], $0x1000  }
0x65: {  	p1 =	sne.s32 s26, $0xA;
	[sflag:s22] =	ssyncset.done $0x0  }
.Ltmp1:
0x66: {  	[sflag:s22] =	ssyncadd.s32 $0xFFFFF000;
	(pc) =	sbr.rel @p1 .LBB2_2-.Ltmp1, $4  }
0x67: {  	[spmem:s1] =	stream.indirect.scatter.add.f32 [tilespmem:s20], [sflag:$0x3], $0x20, s25, s18, $0xb8;
	[tilespmem:$0x1CF00] =	vst v63  }
0x68: {  	_ =	swait.ge [sflag:s16], $0x1000  }
0x69: {  	[sflag:s16] =	ssyncset.done $0x0  }
0x6a: {  	[sflag:s16] =	ssyncadd.s32 $0xFFFFF000  }
0x6b: {  	[bflag:$0x0] =	sbarrier.arrive $0xFFFF;
	s0 =	simm.s32 @p0 $0x1FC3  }
0x6c: {  	[hbm:s9], [sflag:s0] =	dma.local @p0 [spmem:s13], $0x3020  }
0x6d: {  	s0 =	simm.s32 @p0 $0x3  }
0x6e: {  	s2 =	sadd.s32 $0x1, s2;
	_ =	swait.ge @p0 [sflag:s0], $0x3020  }
0x6f: {  	p1 =	sne.s32 s2, s10;
	[sflag:s0] =	ssyncset.done @p0 $0x0  }
.Ltmp2:
0x70: {  	[sflag:s0] =	ssyncadd.s32 @p0 $0xFFFFCFE0;
	s0 =	simm.s32 @!p0 $0x3;
	(pc) =	sbr.rel @p1 .LBB2_1-.Ltmp2, $4  }
0x71: {  	[hbm:s8], [sflag:s14] =	dma.local @!p0 [spmem:s15], $0x30E0  }
0x72: {  	_ =	swait.ge @!p0 [sflag:s0], $0x30E0  }
0x73: {  	[sflag:s0] =	ssyncset.done @!p0 $0x0  }
0x74: {  	[sflag:s0] =	ssyncadd.s32 @!p0 $0xFFFFCF20  }
0x75: {  	_ =	sfence.sel $0x180000  }
0x76: {  	[bflag:$0x0] =	sbarrier.arrive $0xFFFF  }
0x77: {  	_ =	strace $0x9000004D  }
0x78: {  	[bflag:$0x2] =	sbarrier.arrive $0xFFFF  }
0x79: {  	p0 =	sne.s32 s3, $0x0;
	s0 =	rddreg [dreg:$0x2]  }
0x7a: {  	s0 =	sadd.s32 @!p0 $0x100000, s0  }
0x7b: {  	[sflag:s0] =	ssyncadd.tile.s32 @!p0 $0x1;
	_ =	shalt  }
.Lfunc_end2:
_tile_overlayer_lowered:
.L_overlay_start_2:
0x7c: {  	(tag) =	ssettag $0x2  }
0x7d: {  	s0 =	rddreg [dreg:$0x0];
	s2 =	stileid.u32  }
0x7e: {  	s1 =	rddreg [dreg:$0x1];
	p0 =	sne.s32 s2, $0x0  }
0x7f: {  	s3 =	rddreg [dreg:$0x2];
	[bflag:$0x3] =	sbarrier.arrive $0xFFFF;
	s2 =	simm.s32 @!p0 $0x1C03  }
0x80: {  	[timem:s3], [sflag:s2] =	dma.local @!p0 [hbm:s0], s1  }
0x81: {  	s0 =	simm.s32 @!p0 $0x3  }
0x82: {  	_ =	swait.ge @!p0 [sflag:s0], s1  }
0x83: {  	s1 =	ssub.s32 @!p0 $0x0, s1;
	[sflag:s0] =	ssyncset.done @!p0 $0x0  }
0x84: {  	[sflag:s0] =	ssyncadd.s32 @!p0 s1  }
0x85: {  	[bflag:$0x3] =	sbarrier.arrive $0xFFFF  }
0x86: {  	_ =	shalt  }

// kernel: kernel.22.cloned.1.call-start
scs
__scs_entry_jumppad:
0x0: {  	(pc) =	sbr.rel $0x88, $3  }
0x1: {  	(tag) =	ssettag $0x0;
	lr =	simm.s32 $0x1  }
0x2: {  	[smem:$0x3F92] =	sst lr;
	_ =	strace $0xD0000000  }
0x3: {  	_ = 	snop  }
0x4: {  	_ = 	snop  }
0x5: {  	_ = 	snop  }
0x6: {  	_ = 	snop  }
0x7: {  	_ = 	snop  }
__scs_overlays_trampoline_lowered:
0x8: {  	[smem:$0x3FA1] =	sst s0  }
0x9: {  	[smem:$0x3FA2] =	sst s1  }
0xa: {  	[smem:$0x3FA3] =	sst s2  }
0xb: {  	[smem:$0x3FA4] =	sst s3  }
0xc: {  	[smem:$0x3FA5] =	sst s4  }
0xd: {  	[smem:$0x3FA6] =	sst s5  }
0xe: {  	[smem:$0x3FA7] =	sst s6  }
0xf: {  	[smem:$0x3FA8] =	sst s7  }
0x10: {  	[smem:$0x3FA9] =	sst s8  }
0x11: {  	[smem:$0x3FAA] =	sst s9;
	s0 =	simm.s32 @!p0 $0x0  }
0x12: {  	s1 =	sld [smem:$0x3F90];
	s0 =	simm.s32 @p0 $0x1  }
0x13: {  	[smem:$0x3FAB] =	sst s0;
	s0 =	simm.s32 @!p1 $0x0  }
0x14: {  	s2 =	sld [smem:$0x3F8F];
	s0 =	simm.s32 @p1 $0x1  }
0x15: {  	[smem:$0x3FAC] =	sst s0;
	s0 =	simm.s32 @!p2 $0x0  }
0x16: {  	s3 =	sld [smem:$0x3FDB];
	s0 =	simm.s32 @p2 $0x1  }
0x17: {  	s4 =	simm.s32 $0x1BF5;
	[smem:$0x3FAE] =	sst s0  }
0x18: {  	s0 =	sld [smem:$0x3F91];
	_ =	swait.ge [sflag:s4], $0x0  }
0x19: {  	s7 =	sld [smem:$0x3F92]  }
0x1a: {  	s8 =	sadd.s32 $0xFFFFE003, lr  }
0x1b: {  	s9 =	sadd.s32 $0xFFFFFEF7, lr;
	s5 =	simm.s32 $0xFFFFFFFF;
	p2 =	slt.u32 s8, $0xFFFFF086  }
0x1c: {  	p1 =	slt.u32 s9, $0xF7A;
	s5 =	simm.s32 @!p2 $0x0  }
0x1d: {  	s5 =	simm.s32 @p1 $0x1;
	p0 =	seq.s32 s7, s2  }
0x1e: {  	s7 =	smul.u32 @!p0 $0xF7A, s2;
	p2 =	seq.s32 @!p0 s5, $0x0  }
0x1f: {  	s9 =	smul.u32 $0xF7A, s1;
	s8 =	simm.s32 @!p0 $0x1BF5;
	p2 =	por !p2, p0  }
0x20: {  	[sflag:s8] =	ssyncset.s32 @!p0 $0xFFFFF086;
	s6 =	sadd.s32 @!p0 s3, s7;
	s7 =	simm.s32 @!p0 $0x108  }
0x21: {  	s3 =	sadd.s32 s3, s9;
	s6 =	sadd.s32 @!p0 $0x88, s6;
	s7 =	simm.s32 @p2 $0x1082  }
0x22: {  	[simem:s7], [sflag:s8] =	dma.local @!p0 [hbm:s6], $0xF7A  }
0x23: {  	s9 =	sor.u32 $0xD0000000, s2;
	s6 =	simm.s32 $0x108;
	_ =	swait.ge @!p0 [sflag:s8], $0x0  }
0x24: {  	s3 =	sadd.s32 $0x88, s3;
	s6 =	simm.s32 @!p1 $0x1082;
	[sflag:s4] =	ssyncset.s32 $0xFFFFF086  }
0x25: {  	[simem:s6], [sflag:s4] =	dma.local [hbm:s3], $0xF7A  }
0x26: {  	[smem:$0x3F92] =	sst s1;
	(tag) =	ssettag s2;
	_ =	strace s9  }
0x27: {  	s1 =	sld [smem:$0x3FA2]  }
0x28: {  	s2 =	sld [smem:$0x3FA3]  }
0x29: {  	s4 =	sld [smem:$0x3FA5]  }
0x2a: {  	p0 =	seq.s32 s5, $0x0;
	s5 =	sld [smem:$0x3FA6]  }
0x2b: {  	s6 =	sld [smem:$0x3FA7]  }
0x2c: {  	s7 =	sld [smem:$0x3FA8]  }
0x2d: {  	s3 =	simm.s32 $0x108;
	s8 =	sld [smem:$0x3FA9]  }
0x2e: {  	s3 =	simm.s32 @!p0 $0x1082;
	s9 =	sld [smem:$0x3FAA]  }
0x2f: {  	lr =	sadd.s32 s0, s3;
	s0 =	sld [smem:$0x3FA1]  }
0x30: {  	s3 =	sld [smem:$0x3FA4]  }
0x31: {  	[smem:$0x3FAD] =	sst s10  }
0x32: {  	s10 =	sld [smem:$0x3FAB];
	_ =	sdelay $0x3  }
0x33: {  	p0 =	seq.s32 s10, $0x1;
	s10 =	sld [smem:$0x3FAD];
	_ =	sdelay $0x3  }
0x34: {  	[smem:$0x3FAD] =	sst s10  }
0x35: {  	s10 =	sld [smem:$0x3FAC];
	_ =	sdelay $0x3  }
0x36: {  	p1 =	seq.s32 s10, $0x1;
	s10 =	sld [smem:$0x3FAD];
	_ =	sdelay $0x3  }
0x37: {  	[smem:$0x3FAD] =	sst s10  }
0x38: {  	s10 =	sld [smem:$0x3FAE]  }
0x39: {  	_ = 	snop;
	(pc) =	sbr.ind lr, $3  }
0x3a: {  	_ = 	snop  }
0x3b: {  	_ = 	snop  }
0x3c: {  	p2 =	seq.s32 s10, $0x1;
	s10 =	sld [smem:$0x3FAD]  }
0x3d: {  	_ =	shalt  }
0x3e: {  	_ =	shalt  }
0x3f: {  	_ =	shalt  }
0x40: {  	_ =	shalt  }
0x41: {  	_ =	shalt  }
0x42: {  	_ =	shalt  }
0x43: {  	_ =	shalt  }
0x44: {  	_ =	shalt  }
0x45: {  	_ =	shalt  }
0x46: {  	_ =	shalt  }
0x47: {  	_ =	shalt  }
0x48: {  	_ =	shalt  }
0x49: {  	_ =	shalt  }
0x4a: {  	_ =	shalt  }
0x4b: {  	_ =	shalt  }
0x4c: {  	_ =	shalt  }
0x4d: {  	_ =	shalt  }
0x4e: {  	_ =	shalt  }
0x4f: {  	_ =	shalt  }
0x50: {  	_ =	shalt  }
0x51: {  	_ =	shalt  }
0x52: {  	_ =	shalt  }
0x53: {  	_ =	shalt  }
0x54: {  	_ =	shalt  }
0x55: {  	_ =	shalt  }
0x56: {  	_ =	shalt  }
0x57: {  	_ =	shalt  }
0x58: {  	_ =	shalt  }
0x59: {  	_ =	shalt  }
0x5a: {  	_ =	shalt  }
0x5b: {  	_ =	shalt  }
0x5c: {  	_ =	shalt  }
0x5d: {  	_ =	shalt  }
0x5e: {  	_ =	shalt  }
0x5f: {  	_ =	shalt  }
0x60: {  	_ =	shalt  }
0x61: {  	_ =	shalt  }
0x62: {  	_ =	shalt  }
0x63: {  	_ =	shalt  }
0x64: {  	_ =	shalt  }
0x65: {  	_ =	shalt  }
0x66: {  	_ =	shalt  }
0x67: {  	_ =	shalt  }
0x68: {  	_ =	shalt  }
0x69: {  	_ =	shalt  }
0x6a: {  	_ =	shalt  }
0x6b: {  	_ =	shalt  }
0x6c: {  	_ =	shalt  }
0x6d: {  	_ =	shalt  }
0x6e: {  	_ =	shalt  }
0x6f: {  	_ =	shalt  }
0x70: {  	_ =	shalt  }
0x71: {  	_ =	shalt  }
0x72: {  	_ =	shalt  }
0x73: {  	_ =	shalt  }
0x74: {  	_ =	shalt  }
0x75: {  	_ =	shalt  }
0x76: {  	_ =	shalt  }
0x77: {  	_ =	shalt  }
0x78: {  	_ =	shalt  }
0x79: {  	_ =	shalt  }
0x7a: {  	_ =	shalt  }
0x7b: {  	_ =	shalt  }
0x7c: {  	_ =	shalt  }
0x7d: {  	_ =	shalt  }
0x7e: {  	_ =	shalt  }
0x7f: {  	_ =	shalt  }
0x80: {  	_ =	shalt  }
0x81: {  	_ =	shalt  }
0x82: {  	_ =	shalt  }
0x83: {  	_ =	shalt  }
0x84: {  	_ =	shalt  }
0x85: {  	_ =	shalt  }
0x86: {  	_ =	shalt  }
0x87: {  	_ =	shalt  }
.Lfunc_end0:
.L_simem_size_0:
called_computation.3_lowered:
.L_overlay_start_0:
0x88: {  	s2 =	sld [smem:$0x3FD9]  }
0x89: {  	s3 =	sld [smem:$0x3FFE];
	_ =	sdelay $0x1  }
0x8a: {  	s1 =	srdreg.scid  }
0x8b: {  	s0 =	sand.u32 $0x1, s1  }
0x8c: {  	s16 =	sshll.u32 s0, $0xA;
	s2 =	sadd.s32 s3, s2  }
0x8d: {  	s2 =	sadd.s32 s2, s16  }
0x8e: {  	[smem:$0x3FB9] =	sst s2  }
0x8f: {  	_ = 	snop  }
0x90: {  	(tm) =	ssettm $0x1  }
0x91: {  	s17 =	sld [smem:$0x3FFB];
	_ =	sdelay $0x3  }
0x92: {  	_ =	strace s17  }
0x93: {  	s2 =	sld [smem:$0x3FFC];
	_ =	sdelay $0x3  }
0x94: {  	_ =	strace s2  }
0x95: {  	s2 =	sld [smem:$0x3FFD];
	_ =	sdelay $0x3  }
0x96: {  	_ =	strace s2  }
0x97: {  	_ =	strace $0x8FFFFFFF  }
0x98: {  	s18 =	sld [smem:$0x3FDB];
	_ =	sdelay $0x1  }
0x99: {  	s19 =	simm.s32 $_scs_section_size  }
0x9a: {  	s4 =	simm.s32 $_size__tile_overlayer_lowered;
	s5 =	simm.s32 $_tile_overlayer_lowered  }
0x9b: {  	s22 =	simm.s32 $0x1BFF;
	s21 =	sshll.u32 s5, $0x1;
	s2 =	sadd.s32 s19, s18  }
0x9c: {  	s6 =	simm.s32 $0x0;
	s20 =	sshll.u32 s4, $0x1;
	s4 =	sadd.s32 s21, s2  }
0x9d: {  	[timem:s6], [sflag:s22] =	dma.local [hbm:s4], s20  }
0x9e: {  	_ =	swait.ge [sflag:s22], s20  }
0x9f: {  	s3 =	ssub.s32 $0x0, s20;
	[sflag:s22] =	ssyncset.done $0x0  }
0xa0: {  	[sflag:s22] =	ssyncadd.s32 s3;
	_ =	sdelay $0x1  }
0xa1: {  	s23 =	simm.s32 $0x1B8B  }
0xa2: {  	_ =	swait.ge [sflag:s23], $0x1  }
0xa3: {  	[sflag:s23] =	ssyncset.done $0x0  }
0xa4: {  	s25 =	simm.s32 $0x1B8E;
	s24 =	sld [smem:$0x3FFE];
	[sflag:s23] =	ssyncadd.s32 $0xFFFFFFFF  }
0xa5: {  	s26 =	simm.s32 $execute0_lowered;
	[smem:$0x3FD2] =	sst s25  }
0xa6: {  	s4 =	sshll.u32 s26, $0x1;
	_ =	strace $0x8000004F;
	[dreg:$0x1] =	wrdreg $0xFFFFFFFF  }
0xa7: {  	s28 =	simm.s32 $_size_execute0_lowered;
	s2 =	sadd.s32 s2, s4;
	[dreg:$0x0] =	wrdreg $0x0  }
0xa8: {  	s4 =	sshll.u32 s28, $0x1;
	[dreg:$0x2] =	wrdreg s2  }
0xa9: {  	[dreg:$0x3] =	wrdreg s4  }
0xaa: {  	[dreg:$0x4] =	wrdreg $0xC0  }
0xab: {  	_ =	task [dreg:s6], $0x5FFFF  }
0xac: {  	[dreg:$0x1] =	wrdreg $0xFFFFFFFF  }
0xad: {  	[dreg:$0x0] =	wrdreg $0x60  }
0xae: {  	[dreg:$0x2] =	wrdreg s24  }
0xaf: {  	[dreg:$0x3] =	wrdreg $0x48000  }
0xb0: {  	[dreg:$0x4] =	wrdreg $0x9  }
0xb1: {  	_ =	task.clear_ibuf [dreg:s6], $0x5FFFF;
	_ =	strace $0x9000004F  }
0xb2: {  	s29 =	simm.s32 $0x9;
	_ =	strace $0x80000051  }
0xb3: {  	_ =	swait.ge [sflag:s29], $0x1  }
0xb4: {  	[sflag:s29] =	ssyncadd.s32 $0xFFFFFFFF  }
0xb5: {  	_ =	strace $0x90000051  }
0xb6: {  	_ =	sfence  }
0xb7: {  	s30 =	sld [smem:$0x0];
	_ =	sdelay $0x2  }
0xb8: {  	s31 =	sshll.u32 s1, $0xD;
	s1 =	sshrl.u32 s1, $0x2  }
0xb9: {  	s3 =	sand.u32 $0x4000, s31;
	s1 =	sadd.s32 s1, s30  }
0xba: {  	s0 =	sor.u32 s3, s0;
	s1 =	sshll.u32 s1, $0x11  }
0xbb: {  	s0 =	sor.u32 s1, s0  }
0xbc: {  	s0 =	sadd.s32 $0x8F2B, s0  }
0xbd: {  	[sflag:s0] =	ssyncadd.remote.s32 $0x1  }
0xbe: {  	_ =	sfence.sel $0xFFFF  }
0xbf: {  	[dreg:$0x0] =	wrdreg $0xFFFFFFFF;
	(pc) =	sbr.abs _section_cstart, $3  }
0xc0: {  	[dreg:$0x1] =	wrdreg $0xFFFFFFFF  }
0xc1: {  	_ =	task.clear_ibuf [dreg:s6], $0x2FFFF;
	_ =	strace $0x9FFFFFFF  }
0xc2: {  	(tm) =	ssettm $0x7FFFFFFF  }
0xc3: {  	_ =	shalt  }
tec
execute0_lowered:
.L_overlay_start_1:
0x0: {  	(tag) =	ssettag $0x1  }
0x1: {  	s6 =	rddreg [dreg:$0x0]  }
0x2: {  	s1 =	rddreg [dreg:$0x1]  }
0x3: {  	s3 =	srdreg.scid;
	s2 =	simm.s32 $0x0;
	s16 =	simm.s32 $0x3  }
0x4: {  	s17 =	simm.s32 $0x1400;
	s18 =	simm.s32 $0x80;
	s19 =	simm.s32 $0x2800  }
0x5: {  	s20 =	simm.s32 $0x3800;
	s21 =	simm.s32 $0x1;
	s22 =	simm.s32 $0x2  }
0x6: {  	s23 =	simm.s32 $0x1380;
	s24 =	simm.s32 $0x2700;
	s25 =	simm.s32 $0x2780  }
0x7: {  	s7 =	sand.u32 $0x1, s3;
	[smem:$0x7FF] =	sst s2;
	s4 =	sadd.s32 $0x10FC00, s6  }
0x8: {  	s5 =	sadd.s32 $0x2800, s6;
	s10 =	sadd.s32 $0x7D400, s6;
	s3 =	smul.u32 $0x30D40, s7  }
0x9: {  	s14 =	sadd.s32 $0x16E900, s1;
	s8 =	ssub.s32 $0x2, s7;
	s7 =	smul.u32 $0x186A00, s7  }
0xa: {  	s29 =	sshrl.u32 s8, $0x1;
	s12 =	sadd.s32 s3, s6;
	s3 =	stileid.u32  }
0xb: {  	_ =	strace $0x80000050;
	s11 =	ssub.s32 s8, s29;
	s9 =	smul.u32 $0x18700, s3  }
0xc: {  	s6 =	sadd.s32 $0x1B800, s12;
	p0 =	seq.s32 s3, $0xF;
	s12 =	sadd.s32 $0x49520, s12  }
0xd: {  	s15 =	sadd.s32 s9, s1;
	s30 =	sadd.s32 s9, s7;
	s7 =	sshrl.u32 s7, $0x3  }
0xe: {  	s13 =	sshrl.u32 s9, $0x3;
	s8 =	sshrl.u32 s30, $0x3;
	s31 =	sadd.s32 s10, s7  }
0xf: {  	s7 =	smul.u32 $0x190, s3;
	s8 =	sadd.s32 s10, s8;
	s10 =	smax.u32 s11, $0x1  }
0x10: {  	s11 =	sadd.s32 s13, s6;
	s13 =	sshrl.u32 @p0 s14, $0x3;
	s14 =	sshll.u32 @!p0 s3, $0x6  }
0x11: {  	s15 =	sshrl.u32 @!p0 s15, $0x3;
	s9 =	sadd.s32 $0x2DD20, s31;
	s14 =	sor.u32 @!p0 $0x1C03, s14  }
.LBB2_1:
0x12: {  	s26 =	simm.s32 @p0 $0x1FC3  }
0x13: {  	[spmem:s13], [sflag:s26] =	dma.local @p0 [hbm:s12], $0x3020  }
0x14: {  	s26 =	simm.s32 @p0 $0x3  }
0x15: {  	_ =	swait.ge @p0 [sflag:s26], $0x3020  }
0x16: {  	[sflag:s26] =	ssyncset.done @p0 $0x0  }
0x17: {  	[sflag:s26] =	ssyncadd.s32 @p0 $0xFFFFCFE0;
	s26 =	simm.s32 @!p0 $0x3  }
0x18: {  	[spmem:s15], [sflag:s14] =	dma.local @!p0 [hbm:s11], $0x30E0  }
0x19: {  	_ =	swait.ge @!p0 [sflag:s26], $0x30E0  }
0x1a: {  	[sflag:s26] =	ssyncset.done @!p0 $0x0  }
0x1b: {  	[sflag:s26] =	ssyncadd.s32 @!p0 $0xFFFFCF20  }
0x1c: {  	s26 =	simm.s32 $0x0;
	[bflag:$0x0] =	sbarrier.arrive $0xFFFF  }
.LBB2_2:
0x1d: {  	s28 =	smul.u32 $0x28, s26;
	_ =	sdelay $0x1  }
0x1e: {  	s28 =	sadd.s32 s7, s28  }
0x1f: {  	s28 =	sshll.u32 s28, $0x4  }
0x20: {  	s30 =	simm.s32 $0x0;
	s29 =	sadd.s32 s4, s28  }
0x21: {  	[tilespmem:s30], [sflag:$0x3] =	stream.linear.gather [hbm4b:s29+s30], $0x1400, $0x38;
	[tilespmem:$0x1CF00] =	vst v63  }
0x22: {  	_ =	swait.ge [sflag:s16], $0x1400  }
0x23: {  	[sflag:s16] =	ssyncset.done $0x0  }
0x24: {  	s28 =	sadd.s32 s5, s28;
	[sflag:s16] =	ssyncadd.s32 $0xFFFFEC00  }
0x25: {  	[tilespmem:s17], [sflag:$0x3] =	stream.linear.gather [hbm4b:s28+s30], $0x1400, $0x38;
	[tilespmem:$0x1CF00] =	vst v63  }
0x26: {  	_ =	swait.ge [sflag:s16], $0x1400  }
0x27: {  	[sflag:s16] =	ssyncset.done $0x0  }
0x28: {  	[sflag:s16] =	ssyncadd.s32 $0xFFFFEC00  }
0x29: {  	[tilespmem:s19], [sflag:$0x1] =	stream.indirect.gather [hbm4b:s6+s18], $0x20, s30, s18, $0xb8;
	[tilespmem:$0x1CF00] =	vst v63  }
0x2a: {  	s28 =	simm.s32 $0x80  }
0x2b: {  	[tilespmem:s20], [sflag:$0x2] =	stream.indirect.gather [hbm4b:s6+s18], $0x20, s28, s18, $0xb8;
	[tilespmem:$0x1CF00] =	vst v63  }
0x2c: {  	_ =	swait.ge [sflag:s21], $0x1000  }
0x2d: {  	[sflag:s21] =	ssyncset.done $0x0  }
0x2e: {  	s28 =	simm.s32 $0x1400;
	[sflag:s21] =	ssyncadd.s32 $0xFFFFF000  }
0x2f: {  	[spmem:s1] =	stream.indirect.scatter.add.f32 [tilespmem:s19], [sflag:$0x3], $0x20, s28, s18, $0xb8;
	[tilespmem:$0x1CF00] =	vst v63  }
0x30: {  	_ =	swait.ge [sflag:s16], $0x1000  }
0x31: {  	[sflag:s16] =	ssyncset.done $0x0  }
0x32: {  	s28 =	simm.s32 $0x100;
	[sflag:s16] =	ssyncadd.s32 $0xFFFFF000  }
0x33: {  	[tilespmem:s19], [sflag:$0x1] =	stream.indirect.gather [hbm4b:s6+s18], $0x20, s28, s18, $0xb8;
	[tilespmem:$0x1CF00] =	vst v63  }
0x34: {  	_ =	swait.ge [sflag:s22], $0x1000  }
0x35: {  	[sflag:s22] =	ssyncset.done $0x0  }
0x36: {  	s28 =	simm.s32 $0x1480;
	[sflag:s22] =	ssyncadd.s32 $0xFFFFF000  }
0x37: {  	[spmem:s1] =	stream.indirect.scatter.add.f32 [tilespmem:s20], [sflag:$0x3], $0x20, s28, s18, $0xb8;
	[tilespmem:$0x1CF00] =	vst v63  }
0x38: {  	_ =	swait.ge [sflag:s16], $0x1000  }
0x39: {  	s29 =	simm.s32 $0x800;
	s28 =	simm.s32 $0x100;
	[sflag:s16] =	ssyncset.done $0x0  }
.LBB2_3:
0x3a: {  	s30 =	sadd.s32 $0x80, s28  }
0x3b: {  	[sflag:s16] =	ssyncadd.s32 $0xFFFFF000;
	s31 =	smov.u32 s29;
	s0 =	sadd.s32 $0x400, s29  }
0x3c: {  	[tilespmem:s20], [sflag:$0x2] =	stream.indirect.gather [hbm4b:s6+s18], $0x20, s30, s18, $0xb8;
	[tilespmem:$0x1CF00] =	vst v63  }
0x3d: {  	p1 =	sne.s32 s29, $0x4800;
	_ =	swait.ge [sflag:s21], $0x1000  }
0x3e: {  	[sflag:s21] =	ssyncset.done $0x0  }
0x3f: {  	s29 =	sadd.s32 $0x1400, s28;
	[sflag:s21] =	ssyncadd.s32 $0xFFFFF000  }
0x40: {  	[spmem:s1] =	stream.indirect.scatter.add.f32 [tilespmem:s19], [sflag:$0x3], $0x20, s29, s18, $0xb8;
	[tilespmem:$0x1CF00] =	vst v63  }
0x41: {  	_ =	swait.ge [sflag:s16], $0x1000  }
0x42: {  	[sflag:s16] =	ssyncset.done $0x0  }
0x43: {  	s29 =	sadd.s32 $0x100, s28;
	[sflag:s16] =	ssyncadd.s32 $0xFFFFF000  }
0x44: {  	[tilespmem:s19], [sflag:$0x1] =	stream.indirect.gather [hbm4b:s6+s18], $0x20, s29, s18, $0xb8;
	[tilespmem:$0x1CF00] =	vst v63  }
0x45: {  	_ =	swait.ge [sflag:s22], $0x1000  }
.Ltmp0:
0x46: {  	[sflag:s22] =	ssyncset.done $0x0;
	(pc) =	sbr.rel @p1 .LBB2_3-.Ltmp0, $4  }
0x47: {  	s28 =	sadd.s32 $0x1480, s28;
	[sflag:s22] =	ssyncadd.s32 $0xFFFFF000  }
0x48: {  	[spmem:s1] =	stream.indirect.scatter.add.f32 [tilespmem:s20], [sflag:$0x3], $0x20, s28, s18, $0xb8;
	[tilespmem:$0x1CF00] =	vst v63  }
0x49: {  	_ =	swait.ge [sflag:s16], $0x1000  }
0x4a: {  	s29 =	smov.u32 s0;
	s28 =	sshra.s32 s31, $0x2;
	[sflag:s16] =	ssyncset.done $0x0  }
0x4b: {  	s0 =	sadd.s32 $0x80, s28;
	[sflag:s16] =	ssyncadd.s32 $0xFFFFF000  }
0x4c: {  	[tilespmem:s20], [sflag:$0x2] =	stream.indirect.gather [hbm4b:s6+s18], $0x20, s0, s18, $0xb8;
	[tilespmem:$0x1CF00] =	vst v63  }
0x4d: {  	_ =	swait.ge [sflag:s21], $0x1000  }
0x4e: {  	[sflag:s21] =	ssyncset.done $0x0  }
0x4f: {  	s29 =	sadd.s32 $0x1400, s28;
	[sflag:s21] =	ssyncadd.s32 $0xFFFFF000  }
0x50: {  	[spmem:s1] =	stream.indirect.scatter.add.f32 [tilespmem:s19], [sflag:$0x3], $0x20, s29, s18, $0xb8;
	[tilespmem:$0x1CF00] =	vst v63  }
0x51: {  	_ =	swait.ge [sflag:s16], $0x1000  }
0x52: {  	[sflag:s16] =	ssyncset.done $0x0  }
0x53: {  	s30 =	sadd.s32 $0x100, s28;
	[sflag:s16] =	ssyncadd.s32 $0xFFFFF000  }
0x54: {  	[tilespmem:s19], [sflag:$0x1] =	stream.indirect.gather [hbm4b:s6+s18], $0x20, s30, s18, $0xb8;
	[tilespmem:$0x1CF00] =	vst v63  }
0x55: {  	_ =	swait.ge [sflag:s22], $0x1000  }
0x56: {  	[sflag:s22] =	ssyncset.done $0x0  }
0x57: {  	s31 =	sadd.s32 $0x1480, s28;
	[sflag:s22] =	ssyncadd.s32 $0xFFFFF000  }
0x58: {  	[spmem:s1] =	stream.indirect.scatter.add.f32 [tilespmem:s20], [sflag:$0x3], $0x20, s31, s18, $0xb8;
	[tilespmem:$0x1CF00] =	vst v63  }
0x59: {  	_ =	swait.ge [sflag:s16], $0x1000  }
0x5a: {  	[sflag:s16] =	ssyncset.done $0x0  }
0x5b: {  	[sflag:s16] =	ssyncadd.s32 $0xFFFFF000  }
0x5c: {  	[tilespmem:s20], [sflag:$0x2] =	stream.indirect.gather [hbm4b:s6+s18], $0x20, s23, s18, $0xb8;
	[tilespmem:$0x1CF00] =	vst v63  }
0x5d: {  	_ =	swait.ge [sflag:s21], $0x1000  }
0x5e: {  	[sflag:s21] =	ssyncset.done $0x0  }
0x5f: {  	[sflag:s21] =	ssyncadd.s32 $0xFFFFF000  }
0x60: {  	[spmem:s1] =	stream.indirect.scatter.add.f32 [tilespmem:s19], [sflag:$0x3], $0x20, s24, s18, $0xb8;
	[tilespmem:$0x1CF00] =	vst v63  }
0x61: {  	_ =	swait.ge [sflag:s16], $0x1000  }
0x62: {  	[sflag:s16] =	ssyncset.done $0x0  }
0x63: {  	[sflag:s16] =	ssyncadd.s32 $0xFFFFF000  }
0x64: {  	s26 =	sadd.s32 $0x1, s26;
	_ =	swait.ge [sflag:s22], $0x1000  }
0x65: {  	p1 =	sne.s32 s26, $0xA;
	[sflag:s22] =	ssyncset.done $0x0  }
.Ltmp1:
0x66: {  	[sflag:s22] =	ssyncadd.s32 $0xFFFFF000;
	(pc) =	sbr.rel @p1 .LBB2_2-.Ltmp1, $4  }
0x67: {  	[spmem:s1] =	stream.indirect.scatter.add.f32 [tilespmem:s20], [sflag:$0x3], $0x20, s25, s18, $0xb8;
	[tilespmem:$0x1CF00] =	vst v63  }
0x68: {  	_ =	swait.ge [sflag:s16], $0x1000  }
0x69: {  	[sflag:s16] =	ssyncset.done $0x0  }
0x6a: {  	[sflag:s16] =	ssyncadd.s32 $0xFFFFF000  }
0x6b: {  	[bflag:$0x0] =	sbarrier.arrive $0xFFFF;
	s0 =	simm.s32 @p0 $0x1FC3  }
0x6c: {  	[hbm:s9], [sflag:s0] =	dma.local @p0 [spmem:s13], $0x3020  }
0x6d: {  	s0 =	simm.s32 @p0 $0x3  }
0x6e: {  	s2 =	sadd.s32 $0x1, s2;
	_ =	swait.ge @p0 [sflag:s0], $0x3020  }
0x6f: {  	p1 =	sne.s32 s2, s10;
	[sflag:s0] =	ssyncset.done @p0 $0x0  }
.Ltmp2:
0x70: {  	[sflag:s0] =	ssyncadd.s32 @p0 $0xFFFFCFE0;
	s0 =	simm.s32 @!p0 $0x3;
	(pc) =	sbr.rel @p1 .LBB2_1-.Ltmp2, $4  }
0x71: {  	[hbm:s8], [sflag:s14] =	dma.local @!p0 [spmem:s15], $0x30E0  }
0x72: {  	_ =	swait.ge @!p0 [sflag:s0], $0x30E0  }
0x73: {  	[sflag:s0] =	ssyncset.done @!p0 $0x0  }
0x74: {  	[sflag:s0] =	ssyncadd.s32 @!p0 $0xFFFFCF20  }
0x75: {  	_ =	sfence.sel $0x180000  }
0x76: {  	[bflag:$0x0] =	sbarrier.arrive $0xFFFF  }
0x77: {  	_ =	strace $0x90000050  }
0x78: {  	[bflag:$0x2] =	sbarrier.arrive $0xFFFF  }
0x79: {  	p0 =	sne.s32 s3, $0x0;
	s0 =	rddreg [dreg:$0x2]  }
0x7a: {  	s0 =	sadd.s32 @!p0 $0x100000, s0  }
0x7b: {  	[sflag:s0] =	ssyncadd.tile.s32 @!p0 $0x1;
	_ =	shalt  }
.Lfunc_end2:
_tile_overlayer_lowered:
.L_overlay_start_2:
0x7c: {  	(tag) =	ssettag $0x2  }
0x7d: {  	s0 =	rddreg [dreg:$0x0];
	s2 =	stileid.u32  }
0x7e: {  	s1 =	rddreg [dreg:$0x1];
	p0 =	sne.s32 s2, $0x0  }
0x7f: {  	s3 =	rddreg [dreg:$0x2];
	[bflag:$0x3] =	sbarrier.arrive $0xFFFF;
	s2 =	simm.s32 @!p0 $0x1C03  }
0x80: {  	[timem:s3], [sflag:s2] =	dma.local @!p0 [hbm:s0], s1  }
0x81: {  	s0 =	simm.s32 @!p0 $0x3  }
0x82: {  	_ =	swait.ge @!p0 [sflag:s0], s1  }
0x83: {  	s1 =	ssub.s32 @!p0 $0x0, s1;
	[sflag:s0] =	ssyncset.done @!p0 $0x0  }
0x84: {  	[sflag:s0] =	ssyncadd.s32 @!p0 s1  }
0x85: {  	[bflag:$0x3] =	sbarrier.arrive $0xFFFF  }
0x86: {  	_ =	shalt  }

// kernel: kernel.25.cloned.1.call-start
scs
__scs_entry_jumppad:
0x0: {  	(pc) =	sbr.rel $0x88, $3  }
0x1: {  	(tag) =	ssettag $0x0;
	lr =	simm.s32 $0x1  }
0x2: {  	[smem:$0x3F92] =	sst lr;
	_ =	strace $0xD0000000  }
0x3: {  	_ = 	snop  }
0x4: {  	_ = 	snop  }
0x5: {  	_ = 	snop  }
0x6: {  	_ = 	snop  }
0x7: {  	_ = 	snop  }
__scs_overlays_trampoline_lowered:
0x8: {  	[smem:$0x3FA1] =	sst s0  }
0x9: {  	[smem:$0x3FA2] =	sst s1  }
0xa: {  	[smem:$0x3FA3] =	sst s2  }
0xb: {  	[smem:$0x3FA4] =	sst s3  }
0xc: {  	[smem:$0x3FA5] =	sst s4  }
0xd: {  	[smem:$0x3FA6] =	sst s5  }
0xe: {  	[smem:$0x3FA7] =	sst s6  }
0xf: {  	[smem:$0x3FA8] =	sst s7  }
0x10: {  	[smem:$0x3FA9] =	sst s8  }
0x11: {  	[smem:$0x3FAA] =	sst s9;
	s0 =	simm.s32 @!p0 $0x0  }
0x12: {  	s1 =	sld [smem:$0x3F90];
	s0 =	simm.s32 @p0 $0x1  }
0x13: {  	[smem:$0x3FAB] =	sst s0;
	s0 =	simm.s32 @!p1 $0x0  }
0x14: {  	s2 =	sld [smem:$0x3F8F];
	s0 =	simm.s32 @p1 $0x1  }
0x15: {  	[smem:$0x3FAC] =	sst s0;
	s0 =	simm.s32 @!p2 $0x0  }
0x16: {  	s3 =	sld [smem:$0x3FDB];
	s0 =	simm.s32 @p2 $0x1  }
0x17: {  	s4 =	simm.s32 $0x1BF5;
	[smem:$0x3FAE] =	sst s0  }
0x18: {  	s0 =	sld [smem:$0x3F91];
	_ =	swait.ge [sflag:s4], $0x0  }
0x19: {  	s7 =	sld [smem:$0x3F92]  }
0x1a: {  	s8 =	sadd.s32 $0xFFFFE003, lr  }
0x1b: {  	s9 =	sadd.s32 $0xFFFFFEF7, lr;
	s5 =	simm.s32 $0xFFFFFFFF;
	p2 =	slt.u32 s8, $0xFFFFF086  }
0x1c: {  	p1 =	slt.u32 s9, $0xF7A;
	s5 =	simm.s32 @!p2 $0x0  }
0x1d: {  	s5 =	simm.s32 @p1 $0x1;
	p0 =	seq.s32 s7, s2  }
0x1e: {  	s7 =	smul.u32 @!p0 $0xF7A, s2;
	p2 =	seq.s32 @!p0 s5, $0x0  }
0x1f: {  	s9 =	smul.u32 $0xF7A, s1;
	s8 =	simm.s32 @!p0 $0x1BF5;
	p2 =	por !p2, p0  }
0x20: {  	[sflag:s8] =	ssyncset.s32 @!p0 $0xFFFFF086;
	s6 =	sadd.s32 @!p0 s3, s7;
	s7 =	simm.s32 @!p0 $0x108  }
0x21: {  	s3 =	sadd.s32 s3, s9;
	s6 =	sadd.s32 @!p0 $0x88, s6;
	s7 =	simm.s32 @p2 $0x1082  }
0x22: {  	[simem:s7], [sflag:s8] =	dma.local @!p0 [hbm:s6], $0xF7A  }
0x23: {  	s9 =	sor.u32 $0xD0000000, s2;
	s6 =	simm.s32 $0x108;
	_ =	swait.ge @!p0 [sflag:s8], $0x0  }
0x24: {  	s3 =	sadd.s32 $0x88, s3;
	s6 =	simm.s32 @!p1 $0x1082;
	[sflag:s4] =	ssyncset.s32 $0xFFFFF086  }
0x25: {  	[simem:s6], [sflag:s4] =	dma.local [hbm:s3], $0xF7A  }
0x26: {  	[smem:$0x3F92] =	sst s1;
	(tag) =	ssettag s2;
	_ =	strace s9  }
0x27: {  	s1 =	sld [smem:$0x3FA2]  }
0x28: {  	s2 =	sld [smem:$0x3FA3]  }
0x29: {  	s4 =	sld [smem:$0x3FA5]  }
0x2a: {  	p0 =	seq.s32 s5, $0x0;
	s5 =	sld [smem:$0x3FA6]  }
0x2b: {  	s6 =	sld [smem:$0x3FA7]  }
0x2c: {  	s7 =	sld [smem:$0x3FA8]  }
0x2d: {  	s3 =	simm.s32 $0x108;
	s8 =	sld [smem:$0x3FA9]  }
0x2e: {  	s3 =	simm.s32 @!p0 $0x1082;
	s9 =	sld [smem:$0x3FAA]  }
0x2f: {  	lr =	sadd.s32 s0, s3;
	s0 =	sld [smem:$0x3FA1]  }
0x30: {  	s3 =	sld [smem:$0x3FA4]  }
0x31: {  	[smem:$0x3FAD] =	sst s10  }
0x32: {  	s10 =	sld [smem:$0x3FAB];
	_ =	sdelay $0x3  }
0x33: {  	p0 =	seq.s32 s10, $0x1;
	s10 =	sld [smem:$0x3FAD];
	_ =	sdelay $0x3  }
0x34: {  	[smem:$0x3FAD] =	sst s10  }
0x35: {  	s10 =	sld [smem:$0x3FAC];
	_ =	sdelay $0x3  }
0x36: {  	p1 =	seq.s32 s10, $0x1;
	s10 =	sld [smem:$0x3FAD];
	_ =	sdelay $0x3  }
0x37: {  	[smem:$0x3FAD] =	sst s10  }
0x38: {  	s10 =	sld [smem:$0x3FAE]  }
0x39: {  	_ = 	snop;
	(pc) =	sbr.ind lr, $3  }
0x3a: {  	_ = 	snop  }
0x3b: {  	_ = 	snop  }
0x3c: {  	p2 =	seq.s32 s10, $0x1;
	s10 =	sld [smem:$0x3FAD]  }
0x3d: {  	_ =	shalt  }
0x3e: {  	_ =	shalt  }
0x3f: {  	_ =	shalt  }
0x40: {  	_ =	shalt  }
0x41: {  	_ =	shalt  }
0x42: {  	_ =	shalt  }
0x43: {  	_ =	shalt  }
0x44: {  	_ =	shalt  }
0x45: {  	_ =	shalt  }
0x46: {  	_ =	shalt  }
0x47: {  	_ =	shalt  }
0x48: {  	_ =	shalt  }
0x49: {  	_ =	shalt  }
0x4a: {  	_ =	shalt  }
0x4b: {  	_ =	shalt  }
0x4c: {  	_ =	shalt  }
0x4d: {  	_ =	shalt  }
0x4e: {  	_ =	shalt  }
0x4f: {  	_ =	shalt  }
0x50: {  	_ =	shalt  }
0x51: {  	_ =	shalt  }
0x52: {  	_ =	shalt  }
0x53: {  	_ =	shalt  }
0x54: {  	_ =	shalt  }
0x55: {  	_ =	shalt  }
0x56: {  	_ =	shalt  }
0x57: {  	_ =	shalt  }
0x58: {  	_ =	shalt  }
0x59: {  	_ =	shalt  }
0x5a: {  	_ =	shalt  }
0x5b: {  	_ =	shalt  }
0x5c: {  	_ =	shalt  }
0x5d: {  	_ =	shalt  }
0x5e: {  	_ =	shalt  }
0x5f: {  	_ =	shalt  }
0x60: {  	_ =	shalt  }
0x61: {  	_ =	shalt  }
0x62: {  	_ =	shalt  }
0x63: {  	_ =	shalt  }
0x64: {  	_ =	shalt  }
0x65: {  	_ =	shalt  }
0x66: {  	_ =	shalt  }
0x67: {  	_ =	shalt  }
0x68: {  	_ =	shalt  }
0x69: {  	_ =	shalt  }
0x6a: {  	_ =	shalt  }
0x6b: {  	_ =	shalt  }
0x6c: {  	_ =	shalt  }
0x6d: {  	_ =	shalt  }
0x6e: {  	_ =	shalt  }
0x6f: {  	_ =	shalt  }
0x70: {  	_ =	shalt  }
0x71: {  	_ =	shalt  }
0x72: {  	_ =	shalt  }
0x73: {  	_ =	shalt  }
0x74: {  	_ =	shalt  }
0x75: {  	_ =	shalt  }
0x76: {  	_ =	shalt  }
0x77: {  	_ =	shalt  }
0x78: {  	_ =	shalt  }
0x79: {  	_ =	shalt  }
0x7a: {  	_ =	shalt  }
0x7b: {  	_ =	shalt  }
0x7c: {  	_ =	shalt  }
0x7d: {  	_ =	shalt  }
0x7e: {  	_ =	shalt  }
0x7f: {  	_ =	shalt  }
0x80: {  	_ =	shalt  }
0x81: {  	_ =	shalt  }
0x82: {  	_ =	shalt  }
0x83: {  	_ =	shalt  }
0x84: {  	_ =	shalt  }
0x85: {  	_ =	shalt  }
0x86: {  	_ =	shalt  }
0x87: {  	_ =	shalt  }
.Lfunc_end0:
.L_simem_size_0:
called_computation.4_lowered:
.L_overlay_start_0:
0x88: {  	s2 =	sld [smem:$0x3FD9]  }
0x89: {  	s3 =	sld [smem:$0x3FFE];
	_ =	sdelay $0x1  }
0x8a: {  	s1 =	srdreg.scid  }
0x8b: {  	s0 =	sand.u32 $0x1, s1  }
0x8c: {  	s16 =	sshll.u32 s0, $0xA;
	s2 =	sadd.s32 s3, s2  }
0x8d: {  	s2 =	sadd.s32 s2, s16  }
0x8e: {  	[smem:$0x3FB9] =	sst s2  }
0x8f: {  	_ = 	snop  }
0x90: {  	(tm) =	ssettm $0x1  }
0x91: {  	s17 =	sld [smem:$0x3FFB];
	_ =	sdelay $0x3  }
0x92: {  	_ =	strace s17  }
0x93: {  	s2 =	sld [smem:$0x3FFC];
	_ =	sdelay $0x3  }
0x94: {  	_ =	strace s2  }
0x95: {  	s2 =	sld [smem:$0x3FFD];
	_ =	sdelay $0x3  }
0x96: {  	_ =	strace s2  }
0x97: {  	_ =	strace $0x8FFFFFFF  }
0x98: {  	s18 =	sld [smem:$0x3FDB];
	_ =	sdelay $0x1  }
0x99: {  	s19 =	simm.s32 $_scs_section_size  }
0x9a: {  	s4 =	simm.s32 $_size__tile_overlayer_lowered;
	s5 =	simm.s32 $_tile_overlayer_lowered  }
0x9b: {  	s22 =	simm.s32 $0x1BFF;
	s21 =	sshll.u32 s5, $0x1;
	s2 =	sadd.s32 s19, s18  }
0x9c: {  	s6 =	simm.s32 $0x0;
	s20 =	sshll.u32 s4, $0x1;
	s4 =	sadd.s32 s21, s2  }
0x9d: {  	[timem:s6], [sflag:s22] =	dma.local [hbm:s4], s20  }
0x9e: {  	_ =	swait.ge [sflag:s22], s20  }
0x9f: {  	s3 =	ssub.s32 $0x0, s20;
	[sflag:s22] =	ssyncset.done $0x0  }
0xa0: {  	[sflag:s22] =	ssyncadd.s32 s3;
	_ =	sdelay $0x1  }
0xa1: {  	s23 =	simm.s32 $0x1B8B  }
0xa2: {  	_ =	swait.ge [sflag:s23], $0x1  }
0xa3: {  	[sflag:s23] =	ssyncset.done $0x0  }
0xa4: {  	s25 =	simm.s32 $0x1B8E;
	s24 =	sld [smem:$0x3FFE];
	[sflag:s23] =	ssyncadd.s32 $0xFFFFFFFF  }
0xa5: {  	s26 =	simm.s32 $execute0_lowered;
	[smem:$0x3FD2] =	sst s25  }
0xa6: {  	s4 =	sshll.u32 s26, $0x1;
	_ =	strace $0x80000052;
	[dreg:$0x1] =	wrdreg $0xFFFFFFFF  }
0xa7: {  	s28 =	simm.s32 $_size_execute0_lowered;
	s2 =	sadd.s32 s2, s4;
	[dreg:$0x0] =	wrdreg $0x0  }
0xa8: {  	s4 =	sshll.u32 s28, $0x1;
	[dreg:$0x2] =	wrdreg s2  }
0xa9: {  	[dreg:$0x3] =	wrdreg s4  }
0xaa: {  	[dreg:$0x4] =	wrdreg $0xC0  }
0xab: {  	_ =	task [dreg:s6], $0x5FFFF  }
0xac: {  	[dreg:$0x1] =	wrdreg $0xFFFFFFFF  }
0xad: {  	[dreg:$0x0] =	wrdreg $0x60  }
0xae: {  	[dreg:$0x2] =	wrdreg s24  }
0xaf: {  	[dreg:$0x3] =	wrdreg $0x48000  }
0xb0: {  	[dreg:$0x4] =	wrdreg $0x9  }
0xb1: {  	_ =	task.clear_ibuf [dreg:s6], $0x5FFFF;
	_ =	strace $0x90000052  }
0xb2: {  	s29 =	simm.s32 $0x9;
	_ =	strace $0x80000054  }
0xb3: {  	_ =	swait.ge [sflag:s29], $0x1  }
0xb4: {  	[sflag:s29] =	ssyncadd.s32 $0xFFFFFFFF  }
0xb5: {  	_ =	strace $0x90000054  }
0xb6: {  	_ =	sfence  }
0xb7: {  	s30 =	sld [smem:$0x0];
	_ =	sdelay $0x2  }
0xb8: {  	s31 =	sshll.u32 s1, $0xD;
	s1 =	sshrl.u32 s1, $0x2  }
0xb9: {  	s3 =	sand.u32 $0x4000, s31;
	s1 =	sadd.s32 s1, s30  }
0xba: {  	s0 =	sor.u32 s3, s0;
	s1 =	sshll.u32 s1, $0x11  }
0xbb: {  	s0 =	sor.u32 s1, s0  }
0xbc: {  	s0 =	sadd.s32 $0x8F2B, s0  }
0xbd: {  	[sflag:s0] =	ssyncadd.remote.s32 $0x1  }
0xbe: {  	_ =	sfence.sel $0xFFFF  }
0xbf: {  	[dreg:$0x0] =	wrdreg $0xFFFFFFFF;
	(pc) =	sbr.abs _section_cstart, $3  }
0xc0: {  	[dreg:$0x1] =	wrdreg $0xFFFFFFFF  }
0xc1: {  	_ =	task.clear_ibuf [dreg:s6], $0x2FFFF;
	_ =	strace $0x9FFFFFFF  }
0xc2: {  	(tm) =	ssettm $0x7FFFFFFF  }
0xc3: {  	_ =	shalt  }
tec
execute0_lowered:
.L_overlay_start_1:
0x0: {  	(tag) =	ssettag $0x1  }
0x1: {  	s6 =	rddreg [dreg:$0x0]  }
0x2: {  	s1 =	rddreg [dreg:$0x1]  }
0x3: {  	s3 =	srdreg.scid;
	s2 =	simm.s32 $0x0;
	s16 =	simm.s32 $0x3  }
0x4: {  	s17 =	simm.s32 $0x1400;
	s18 =	simm.s32 $0x80;
	s19 =	simm.s32 $0x2800  }
0x5: {  	s20 =	simm.s32 $0x3800;
	s21 =	simm.s32 $0x1;
	s22 =	simm.s32 $0x2  }
0x6: {  	s23 =	simm.s32 $0x1380;
	s24 =	simm.s32 $0x2700;
	s25 =	simm.s32 $0x2780  }
0x7: {  	s7 =	sand.u32 $0x1, s3;
	[smem:$0x7FF] =	sst s2;
	s4 =	sadd.s32 $0x10FC00, s6  }
0x8: {  	s5 =	sadd.s32 $0x2800, s6;
	s10 =	sadd.s32 $0x7D400, s6;
	s3 =	smul.u32 $0x30D40, s7  }
0x9: {  	s14 =	sadd.s32 $0x16E900, s1;
	s8 =	ssub.s32 $0x2, s7;
	s7 =	smul.u32 $0x186A00, s7  }
0xa: {  	s29 =	sshrl.u32 s8, $0x1;
	s12 =	sadd.s32 s3, s6;
	s3 =	stileid.u32  }
0xb: {  	_ =	strace $0x80000053;
	s11 =	ssub.s32 s8, s29;
	s9 =	smul.u32 $0x18700, s3  }
0xc: {  	s6 =	sadd.s32 $0x1B800, s12;
	p0 =	seq.s32 s3, $0xF;
	s12 =	sadd.s32 $0x49520, s12  }
0xd: {  	s15 =	sadd.s32 s9, s1;
	s30 =	sadd.s32 s9, s7;
	s7 =	sshrl.u32 s7, $0x3  }
0xe: {  	s13 =	sshrl.u32 s9, $0x3;
	s8 =	sshrl.u32 s30, $0x3;
	s31 =	sadd.s32 s10, s7  }
0xf: {  	s7 =	smul.u32 $0x190, s3;
	s8 =	sadd.s32 s10, s8;
	s10 =	smax.u32 s11, $0x1  }
0x10: {  	s11 =	sadd.s32 s13, s6;
	s13 =	sshrl.u32 @p0 s14, $0x3;
	s14 =	sshll.u32 @!p0 s3, $0x6  }
0x11: {  	s15 =	sshrl.u32 @!p0 s15, $0x3;
	s9 =	sadd.s32 $0x2DD20, s31;
	s14 =	sor.u32 @!p0 $0x1C03, s14  }
.LBB2_1:
0x12: {  	s26 =	simm.s32 @p0 $0x1FC3  }
0x13: {  	[spmem:s13], [sflag:s26] =	dma.local @p0 [hbm:s12], $0x3020  }
0x14: {  	s26 =	simm.s32 @p0 $0x3  }
0x15: {  	_ =	swait.ge @p0 [sflag:s26], $0x3020  }
0x16: {  	[sflag:s26] =	ssyncset.done @p0 $0x0  }
0x17: {  	[sflag:s26] =	ssyncadd.s32 @p0 $0xFFFFCFE0;
	s26 =	simm.s32 @!p0 $0x3  }
0x18: {  	[spmem:s15], [sflag:s14] =	dma.local @!p0 [hbm:s11], $0x30E0  }
0x19: {  	_ =	swait.ge @!p0 [sflag:s26], $0x30E0  }
0x1a: {  	[sflag:s26] =	ssyncset.done @!p0 $0x0  }
0x1b: {  	[sflag:s26] =	ssyncadd.s32 @!p0 $0xFFFFCF20  }
0x1c: {  	s26 =	simm.s32 $0x0;
	[bflag:$0x0] =	sbarrier.arrive $0xFFFF  }
.LBB2_2:
0x1d: {  	s28 =	smul.u32 $0x28, s26;
	_ =	sdelay $0x1  }
0x1e: {  	s28 =	sadd.s32 s7, s28  }
0x1f: {  	s28 =	sshll.u32 s28, $0x4  }
0x20: {  	s30 =	simm.s32 $0x0;
	s29 =	sadd.s32 s4, s28  }
0x21: {  	[tilespmem:s30], [sflag:$0x3] =	stream.linear.gather [hbm4b:s29+s30], $0x1400, $0x38;
	[tilespmem:$0x1CF00] =	vst v63  }
0x22: {  	_ =	swait.ge [sflag:s16], $0x1400  }
0x23: {  	[sflag:s16] =	ssyncset.done $0x0  }
0x24: {  	s28 =	sadd.s32 s5, s28;
	[sflag:s16] =	ssyncadd.s32 $0xFFFFEC00  }
0x25: {  	[tilespmem:s17], [sflag:$0x3] =	stream.linear.gather [hbm4b:s28+s30], $0x1400, $0x38;
	[tilespmem:$0x1CF00] =	vst v63  }
0x26: {  	_ =	swait.ge [sflag:s16], $0x1400  }
0x27: {  	[sflag:s16] =	ssyncset.done $0x0  }
0x28: {  	[sflag:s16] =	ssyncadd.s32 $0xFFFFEC00  }
0x29: {  	[tilespmem:s19], [sflag:$0x1] =	stream.indirect.gather [hbm4b:s6+s18], $0x20, s30, s18, $0xb8;
	[tilespmem:$0x1CF00] =	vst v63  }
0x2a: {  	s28 =	simm.s32 $0x80  }
0x2b: {  	[tilespmem:s20], [sflag:$0x2] =	stream.indirect.gather [hbm4b:s6+s18], $0x20, s28, s18, $0xb8;
	[tilespmem:$0x1CF00] =	vst v63  }
0x2c: {  	_ =	swait.ge [sflag:s21], $0x1000  }
0x2d: {  	[sflag:s21] =	ssyncset.done $0x0  }
0x2e: {  	s28 =	simm.s32 $0x1400;
	[sflag:s21] =	ssyncadd.s32 $0xFFFFF000  }
0x2f: {  	[spmem:s1] =	stream.indirect.scatter.add.f32 [tilespmem:s19], [sflag:$0x3], $0x20, s28, s18, $0xb8;
	[tilespmem:$0x1CF00] =	vst v63  }
0x30: {  	_ =	swait.ge [sflag:s16], $0x1000  }
0x31: {  	[sflag:s16] =	ssyncset.done $0x0  }
0x32: {  	s28 =	simm.s32 $0x100;
	[sflag:s16] =	ssyncadd.s32 $0xFFFFF000  }
0x33: {  	[tilespmem:s19], [sflag:$0x1] =	stream.indirect.gather [hbm4b:s6+s18], $0x20, s28, s18, $0xb8;
	[tilespmem:$0x1CF00] =	vst v63  }
0x34: {  	_ =	swait.ge [sflag:s22], $0x1000  }
0x35: {  	[sflag:s22] =	ssyncset.done $0x0  }
0x36: {  	s28 =	simm.s32 $0x1480;
	[sflag:s22] =	ssyncadd.s32 $0xFFFFF000  }
0x37: {  	[spmem:s1] =	stream.indirect.scatter.add.f32 [tilespmem:s20], [sflag:$0x3], $0x20, s28, s18, $0xb8;
	[tilespmem:$0x1CF00] =	vst v63  }
0x38: {  	_ =	swait.ge [sflag:s16], $0x1000  }
0x39: {  	s29 =	simm.s32 $0x800;
	s28 =	simm.s32 $0x100;
	[sflag:s16] =	ssyncset.done $0x0  }
.LBB2_3:
0x3a: {  	s30 =	sadd.s32 $0x80, s28  }
0x3b: {  	[sflag:s16] =	ssyncadd.s32 $0xFFFFF000;
	s31 =	smov.u32 s29;
	s0 =	sadd.s32 $0x400, s29  }
0x3c: {  	[tilespmem:s20], [sflag:$0x2] =	stream.indirect.gather [hbm4b:s6+s18], $0x20, s30, s18, $0xb8;
	[tilespmem:$0x1CF00] =	vst v63  }
0x3d: {  	p1 =	sne.s32 s29, $0x4800;
	_ =	swait.ge [sflag:s21], $0x1000  }
0x3e: {  	[sflag:s21] =	ssyncset.done $0x0  }
0x3f: {  	s29 =	sadd.s32 $0x1400, s28;
	[sflag:s21] =	ssyncadd.s32 $0xFFFFF000  }
0x40: {  	[spmem:s1] =	stream.indirect.scatter.add.f32 [tilespmem:s19], [sflag:$0x3], $0x20, s29, s18, $0xb8;
	[tilespmem:$0x1CF00] =	vst v63  }
0x41: {  	_ =	swait.ge [sflag:s16], $0x1000  }
0x42: {  	[sflag:s16] =	ssyncset.done $0x0  }
0x43: {  	s29 =	sadd.s32 $0x100, s28;
	[sflag:s16] =	ssyncadd.s32 $0xFFFFF000  }
0x44: {  	[tilespmem:s19], [sflag:$0x1] =	stream.indirect.gather [hbm4b:s6+s18], $0x20, s29, s18, $0xb8;
	[tilespmem:$0x1CF00] =	vst v63  }
0x45: {  	_ =	swait.ge [sflag:s22], $0x1000  }
.Ltmp0:
0x46: {  	[sflag:s22] =	ssyncset.done $0x0;
	(pc) =	sbr.rel @p1 .LBB2_3-.Ltmp0, $4  }
0x47: {  	s28 =	sadd.s32 $0x1480, s28;
	[sflag:s22] =	ssyncadd.s32 $0xFFFFF000  }
0x48: {  	[spmem:s1] =	stream.indirect.scatter.add.f32 [tilespmem:s20], [sflag:$0x3], $0x20, s28, s18, $0xb8;
	[tilespmem:$0x1CF00] =	vst v63  }
0x49: {  	_ =	swait.ge [sflag:s16], $0x1000  }
0x4a: {  	s29 =	smov.u32 s0;
	s28 =	sshra.s32 s31, $0x2;
	[sflag:s16] =	ssyncset.done $0x0  }
0x4b: {  	s0 =	sadd.s32 $0x80, s28;
	[sflag:s16] =	ssyncadd.s32 $0xFFFFF000  }
0x4c: {  	[tilespmem:s20], [sflag:$0x2] =	stream.indirect.gather [hbm4b:s6+s18], $0x20, s0, s18, $0xb8;
	[tilespmem:$0x1CF00] =	vst v63  }
0x4d: {  	_ =	swait.ge [sflag:s21], $0x1000  }
0x4e: {  	[sflag:s21] =	ssyncset.done $0x0  }
0x4f: {  	s29 =	sadd.s32 $0x1400, s28;
	[sflag:s21] =	ssyncadd.s32 $0xFFFFF000  }
0x50: {  	[spmem:s1] =	stream.indirect.scatter.add.f32 [tilespmem:s19], [sflag:$0x3], $0x20, s29, s18, $0xb8;
	[tilespmem:$0x1CF00] =	vst v63  }
0x51: {  	_ =	swait.ge [sflag:s16], $0x1000  }
0x52: {  	[sflag:s16] =	ssyncset.done $0x0  }
0x53: {  	s30 =	sadd.s32 $0x100, s28;
	[sflag:s16] =	ssyncadd.s32 $0xFFFFF000  }
0x54: {  	[tilespmem:s19], [sflag:$0x1] =	stream.indirect.gather [hbm4b:s6+s18], $0x20, s30, s18, $0xb8;
	[tilespmem:$0x1CF00] =	vst v63  }
0x55: {  	_ =	swait.ge [sflag:s22], $0x1000  }
0x56: {  	[sflag:s22] =	ssyncset.done $0x0  }
0x57: {  	s31 =	sadd.s32 $0x1480, s28;
	[sflag:s22] =	ssyncadd.s32 $0xFFFFF000  }
0x58: {  	[spmem:s1] =	stream.indirect.scatter.add.f32 [tilespmem:s20], [sflag:$0x3], $0x20, s31, s18, $0xb8;
	[tilespmem:$0x1CF00] =	vst v63  }
0x59: {  	_ =	swait.ge [sflag:s16], $0x1000  }
0x5a: {  	[sflag:s16] =	ssyncset.done $0x0  }
0x5b: {  	[sflag:s16] =	ssyncadd.s32 $0xFFFFF000  }
0x5c: {  	[tilespmem:s20], [sflag:$0x2] =	stream.indirect.gather [hbm4b:s6+s18], $0x20, s23, s18, $0xb8;
	[tilespmem:$0x1CF00] =	vst v63  }
0x5d: {  	_ =	swait.ge [sflag:s21], $0x1000  }
0x5e: {  	[sflag:s21] =	ssyncset.done $0x0  }
0x5f: {  	[sflag:s21] =	ssyncadd.s32 $0xFFFFF000  }
0x60: {  	[spmem:s1] =	stream.indirect.scatter.add.f32 [tilespmem:s19], [sflag:$0x3], $0x20, s24, s18, $0xb8;
	[tilespmem:$0x1CF00] =	vst v63  }
0x61: {  	_ =	swait.ge [sflag:s16], $0x1000  }
0x62: {  	[sflag:s16] =	ssyncset.done $0x0  }
0x63: {  	[sflag:s16] =	ssyncadd.s32 $0xFFFFF000  }
0x64: {  	s26 =	sadd.s32 $0x1, s26;
	_ =	swait.ge [sflag:s22], $0x1000  }
0x65: {  	p1 =	sne.s32 s26, $0xA;
	[sflag:s22] =	ssyncset.done $0x0  }
.Ltmp1:
0x66: {  	[sflag:s22] =	ssyncadd.s32 $0xFFFFF000;
	(pc) =	sbr.rel @p1 .LBB2_2-.Ltmp1, $4  }
0x67: {  	[spmem:s1] =	stream.indirect.scatter.add.f32 [tilespmem:s20], [sflag:$0x3], $0x20, s25, s18, $0xb8;
	[tilespmem:$0x1CF00] =	vst v63  }
0x68: {  	_ =	swait.ge [sflag:s16], $0x1000  }
0x69: {  	[sflag:s16] =	ssyncset.done $0x0  }
0x6a: {  	[sflag:s16] =	ssyncadd.s32 $0xFFFFF000  }
0x6b: {  	[bflag:$0x0] =	sbarrier.arrive $0xFFFF;
	s0 =	simm.s32 @p0 $0x1FC3  }
0x6c: {  	[hbm:s9], [sflag:s0] =	dma.local @p0 [spmem:s13], $0x3020  }
0x6d: {  	s0 =	simm.s32 @p0 $0x3  }
0x6e: {  	s2 =	sadd.s32 $0x1, s2;
	_ =	swait.ge @p0 [sflag:s0], $0x3020  }
0x6f: {  	p1 =	sne.s32 s2, s10;
	[sflag:s0] =	ssyncset.done @p0 $0x0  }
.Ltmp2:
0x70: {  	[sflag:s0] =	ssyncadd.s32 @p0 $0xFFFFCFE0;
	s0 =	simm.s32 @!p0 $0x3;
	(pc) =	sbr.rel @p1 .LBB2_1-.Ltmp2, $4  }
0x71: {  	[hbm:s8], [sflag:s14] =	dma.local @!p0 [spmem:s15], $0x30E0  }
0x72: {  	_ =	swait.ge @!p0 [sflag:s0], $0x30E0  }
0x73: {  	[sflag:s0] =	ssyncset.done @!p0 $0x0  }
0x74: {  	[sflag:s0] =	ssyncadd.s32 @!p0 $0xFFFFCF20  }
0x75: {  	_ =	sfence.sel $0x180000  }
0x76: {  	[bflag:$0x0] =	sbarrier.arrive $0xFFFF  }
0x77: {  	_ =	strace $0x90000053  }
0x78: {  	[bflag:$0x2] =	sbarrier.arrive $0xFFFF  }
0x79: {  	p0 =	sne.s32 s3, $0x0;
	s0 =	rddreg [dreg:$0x2]  }
0x7a: {  	s0 =	sadd.s32 @!p0 $0x100000, s0  }
0x7b: {  	[sflag:s0] =	ssyncadd.tile.s32 @!p0 $0x1;
	_ =	shalt  }
.Lfunc_end2:
_tile_overlayer_lowered:
.L_overlay_start_2:
0x7c: {  	(tag) =	ssettag $0x2  }
0x7d: {  	s0 =	rddreg [dreg:$0x0];
	s2 =	stileid.u32  }
0x7e: {  	s1 =	rddreg [dreg:$0x1];
	p0 =	sne.s32 s2, $0x0  }
0x7f: {  	s3 =	rddreg [dreg:$0x2];
	[bflag:$0x3] =	sbarrier.arrive $0xFFFF;
	s2 =	simm.s32 @!p0 $0x1C03  }
0x80: {  	[timem:s3], [sflag:s2] =	dma.local @!p0 [hbm:s0], s1  }
0x81: {  	s0 =	simm.s32 @!p0 $0x3  }
0x82: {  	_ =	swait.ge @!p0 [sflag:s0], s1  }
0x83: {  	s1 =	ssub.s32 @!p0 $0x0, s1;
	[sflag:s0] =	ssyncset.done @!p0 $0x0  }
0x84: {  	[sflag:s0] =	ssyncadd.s32 @!p0 s1  }
0x85: {  	[bflag:$0x3] =	sbarrier.arrive $0xFFFF  }
0x86: {  	_ =	shalt  }

</sc_bundles>
